<compile_context>
chip_gen: v7x
topology: tpu7x:2x2x1
jax: 0.10.2.dev20260603
libtpu: 0.0.44.dev20260713+nightly
codegen_flags: <defaults>
</compile_context>

<pallas_src>
import functools

import jax
import jax.numpy as jnp
from jax import lax
from jax.experimental import pallas as pl
from jax.experimental.pallas import tpu as pltpu
from jax.experimental.pallas import tpu_sc as plsc

_TM = 256
_NW = 32


def _matmul_body(te_ref, xs_ref, wgu_ref, wd_ref, gua_ref, gub_ref,
                 dat_ref, dbt_ref, out_ref, *, inter, nt):
    g = pl.program_id(0)
    n_used = te_ref[nt]

    @pl.when(g < n_used)
    def _work():
        x = xs_ref[...]
        gu = jnp.dot(x, wgu_ref[0], preferred_element_type=jnp.float32)

        cdim = (((1,), (1,)), ((), ()))
        xab = lax.dot_general(x, gua_ref[0], cdim,
                              preferred_element_type=jnp.float32)
        lgu = jnp.dot(xab, gub_ref[0], preferred_element_type=jnp.float32)
        gu = gu + lgu

        gate = gu[:, :inter]
        up = gu[:, inter:]
        act = jax.nn.silu(gate) * up

        y = jnp.dot(act, wd_ref[0], preferred_element_type=jnp.float32)
        xda = lax.dot_general(act, dat_ref[0], cdim,
                              preferred_element_type=jnp.float32)
        y = y + lax.dot_general(xda, dbt_ref[0], cdim,
                                preferred_element_type=jnp.float32)
        out_ref[...] = y


def kernel(hidden_states, topk_ids, topk_weights, gate_a, gate_b, up_a, up_b,
           down_a, down_b, weight_indices, seq_lens, lora_ranks, scalings,
           base_gate_up_weight, base_down_weight):
    T, H = hidden_states.shape
    E, _, I2 = base_gate_up_weight.shape
    inter = I2 // 2
    R = gate_a.shape[2]
    K = topk_ids.shape[1]
    TK = T * K
    tm = _TM
    nt = TK // tm + E
    P = nt * tm

    e_flat = topk_ids.reshape(-1).astype(jnp.int32)
    oh = (e_flat[:, None] == jnp.arange(E, dtype=jnp.int32)[None, :])
    csum = jnp.cumsum(oh.astype(jnp.int32), axis=0)
    counts = csum[-1]
    padded = ((counts + tm - 1) // tm) * tm
    cpad = jnp.cumsum(padded)
    pad_start = cpad - padded
    grp_start = jnp.cumsum(counts) - counts

    rank_flat = jnp.take_along_axis(csum, e_flat[:, None], axis=1)[:, 0] - 1
    pair_pos = (pad_start[e_flat] + rank_flat).reshape(T, K)

    order = jnp.argsort(e_flat).astype(jnp.int32)

    n_used = (cpad[E - 1] // tm).astype(jnp.int32)
    g_idx = jnp.arange(nt, dtype=jnp.int32)
    tile_expert = jnp.minimum(
        jnp.sum(g_idx[:, None] >= (cpad // tm)[None, :], axis=1,
                dtype=jnp.int32),
        E - 1).astype(jnp.int32)

    slot = jnp.arange(P, dtype=jnp.int32)
    ep = jnp.repeat(tile_expert, tm)
    srank = slot - pad_start[ep]
    valid = (srank >= 0) & (srank < counts[ep])
    src = jnp.clip(grp_start[ep] + srank, 0, TK - 1)
    tok_pad = jnp.where(valid, order[src] // K, slot % T)
    te_arr = jnp.concatenate([tile_expert, n_used[None]])

    adapter = weight_indices[0]
    s = scalings[adapter].astype(jnp.float32)
    gat = lax.dynamic_index_in_dim(gate_a, adapter, 0, False)
    uat = lax.dynamic_index_in_dim(up_a, adapter, 0, False)
    gbt = s * lax.dynamic_index_in_dim(gate_b, adapter, 0, False)
    ubt = s * lax.dynamic_index_in_dim(up_b, adapter, 0, False)
    dat = lax.dynamic_index_in_dim(down_a, adapter, 0, False)
    dbt = s * lax.dynamic_index_in_dim(down_b, adapter, 0, False)
    gua = jnp.concatenate([gat, uat], axis=1)
    gub = jnp.zeros((E, 2 * R, I2), jnp.float32)
    gub = lax.dynamic_update_slice(gub, gbt.transpose(0, 2, 1), (0, 0, 0))
    gub = lax.dynamic_update_slice(gub, ubt.transpose(0, 2, 1), (0, R, inter))

    x32 = hidden_states.astype(jnp.float32)
    mesh = plsc.VectorSubcoreMesh(core_axis_name="c", subcore_axis_name="s")

    rpw = P // _NW
    chunk = 64
    nchunk = rpw // chunk
    L = 16

    @functools.partial(
        pl.kernel, mesh=mesh,
        out_type=jax.ShapeDtypeStruct((P, H), jnp.float32),
        scratch_types=[pltpu.VMEM((2, chunk), jnp.int32),
                       pltpu.VMEM((2, chunk, H), jnp.float32),
                       pltpu.SemaphoreType.DMA,
                       pltpu.SemaphoreType.DMA])
    def gather_rows(x_hbm, idx_hbm, out_hbm, idx_v, rows_v, sem0, sem1):
        wid = lax.axis_index("s") * 2 + lax.axis_index("c")
        base = wid * rpw
        sems = (sem0, sem1)
        copies = [None, None]

        def issue(c):
            b = c % 2
            pltpu.sync_copy(idx_hbm.at[pl.ds(base + c * chunk, chunk)],
                            idx_v.at[b])
            copies[b] = pltpu.async_copy(x_hbm.at[idx_v.at[b]], rows_v.at[b],
                                         sems[b])

        issue(0)
        for c in range(nchunk):
            if c + 1 < nchunk:
                issue(c + 1)
            b = c % 2
            copies[b].wait()
            pltpu.sync_copy(rows_v.at[b],
                            out_hbm.at[pl.ds(base + c * chunk, chunk)])

    xs = gather_rows(x32, tok_pad)

    grid_spec = pltpu.PrefetchScalarGridSpec(
        num_scalar_prefetch=1,
        grid=(nt,),
        in_specs=[
            pl.BlockSpec((tm, H), lambda g, te: (g, 0)),
            pl.BlockSpec((1, H, I2), lambda g, te: (te[g], 0, 0)),
            pl.BlockSpec((1, inter, H), lambda g, te: (te[g], 0, 0)),
            pl.BlockSpec((1, 2 * R, H), lambda g, te: (te[g], 0, 0)),
            pl.BlockSpec((1, 2 * R, I2), lambda g, te: (te[g], 0, 0)),
            pl.BlockSpec((1, R, inter), lambda g, te: (te[g], 0, 0)),
            pl.BlockSpec((1, H, R), lambda g, te: (te[g], 0, 0)),
        ],
        out_specs=pl.BlockSpec((tm, H), lambda g, te: (g, 0)),
    )
    ys = pl.pallas_call(
        functools.partial(_matmul_body, inter=inter, nt=nt),
        grid_spec=grid_spec,
        out_shape=jax.ShapeDtypeStruct((P, H), jnp.float32),
    )(te_arr, xs, base_gate_up_weight, base_down_weight,
      gua, gub, dat, dbt)

    tpw = T // _NW
    wb = [jnp.broadcast_to(
        topk_weights[:, k].astype(jnp.float32)[:, None], (T, L))
        for k in range(K)]

    @functools.partial(
        pl.kernel, mesh=mesh,
        out_type=jax.ShapeDtypeStruct((T, H), jnp.float32),
        scratch_types=[pltpu.VMEM((2, tpw), jnp.int32),
                       pltpu.VMEM((tpw, H), jnp.float32),
                       pltpu.VMEM((tpw, H), jnp.float32),
                       pltpu.VMEM((tpw, L), jnp.float32),
                       pltpu.VMEM((tpw, L), jnp.float32),
                       pltpu.SemaphoreType.DMA,
                       pltpu.SemaphoreType.DMA])
    def combine_rows(ys_hbm, p0_hbm, p1_hbm, w0_hbm, w1_hbm, out_hbm,
                     idx_v, r0_v, r1_v, w0_v, w1_v, sem0, sem1):
        wid = lax.axis_index("s") * 2 + lax.axis_index("c")
        base = wid * tpw
        pltpu.sync_copy(p0_hbm.at[pl.ds(base, tpw)], idx_v.at[0])
        cp0 = pltpu.async_copy(ys_hbm.at[idx_v.at[0]], r0_v, sem0)
        pltpu.sync_copy(p1_hbm.at[pl.ds(base, tpw)], idx_v.at[1])
        cp1 = pltpu.async_copy(ys_hbm.at[idx_v.at[1]], r1_v, sem1)
        pltpu.sync_copy(w0_hbm.at[pl.ds(base, tpw)], w0_v)
        pltpu.sync_copy(w1_hbm.at[pl.ds(base, tpw)], w1_v)
        cp0.wait()
        cp1.wait()

        def body(i, carry):
            w0 = w0_v[i, :]
            w1 = w1_v[i, :]
            for j in range(H // L):
                sl = pl.ds(j * L, L)
                r0_v[i, sl] = w0 * r0_v[i, sl] + w1 * r1_v[i, sl]
            return carry

        lax.fori_loop(0, tpw, body, 0)
        pltpu.sync_copy(r0_v, out_hbm.at[pl.ds(base, tpw)])

    out = combine_rows(ys, pair_pos[:, 0], pair_pos[:, 1], wb[0], wb[1])
    return out.astype(hidden_states.dtype)

# --- scband reference (transcript-rebuilt; emitter-appended) ---
"""Pipeline reference for scband-mo-elo-ralayer-8839042695777 (READ-ONLY COPY).

The authoritative reference and input builder live on the scoring server;
editing this copy changes nothing except your own understanding.
"""

import jax, jax.numpy as jnp
import numpy as np

T, H, I, E, A, R, K = 2048, 768, 1536, 8, 4, 16, 2


def setup_inputs(seed: int = 0) -> dict:
    key = jax.random.key(seed)
    ks = jax.random.split(key, 14)
    return {
        "hidden_states": jax.random.normal(ks[0], (T, H), dtype=jnp.float32),
        "topk_ids": jax.random.randint(ks[1], (T, K), 0, E, dtype=jnp.int32),
        "topk_weights": jax.nn.softmax(jax.random.uniform(ks[2], (T, K), dtype=jnp.float32), axis=-1),
        "gate_a": 0.02 * jax.random.normal(ks[3], (A, E, R, H), dtype=jnp.float32),
        "gate_b": 0.02 * jax.random.normal(ks[4], (A, E, I, R), dtype=jnp.float32),
        "up_a": 0.02 * jax.random.normal(ks[5], (A, E, R, H), dtype=jnp.float32),
        "up_b": 0.02 * jax.random.normal(ks[6], (A, E, I, R), dtype=jnp.float32),
        "down_a": 0.02 * jax.random.normal(ks[7], (A, E, R, I), dtype=jnp.float32),
        "down_b": 0.02 * jax.random.normal(ks[8], (A, E, H, R), dtype=jnp.float32),
        "weight_indices": jax.random.randint(ks[9], (1,), 0, A, dtype=jnp.int32),
        "seq_lens": jnp.ones((1,), dtype=jnp.int32),
        "lora_ranks": jnp.full((A,), R, dtype=jnp.int32),
        "scalings": jax.random.uniform(ks[10], (A,), minval=0.5, maxval=2.0, dtype=jnp.float32),
        "base_gate_up_weight": 0.02 * jax.random.normal(ks[11], (E, H, 2 * I), dtype=jnp.float32),
        "base_down_weight": 0.02 * jax.random.normal(ks[12], (E, I, H), dtype=jnp.float32),
    }


def reference(hidden_states, topk_ids, topk_weights, gate_a, gate_b, up_a, up_b,
              down_a, down_b, weight_indices, seq_lens, lora_ranks, scalings,
              base_gate_up_weight, base_down_weight):
    # Faithful translation of moe_lora_forward for the single-sequence,
    # full-rank case: every token maps to sequence 0 (token_to_seq is
    # initialized to zeros in the original), so a single adapter applies
    # to all tokens. Per-token/per-k loop is vectorized as a sum over
    # experts, which is mathematically identical.
    num_tokens, hidden_size = hidden_states.shape
    inter = gate_b.shape[2]
    n_experts = gate_a.shape[1]
    adapter = weight_indices[0]
    scaling = scalings[adapter].astype(jnp.float32)
    ga = gate_a[adapter].astype(jnp.float32)
    gb = gate_b[adapter].astype(jnp.float32)
    ua = up_a[adapter].astype(jnp.float32)
    ub = up_b[adapter].astype(jnp.float32)
    da = down_a[adapter].astype(jnp.float32)
    db = down_b[adapter].astype(jnp.float32)
    x = hidden_states.astype(jnp.float32)
    tw = topk_weights.astype(jnp.float32)
    out = jnp.zeros((num_tokens, hidden_size), dtype=jnp.float32)
    for e in range(n_experts):
        Wgu = base_gate_up_weight[e].astype(jnp.float32)  # (H, 2I)
        W_gate = Wgu[:, :inter]
        W_up = Wgu[:, inter:]
        base_gate_out = x @ W_gate
        base_up_out = x @ W_up
        lora_gate_out = (x @ ga[e].T) @ gb[e].T
        lora_up_out = (x @ ua[e].T) @ ub[e].T
        gate_out = base_gate_out + scaling * lora_gate_out
        up_out = base_up_out + scaling * lora_up_out
        activated = jax.nn.silu(gate_out) * up_out
        W_down = base_down_weight[e].astype(jnp.float32)  # (I, H)
        base_down_out = activated @ W_down
        lora_down_out = (activated @ da[e].T) @ db[e].T
        expert_out = base_down_out + scaling * lora_down_out
        w_e = jnp.sum(jnp.where(topk_ids == e, tw, jnp.zeros_like(tw)), axis=1)
        out = out + w_e[:, None] * expert_out
    return out.astype(hidden_states.dtype)

if __name__ == "__main__":
    import jax
    _d = setup_inputs()
    print(jax.jit(kernel)(*tuple(_d.values())))

</pallas_src>

<mosaic_0001>
#map = affine_map<(d0, d1) -> (0, 0)>
#map1 = affine_map<(d0, d1) -> (0)>
module attributes {stable_mosaic.version = 14 : i64} {
  func.func @combine_rows(%arg0: i32, %arg1: i32, %arg2: memref<6144x768xf32, #tpu.memory_space<hbm>>, %arg3: memref<2048xi32, #tpu.memory_space<hbm>>, %arg4: memref<2048xi32, #tpu.memory_space<hbm>>, %arg5: memref<2048x16xf32, #tpu.memory_space<hbm>>, %arg6: memref<2048x16xf32, #tpu.memory_space<hbm>>, %arg7: memref<2048x768xf32, #tpu.memory_space<hbm>>, %arg8: memref<2x64xi32, #tpu.memory_space<vmem>>, %arg9: memref<64x768xf32, #tpu.memory_space<vmem>>, %arg10: memref<64x768xf32, #tpu.memory_space<vmem>>, %arg11: memref<64x16xf32, #tpu.memory_space<vmem>>, %arg12: memref<64x16xf32, #tpu.memory_space<vmem>>, %arg13: memref<!tpu.dma_semaphore, #tpu.memory_space<semaphore_mem>>, %arg14: memref<!tpu.dma_semaphore, #tpu.memory_space<semaphore_mem>>) attributes {dimension_semantics = [#tpu.dimension_semantics<core_parallel>, #tpu.dimension_semantics<subcore_parallel>], iteration_bounds = array<i64: 2, 16>, scalar_prefetch = 0 : i64, scratch_operands = 7 : i64, tpu.core_type = #tpu.core_type<sc_vector_subcore>, window_params = [{transform_indices = #map}, {transform_indices = #map1}, {transform_indices = #map1}, {transform_indices = #map}, {transform_indices = #map}, {transform_indices = #map}]} {
    %mul3A = arith.constant 2 : i32
    %mul3A_0 = arith.muli %arg1, %mul3A : i32
    %add3A = arith.addi %mul3A_0, %arg0 : i32
    %mul3A_1 = arith.constant 64 : i32
    %mul3A_2 = arith.muli %add3A, %mul3A_1 : i32
    %run_scoped3A = arith.constant 0 : i32
    "tpu.region"() ({
      %run_scoped3A_35 = tpu.sem_alloc : memref<!tpu.dma_semaphore, #tpu.memory_space<semaphore_mem>>
      %dma_start3A_36 = arith.constant 0 : i32
      %dma_start3A_37 = tpu.memref_slice %arg8[%run_scoped3A, %dma_start3A_36] : memref<2x64xi32, #tpu.memory_space<vmem>> -> memref<1x64xi32, #tpu.memory_space<vmem>>
      %dma_start3A_38 = tpu.memref_squeeze %dma_start3A_37 : memref<1x64xi32, #tpu.memory_space<vmem>> -> memref<64xi32, #tpu.memory_space<vmem>>
      %dma_start3A_39 = tpu.memref_slice %arg3[%mul3A_2] : memref<2048xi32, #tpu.memory_space<hbm>> -> memref<64xi32, #tpu.memory_space<hbm>>
      %dma_start3A_40 = arith.constant 0 : i32
      %dma_start3A_41 = tpu.memref_slice %arg8[%run_scoped3A, %dma_start3A_40] : memref<2x64xi32, #tpu.memory_space<vmem>> -> memref<1x64xi32, #tpu.memory_space<vmem>>
      %dma_start3A_42 = tpu.memref_squeeze %dma_start3A_41 : memref<1x64xi32, #tpu.memory_space<vmem>> -> memref<64xi32, #tpu.memory_space<vmem>>
      %dma_start3A_43 = tpu.memref_slice %arg3[%mul3A_2] : memref<2048xi32, #tpu.memory_space<hbm>> -> memref<64xi32, #tpu.memory_space<hbm>>
      tpu.enqueue_dma source(%dma_start3A_43 : memref<64xi32, #tpu.memory_space<hbm>>) target(%dma_start3A_42 : memref<64xi32, #tpu.memory_space<vmem>>) target_semaphore(%run_scoped3A_35 : memref<!tpu.dma_semaphore, #tpu.memory_space<semaphore_mem>>)
      %dma_wait3A_44 = arith.constant 0 : i32
      %dma_wait3A_45 = tpu.memref_slice %arg8[%run_scoped3A, %dma_wait3A_44] : memref<2x64xi32, #tpu.memory_space<vmem>> -> memref<1x64xi32, #tpu.memory_space<vmem>>
      %dma_wait3A_46 = tpu.memref_squeeze %dma_wait3A_45 : memref<1x64xi32, #tpu.memory_space<vmem>> -> memref<64xi32, #tpu.memory_space<vmem>>
      %dma_wait3A_47 = tpu.memref_slice %arg3[%mul3A_2] : memref<2048xi32, #tpu.memory_space<hbm>> -> memref<64xi32, #tpu.memory_space<hbm>>
      %dma_wait3A_48 = arith.constant 0 : i32
      %dma_wait3A_49 = tpu.memref_slice %arg8[%run_scoped3A, %dma_wait3A_48] : memref<2x64xi32, #tpu.memory_space<vmem>> -> memref<1x64xi32, #tpu.memory_space<vmem>>
      %dma_wait3A_50 = tpu.memref_squeeze %dma_wait3A_49 : memref<1x64xi32, #tpu.memory_space<vmem>> -> memref<64xi32, #tpu.memory_space<vmem>>
      %dma_wait3A_51 = tpu.memref_slice %arg3[%mul3A_2] : memref<2048xi32, #tpu.memory_space<hbm>> -> memref<64xi32, #tpu.memory_space<hbm>>
      tpu.wait_dma2 semaphore(%run_scoped3A_35 : memref<!tpu.dma_semaphore, #tpu.memory_space<semaphore_mem>>) src(%dma_wait3A_51 : memref<64xi32, #tpu.memory_space<hbm>>) dst(%dma_wait3A_50 : memref<64xi32, #tpu.memory_space<vmem>>)
      tpu.yield
    }) : () -> ()
    %dma_start3A = arith.constant 0 : i32
    %dma_start3A_3 = arith.constant 0 : i32
    %dma_start3A_4 = tpu.memref_slice %arg8[%dma_start3A, %dma_start3A_3] : memref<2x64xi32, #tpu.memory_space<vmem>> -> memref<1x64xi32, #tpu.memory_space<vmem>>
    %dma_start3A_5 = tpu.memref_squeeze %dma_start3A_4 : memref<1x64xi32, #tpu.memory_space<vmem>> -> memref<64xi32, #tpu.memory_space<vmem>>
    %dma_start3A_6 = arith.constant 0 : i32
    %dma_start3A_7 = arith.constant 0 : i32
    %dma_start3A_8 = tpu.memref_slice %arg2[%dma_start3A_6, %dma_start3A_7] : memref<6144x768xf32, #tpu.memory_space<hbm>> -> memref<6144x768xf32, #tpu.memory_space<hbm>>
    tpu.enqueue_indirect_dma source(%dma_start3A_8 : memref<6144x768xf32, #tpu.memory_space<hbm>>) target(%arg9 : memref<64x768xf32, #tpu.memory_space<vmem>>) offsets(%dma_start3A_5 : memref<64xi32, #tpu.memory_space<vmem>>) semaphore(%arg13 : memref<!tpu.dma_semaphore, #tpu.memory_space<semaphore_mem>>)
    %run_scoped3A_9 = arith.constant 1 : i32
    "tpu.region"() ({
      %run_scoped3A_35 = tpu.sem_alloc : memref<!tpu.dma_semaphore, #tpu.memory_space<semaphore_mem>>
      %dma_start3A_36 = arith.constant 0 : i32
      %dma_start3A_37 = tpu.memref_slice %arg8[%run_scoped3A_9, %dma_start3A_36] : memref<2x64xi32, #tpu.memory_space<vmem>> -> memref<1x64xi32, #tpu.memory_space<vmem>>
      %dma_start3A_38 = tpu.memref_squeeze %dma_start3A_37 : memref<1x64xi32, #tpu.memory_space<vmem>> -> memref<64xi32, #tpu.memory_space<vmem>>
      %dma_start3A_39 = tpu.memref_slice %arg4[%mul3A_2] : memref<2048xi32, #tpu.memory_space<hbm>> -> memref<64xi32, #tpu.memory_space<hbm>>
      %dma_start3A_40 = arith.constant 0 : i32
      %dma_start3A_41 = tpu.memref_slice %arg8[%run_scoped3A_9, %dma_start3A_40] : memref<2x64xi32, #tpu.memory_space<vmem>> -> memref<1x64xi32, #tpu.memory_space<vmem>>
      %dma_start3A_42 = tpu.memref_squeeze %dma_start3A_41 : memref<1x64xi32, #tpu.memory_space<vmem>> -> memref<64xi32, #tpu.memory_space<vmem>>
      %dma_start3A_43 = tpu.memref_slice %arg4[%mul3A_2] : memref<2048xi32, #tpu.memory_space<hbm>> -> memref<64xi32, #tpu.memory_space<hbm>>
      tpu.enqueue_dma source(%dma_start3A_43 : memref<64xi32, #tpu.memory_space<hbm>>) target(%dma_start3A_42 : memref<64xi32, #tpu.memory_space<vmem>>) target_semaphore(%run_scoped3A_35 : memref<!tpu.dma_semaphore, #tpu.memory_space<semaphore_mem>>)
      %dma_wait3A_44 = arith.constant 0 : i32
      %dma_wait3A_45 = tpu.memref_slice %arg8[%run_scoped3A_9, %dma_wait3A_44] : memref<2x64xi32, #tpu.memory_space<vmem>> -> memref<1x64xi32, #tpu.memory_space<vmem>>
      %dma_wait3A_46 = tpu.memref_squeeze %dma_wait3A_45 : memref<1x64xi32, #tpu.memory_space<vmem>> -> memref<64xi32, #tpu.memory_space<vmem>>
      %dma_wait3A_47 = tpu.memref_slice %arg4[%mul3A_2] : memref<2048xi32, #tpu.memory_space<hbm>> -> memref<64xi32, #tpu.memory_space<hbm>>
      %dma_wait3A_48 = arith.constant 0 : i32
      %dma_wait3A_49 = tpu.memref_slice %arg8[%run_scoped3A_9, %dma_wait3A_48] : memref<2x64xi32, #tpu.memory_space<vmem>> -> memref<1x64xi32, #tpu.memory_space<vmem>>
      %dma_wait3A_50 = tpu.memref_squeeze %dma_wait3A_49 : memref<1x64xi32, #tpu.memory_space<vmem>> -> memref<64xi32, #tpu.memory_space<vmem>>
      %dma_wait3A_51 = tpu.memref_slice %arg4[%mul3A_2] : memref<2048xi32, #tpu.memory_space<hbm>> -> memref<64xi32, #tpu.memory_space<hbm>>
      tpu.wait_dma2 semaphore(%run_scoped3A_35 : memref<!tpu.dma_semaphore, #tpu.memory_space<semaphore_mem>>) src(%dma_wait3A_51 : memref<64xi32, #tpu.memory_space<hbm>>) dst(%dma_wait3A_50 : memref<64xi32, #tpu.memory_space<vmem>>)
      tpu.yield
    }) : () -> ()
    %dma_start3A_10 = arith.constant 1 : i32
    %dma_start3A_11 = arith.constant 0 : i32
    %dma_start3A_12 = tpu.memref_slice %arg8[%dma_start3A_10, %dma_start3A_11] : memref<2x64xi32, #tpu.memory_space<vmem>> -> memref<1x64xi32, #tpu.memory_space<vmem>>
    %dma_start3A_13 = tpu.memref_squeeze %dma_start3A_12 : memref<1x64xi32, #tpu.memory_space<vmem>> -> memref<64xi32, #tpu.memory_space<vmem>>
    %dma_start3A_14 = arith.constant 0 : i32
    %dma_start3A_15 = arith.constant 0 : i32
    %dma_start3A_16 = tpu.memref_slice %arg2[%dma_start3A_14, %dma_start3A_15] : memref<6144x768xf32, #tpu.memory_space<hbm>> -> memref<6144x768xf32, #tpu.memory_space<hbm>>
    tpu.enqueue_indirect_dma source(%dma_start3A_16 : memref<6144x768xf32, #tpu.memory_space<hbm>>) target(%arg10 : memref<64x768xf32, #tpu.memory_space<vmem>>) offsets(%dma_start3A_13 : memref<64xi32, #tpu.memory_space<vmem>>) semaphore(%arg14 : memref<!tpu.dma_semaphore, #tpu.memory_space<semaphore_mem>>)
    "tpu.region"() ({
      %run_scoped3A_35 = tpu.sem_alloc : memref<!tpu.dma_semaphore, #tpu.memory_space<semaphore_mem>>
      %dma_start3A_36 = arith.constant 0 : i32
      %dma_start3A_37 = tpu.memref_slice %arg5[%mul3A_2, %dma_start3A_36] : memref<2048x16xf32, #tpu.memory_space<hbm>> -> memref<64x16xf32, #tpu.memory_space<hbm>>
      %dma_start3A_38 = arith.constant 0 : i32
      %dma_start3A_39 = tpu.memref_slice %arg5[%mul3A_2, %dma_start3A_38] : memref<2048x16xf32, #tpu.memory_space<hbm>> -> memref<64x16xf32, #tpu.memory_space<hbm>>
      tpu.enqueue_dma source(%dma_start3A_39 : memref<64x16xf32, #tpu.memory_space<hbm>>) target(%arg11 : memref<64x16xf32, #tpu.memory_space<vmem>>) target_semaphore(%run_scoped3A_35 : memref<!tpu.dma_semaphore, #tpu.memory_space<semaphore_mem>>)
      %dma_wait3A_40 = arith.constant 0 : i32
      %dma_wait3A_41 = tpu.memref_slice %arg5[%mul3A_2, %dma_wait3A_40] : memref<2048x16xf32, #tpu.memory_space<hbm>> -> memref<64x16xf32, #tpu.memory_space<hbm>>
      %dma_wait3A_42 = arith.constant 0 : i32
      %dma_wait3A_43 = tpu.memref_slice %arg5[%mul3A_2, %dma_wait3A_42] : memref<2048x16xf32, #tpu.memory_space<hbm>> -> memref<64x16xf32, #tpu.memory_space<hbm>>
      tpu.wait_dma2 semaphore(%run_scoped3A_35 : memref<!tpu.dma_semaphore, #tpu.memory_space<semaphore_mem>>) src(%dma_wait3A_43 : memref<64x16xf32, #tpu.memory_space<hbm>>) dst(%arg11 : memref<64x16xf32, #tpu.memory_space<vmem>>)
      tpu.yield
    }) : () -> ()
    "tpu.region"() ({
      %run_scoped3A_35 = tpu.sem_alloc : memref<!tpu.dma_semaphore, #tpu.memory_space<semaphore_mem>>
      %dma_start3A_36 = arith.constant 0 : i32
      %dma_start3A_37 = tpu.memref_slice %arg6[%mul3A_2, %dma_start3A_36] : memref<2048x16xf32, #tpu.memory_space<hbm>> -> memref<64x16xf32, #tpu.memory_space<hbm>>
      %dma_start3A_38 = arith.constant 0 : i32
      %dma_start3A_39 = tpu.memref_slice %arg6[%mul3A_2, %dma_start3A_38] : memref<2048x16xf32, #tpu.memory_space<hbm>> -> memref<64x16xf32, #tpu.memory_space<hbm>>
      tpu.enqueue_dma source(%dma_start3A_39 : memref<64x16xf32, #tpu.memory_space<hbm>>) target(%arg12 : memref<64x16xf32, #tpu.memory_space<vmem>>) target_semaphore(%run_scoped3A_35 : memref<!tpu.dma_semaphore, #tpu.memory_space<semaphore_mem>>)
      %dma_wait3A_40 = arith.constant 0 : i32
      %dma_wait3A_41 = tpu.memref_slice %arg6[%mul3A_2, %dma_wait3A_40] : memref<2048x16xf32, #tpu.memory_space<hbm>> -> memref<64x16xf32, #tpu.memory_space<hbm>>
      %dma_wait3A_42 = arith.constant 0 : i32
      %dma_wait3A_43 = tpu.memref_slice %arg6[%mul3A_2, %dma_wait3A_42] : memref<2048x16xf32, #tpu.memory_space<hbm>> -> memref<64x16xf32, #tpu.memory_space<hbm>>
      tpu.wait_dma2 semaphore(%run_scoped3A_35 : memref<!tpu.dma_semaphore, #tpu.memory_space<semaphore_mem>>) src(%dma_wait3A_43 : memref<64x16xf32, #tpu.memory_space<hbm>>) dst(%arg12 : memref<64x16xf32, #tpu.memory_space<vmem>>)
      tpu.yield
    }) : () -> ()
    %dma_wait3A = arith.constant 0 : i32
    %dma_wait3A_17 = arith.constant 0 : i32
    %dma_wait3A_18 = tpu.memref_slice %arg8[%dma_wait3A, %dma_wait3A_17] : memref<2x64xi32, #tpu.memory_space<vmem>> -> memref<1x64xi32, #tpu.memory_space<vmem>>
    %dma_wait3A_19 = tpu.memref_squeeze %dma_wait3A_18 : memref<1x64xi32, #tpu.memory_space<vmem>> -> memref<64xi32, #tpu.memory_space<vmem>>
    %dma_wait3A_20 = arith.constant 0 : i32
    %dma_wait3A_21 = arith.constant 0 : i32
    %dma_wait3A_22 = tpu.memref_slice %arg2[%dma_wait3A_20, %dma_wait3A_21] : memref<6144x768xf32, #tpu.memory_space<hbm>> -> memref<6144x768xf32, #tpu.memory_space<hbm>>
    tpu.wait_indirect_dma semaphore(%arg13 : memref<!tpu.dma_semaphore, #tpu.memory_space<semaphore_mem>>) src(%dma_wait3A_22 : memref<6144x768xf32, #tpu.memory_space<hbm>>) dst(%arg9 : memref<64x768xf32, #tpu.memory_space<vmem>>)
    %dma_wait3A_23 = arith.constant 1 : i32
    %dma_wait3A_24 = arith.constant 0 : i32
    %dma_wait3A_25 = tpu.memref_slice %arg8[%dma_wait3A_23, %dma_wait3A_24] : memref<2x64xi32, #tpu.memory_space<vmem>> -> memref<1x64xi32, #tpu.memory_space<vmem>>
    %dma_wait3A_26 = tpu.memref_squeeze %dma_wait3A_25 : memref<1x64xi32, #tpu.memory_space<vmem>> -> memref<64xi32, #tpu.memory_space<vmem>>
    %dma_wait3A_27 = arith.constant 0 : i32
    %dma_wait3A_28 = arith.constant 0 : i32
    %dma_wait3A_29 = tpu.memref_slice %arg2[%dma_wait3A_27, %dma_wait3A_28] : memref<6144x768xf32, #tpu.memory_space<hbm>> -> memref<6144x768xf32, #tpu.memory_space<hbm>>
    tpu.wait_indirect_dma semaphore(%arg14 : memref<!tpu.dma_semaphore, #tpu.memory_space<semaphore_mem>>) src(%dma_wait3A_29 : memref<6144x768xf32, #tpu.memory_space<hbm>>) dst(%arg10 : memref<64x768xf32, #tpu.memory_space<vmem>>)
    %scan3A = arith.constant 0 : i32
    %scan3A_30 = arith.constant 0 : i32
    %scan3A_31 = arith.constant 64 : i32
    %scan3A_32 = arith.addi %scan3A_30, %scan3A_31 : i32
    %scan3A_33 = arith.constant 1 : i32
    scf.for %scan3A_35 = %scan3A_30 to %scan3A_32 step %scan3A_33  : i32 {
      %get3A = arith.index_cast %scan3A_35 : i32 to index
      %get3A_36 = arith.constant 0 : index
      %get3A_37 = tpu.vector_load %arg11[%get3A, %get3A_36] {strides = array<i32>} : memref<64x16xf32, #tpu.memory_space<vmem>>, vector<1x16xf32>,
      %get3A_38 = vector.shape_cast %get3A_37 : vector<1x16xf32> to vector<16xf32>
      %get3A_39 = arith.index_cast %scan3A_35 : i32 to index
      %get3A_40 = arith.constant 0 : index
      %get3A_41 = tpu.vector_load %arg12[%get3A_39, %get3A_40] {strides = array<i32>} : memref<64x16xf32, #tpu.memory_space<vmem>>, vector<1x16xf32>,
      %get3A_42 = vector.shape_cast %get3A_41 : vector<1x16xf32> to vector<16xf32>
      %get3A_43 = arith.index_cast %scan3A_35 : i32 to index
      %get3A_44 = arith.constant 0 : index
      %get3A_45 = tpu.vector_load %arg9[%get3A_43, %get3A_44] {strides = array<i32>} : memref<64x768xf32, #tpu.memory_space<vmem>>, vector<1x16xf32>,
      %get3A_46 = vector.shape_cast %get3A_45 : vector<1x16xf32> to vector<16xf32>
      %mul3A_47 = arith.mulf %get3A_38, %get3A_46 : vector<16xf32>
      %get3A_48 = arith.index_cast %scan3A_35 : i32 to index
      %get3A_49 = arith.constant 0 : index
      %get3A_50 = tpu.vector_load %arg10[%get3A_48, %get3A_49] {strides = array<i32>} : memref<64x768xf32, #tpu.memory_space<vmem>>, vector<1x16xf32>,
      %get3A_51 = vector.shape_cast %get3A_50 : vector<1x16xf32> to vector<16xf32>
      %mul3A_52 = arith.mulf %get3A_42, %get3A_51 : vector<16xf32>
      %add3A_53 = arith.addf %mul3A_47, %mul3A_52 : vector<16xf32>
      %swap3A = arith.index_cast %scan3A_35 : i32 to index
      %swap3A_54 = arith.constant 0 : index
      %swap3A_55 = tpu.vector_load %arg9[%swap3A, %swap3A_54] {strides = array<i32>} : memref<64x768xf32, #tpu.memory_space<vmem>>, vector<1x16xf32>,
      %swap3A_56 = vector.shape_cast %swap3A_55 : vector<1x16xf32> to vector<16xf32>
      %swap3A_57 = vector.shape_cast %add3A_53 : vector<16xf32> to vector<1x16xf32>
      tpu.vector_store %arg9[%swap3A, %swap3A_54], %swap3A_57 {strides = array<i32>} : memref<64x768xf32, #tpu.memory_space<vmem>>, vector<1x16xf32>,
      %get3A_58 = arith.index_cast %scan3A_35 : i32 to index
      %get3A_59 = arith.constant 16 : index
      %get3A_60 = tpu.vector_load %arg9[%get3A_58, %get3A_59] {strides = array<i32>} : memref<64x768xf32, #tpu.memory_space<vmem>>, vector<1x16xf32>,
      %get3A_61 = vector.shape_cast %get3A_60 : vector<1x16xf32> to vector<16xf32>
      %mul3A_62 = arith.mulf %get3A_38, %get3A_61 : vector<16xf32>
      %get3A_63 = arith.index_cast %scan3A_35 : i32 to index
      %get3A_64 = arith.constant 16 : index
      %get3A_65 = tpu.vector_load %arg10[%get3A_63, %get3A_64] {strides = array<i32>} : memref<64x768xf32, #tpu.memory_space<vmem>>, vector<1x16xf32>,
      %get3A_66 = vector.shape_cast %get3A_65 : vector<1x16xf32> to vector<16xf32>
      %mul3A_67 = arith.mulf %get3A_42, %get3A_66 : vector<16xf32>
      %add3A_68 = arith.addf %mul3A_62, %mul3A_67 : vector<16xf32>
      %swap3A_69 = arith.index_cast %scan3A_35 : i32 to index
      %swap3A_70 = arith.constant 16 : index
      %swap3A_71 = tpu.vector_load %arg9[%swap3A_69, %swap3A_70] {strides = array<i32>} : memref<64x768xf32, #tpu.memory_space<vmem>>, vector<1x16xf32>,
      %swap3A_72 = vector.shape_cast %swap3A_71 : vector<1x16xf32> to vector<16xf32>
      %swap3A_73 = vector.shape_cast %add3A_68 : vector<16xf32> to vector<1x16xf32>
      tpu.vector_store %arg9[%swap3A_69, %swap3A_70], %swap3A_73 {strides = array<i32>} : memref<64x768xf32, #tpu.memory_space<vmem>>, vector<1x16xf32>,
      %get3A_74 = arith.index_cast %scan3A_35 : i32 to index
      %get3A_75 = arith.constant 32 : index
      %get3A_76 = tpu.vector_load %arg9[%get3A_74, %get3A_75] {strides = array<i32>} : memref<64x768xf32, #tpu.memory_space<vmem>>, vector<1x16xf32>,
      %get3A_77 = vector.shape_cast %get3A_76 : vector<1x16xf32> to vector<16xf32>
      %mul3A_78 = arith.mulf %get3A_38, %get3A_77 : vector<16xf32>
      %get3A_79 = arith.index_cast %scan3A_35 : i32 to index
      %get3A_80 = arith.constant 32 : index
      %get3A_81 = tpu.vector_load %arg10[%get3A_79, %get3A_80] {strides = array<i32>} : memref<64x768xf32, #tpu.memory_space<vmem>>, vector<1x16xf32>,
      %get3A_82 = vector.shape_cast %get3A_81 : vector<1x16xf32> to vector<16xf32>
      %mul3A_83 = arith.mulf %get3A_42, %get3A_82 : vector<16xf32>
      %add3A_84 = arith.addf %mul3A_78, %mul3A_83 : vector<16xf32>
      %swap3A_85 = arith.index_cast %scan3A_35 : i32 to index
      %swap3A_86 = arith.constant 32 : index
      %swap3A_87 = tpu.vector_load %arg9[%swap3A_85, %swap3A_86] {strides = array<i32>} : memref<64x768xf32, #tpu.memory_space<vmem>>, vector<1x16xf32>,
      %swap3A_88 = vector.shape_cast %swap3A_87 : vector<1x16xf32> to vector<16xf32>
      %swap3A_89 = vector.shape_cast %add3A_84 : vector<16xf32> to vector<1x16xf32>
      tpu.vector_store %arg9[%swap3A_85, %swap3A_86], %swap3A_89 {strides = array<i32>} : memref<64x768xf32, #tpu.memory_space<vmem>>, vector<1x16xf32>,
      %get3A_90 = arith.index_cast %scan3A_35 : i32 to index
      %get3A_91 = arith.constant 48 : index
      %get3A_92 = tpu.vector_load %arg9[%get3A_90, %get3A_91] {strides = array<i32>} : memref<64x768xf32, #tpu.memory_space<vmem>>, vector<1x16xf32>,
      %get3A_93 = vector.shape_cast %get3A_92 : vector<1x16xf32> to vector<16xf32>
      %mul3A_94 = arith.mulf %get3A_38, %get3A_93 : vector<16xf32>
      %get3A_95 = arith.index_cast %scan3A_35 : i32 to index
      %get3A_96 = arith.constant 48 : index
      %get3A_97 = tpu.vector_load %arg10[%get3A_95, %get3A_96] {strides = array<i32>} : memref<64x768xf32, #tpu.memory_space<vmem>>, vector<1x16xf32>,
      %get3A_98 = vector.shape_cast %get3A_97 : vector<1x16xf32> to vector<16xf32>
      %mul3A_99 = arith.mulf %get3A_42, %get3A_98 : vector<16xf32>
      %add3A_100 = arith.addf %mul3A_94, %mul3A_99 : vector<16xf32>
      %swap3A_101 = arith.index_cast %scan3A_35 : i32 to index
      %swap3A_102 = arith.constant 48 : index
      %swap3A_103 = tpu.vector_load %arg9[%swap3A_101, %swap3A_102] {strides = array<i32>} : memref<64x768xf32, #tpu.memory_space<vmem>>, vector<1x16xf32>,
      %swap3A_104 = vector.shape_cast %swap3A_103 : vector<1x16xf32> to vector<16xf32>
      %swap3A_105 = vector.shape_cast %add3A_100 : vector<16xf32> to vector<1x16xf32>
      tpu.vector_store %arg9[%swap3A_101, %swap3A_102], %swap3A_105 {strides = array<i32>} : memref<64x768xf32, #tpu.memory_space<vmem>>, vector<1x16xf32>,
      %get3A_106 = arith.index_cast %scan3A_35 : i32 to index
      %get3A_107 = arith.constant 64 : index
      %get3A_108 = tpu.vector_load %arg9[%get3A_106, %get3A_107] {strides = array<i32>} : memref<64x768xf32, #tpu.memory_space<vmem>>, vector<1x16xf32>,
      %get3A_109 = vector.shape_cast %get3A_108 : vector<1x16xf32> to vector<16xf32>
      %mul3A_110 = arith.mulf %get3A_38, %get3A_109 : vector<16xf32>
      %get3A_111 = arith.index_cast %scan3A_35 : i32 to index
      %get3A_112 = arith.constant 64 : index
      %get3A_113 = tpu.vector_load %arg10[%get3A_111, %get3A_112] {strides = array<i32>} : memref<64x768xf32, #tpu.memory_space<vmem>>, vector<1x16xf32>,
      %get3A_114 = vector.shape_cast %get3A_113 : vector<1x16xf32> to vector<16xf32>
      %mul3A_115 = arith.mulf %get3A_42, %get3A_114 : vector<16xf32>
      %add3A_116 = arith.addf %mul3A_110, %mul3A_115 : vector<16xf32>
      %swap3A_117 = arith.index_cast %scan3A_35 : i32 to index
      %swap3A_118 = arith.constant 64 : index
      %swap3A_119 = tpu.vector_load %arg9[%swap3A_117, %swap3A_118] {strides = array<i32>} : memref<64x768xf32, #tpu.memory_space<vmem>>, vector<1x16xf32>,
      %swap3A_120 = vector.shape_cast %swap3A_119 : vector<1x16xf32> to vector<16xf32>
      %swap3A_121 = vector.shape_cast %add3A_116 : vector<16xf32> to vector<1x16xf32>
      tpu.vector_store %arg9[%swap3A_117, %swap3A_118], %swap3A_121 {strides = array<i32>} : memref<64x768xf32, #tpu.memory_space<vmem>>, vector<1x16xf32>,
      %get3A_122 = arith.index_cast %scan3A_35 : i32 to index
      %get3A_123 = arith.constant 80 : index
      %get3A_124 = tpu.vector_load %arg9[%get3A_122, %get3A_123] {strides = array<i32>} : memref<64x768xf32, #tpu.memory_space<vmem>>, vector<1x16xf32>,
      %get3A_125 = vector.shape_cast %get3A_124 : vector<1x16xf32> to vector<16xf32>
      %mul3A_126 = arith.mulf %get3A_38, %get3A_125 : vector<16xf32>
      %get3A_127 = arith.index_cast %scan3A_35 : i32 to index
      %get3A_128 = arith.constant 80 : index
      %get3A_129 = tpu.vector_load %arg10[%get3A_127, %get3A_128] {strides = array<i32>} : memref<64x768xf32, #tpu.memory_space<vmem>>, vector<1x16xf32>,
      %get3A_130 = vector.shape_cast %get3A_129 : vector<1x16xf32> to vector<16xf32>
      %mul3A_131 = arith.mulf %get3A_42, %get3A_130 : vector<16xf32>
      %add3A_132 = arith.addf %mul3A_126, %mul3A_131 : vector<16xf32>
      %swap3A_133 = arith.index_cast %scan3A_35 : i32 to index
      %swap3A_134 = arith.constant 80 : index
      %swap3A_135 = tpu.vector_load %arg9[%swap3A_133, %swap3A_134] {strides = array<i32>} : memref<64x768xf32, #tpu.memory_space<vmem>>, vector<1x16xf32>,
      %swap3A_136 = vector.shape_cast %swap3A_135 : vector<1x16xf32> to vector<16xf32>
      %swap3A_137 = vector.shape_cast %add3A_132 : vector<16xf32> to vector<1x16xf32>
      tpu.vector_store %arg9[%swap3A_133, %swap3A_134], %swap3A_137 {strides = array<i32>} : memref<64x768xf32, #tpu.memory_space<vmem>>, vector<1x16xf32>,
      %get3A_138 = arith.index_cast %scan3A_35 : i32 to index
      %get3A_139 = arith.constant 96 : index
      %get3A_140 = tpu.vector_load %arg9[%get3A_138, %get3A_139] {strides = array<i32>} : memref<64x768xf32, #tpu.memory_space<vmem>>, vector<1x16xf32>,
      %get3A_141 = vector.shape_cast %get3A_140 : vector<1x16xf32> to vector<16xf32>
      %mul3A_142 = arith.mulf %get3A_38, %get3A_141 : vector<16xf32>
      %get3A_143 = arith.index_cast %scan3A_35 : i32 to index
      %get3A_144 = arith.constant 96 : index
      %get3A_145 = tpu.vector_load %arg10[%get3A_143, %get3A_144] {strides = array<i32>} : memref<64x768xf32, #tpu.memory_space<vmem>>, vector<1x16xf32>,
      %get3A_146 = vector.shape_cast %get3A_145 : vector<1x16xf32> to vector<16xf32>
      %mul3A_147 = arith.mulf %get3A_42, %get3A_146 : vector<16xf32>
      %add3A_148 = arith.addf %mul3A_142, %mul3A_147 : vector<16xf32>
      %swap3A_149 = arith.index_cast %scan3A_35 : i32 to index
      %swap3A_150 = arith.constant 96 : index
      %swap3A_151 = tpu.vector_load %arg9[%swap3A_149, %swap3A_150] {strides = array<i32>} : memref<64x768xf32, #tpu.memory_space<vmem>>, vector<1x16xf32>,
      %swap3A_152 = vector.shape_cast %swap3A_151 : vector<1x16xf32> to vector<16xf32>
      %swap3A_153 = vector.shape_cast %add3A_148 : vector<16xf32> to vector<1x16xf32>
      tpu.vector_store %arg9[%swap3A_149, %swap3A_150], %swap3A_153 {strides = array<i32>} : memref<64x768xf32, #tpu.memory_space<vmem>>, vector<1x16xf32>,
      %get3A_154 = arith.index_cast %scan3A_35 : i32 to index
      %get3A_155 = arith.constant 112 : index
      %get3A_156 = tpu.vector_load %arg9[%get3A_154, %get3A_155] {strides = array<i32>} : memref<64x768xf32, #tpu.memory_space<vmem>>, vector<1x16xf32>,
      %get3A_157 = vector.shape_cast %get3A_156 : vector<1x16xf32> to vector<16xf32>
      %mul3A_158 = arith.mulf %get3A_38, %get3A_157 : vector<16xf32>
      %get3A_159 = arith.index_cast %scan3A_35 : i32 to index
      %get3A_160 = arith.constant 112 : index
      %get3A_161 = tpu.vector_load %arg10[%get3A_159, %get3A_160] {strides = array<i32>} : memref<64x768xf32, #tpu.memory_space<vmem>>, vector<1x16xf32>,
      %get3A_162 = vector.shape_cast %get3A_161 : vector<1x16xf32> to vector<16xf32>
      %mul3A_163 = arith.mulf %get3A_42, %get3A_162 : vector<16xf32>
      %add3A_164 = arith.addf %mul3A_158, %mul3A_163 : vector<16xf32>
      %swap3A_165 = arith.index_cast %scan3A_35 : i32 to index
      %swap3A_166 = arith.constant 112 : index
      %swap3A_167 = tpu.vector_load %arg9[%swap3A_165, %swap3A_166] {strides = array<i32>} : memref<64x768xf32, #tpu.memory_space<vmem>>, vector<1x16xf32>,
      %swap3A_168 = vector.shape_cast %swap3A_167 : vector<1x16xf32> to vector<16xf32>
      %swap3A_169 = vector.shape_cast %add3A_164 : vector<16xf32> to vector<1x16xf32>
      tpu.vector_store %arg9[%swap3A_165, %swap3A_166], %swap3A_169 {strides = array<i32>} : memref<64x768xf32, #tpu.memory_space<vmem>>, vector<1x16xf32>,
      %get3A_170 = arith.index_cast %scan3A_35 : i32 to index
      %get3A_171 = arith.constant 128 : index
      %get3A_172 = tpu.vector_load %arg9[%get3A_170, %get3A_171] {strides = array<i32>} : memref<64x768xf32, #tpu.memory_space<vmem>>, vector<1x16xf32>,
      %get3A_173 = vector.shape_cast %get3A_172 : vector<1x16xf32> to vector<16xf32>
      %mul3A_174 = arith.mulf %get3A_38, %get3A_173 : vector<16xf32>
      %get3A_175 = arith.index_cast %scan3A_35 : i32 to index
      %get3A_176 = arith.constant 128 : index
      %get3A_177 = tpu.vector_load %arg10[%get3A_175, %get3A_176] {strides = array<i32>} : memref<64x768xf32, #tpu.memory_space<vmem>>, vector<1x16xf32>,
      %get3A_178 = vector.shape_cast %get3A_177 : vector<1x16xf32> to vector<16xf32>
      %mul3A_179 = arith.mulf %get3A_42, %get3A_178 : vector<16xf32>
      %add3A_180 = arith.addf %mul3A_174, %mul3A_179 : vector<16xf32>
      %swap3A_181 = arith.index_cast %scan3A_35 : i32 to index
      %swap3A_182 = arith.constant 128 : index
      %swap3A_183 = tpu.vector_load %arg9[%swap3A_181, %swap3A_182] {strides = array<i32>} : memref<64x768xf32, #tpu.memory_space<vmem>>, vector<1x16xf32>,
      %swap3A_184 = vector.shape_cast %swap3A_183 : vector<1x16xf32> to vector<16xf32>
      %swap3A_185 = vector.shape_cast %add3A_180 : vector<16xf32> to vector<1x16xf32>
      tpu.vector_store %arg9[%swap3A_181, %swap3A_182], %swap3A_185 {strides = array<i32>} : memref<64x768xf32, #tpu.memory_space<vmem>>, vector<1x16xf32>,
      %get3A_186 = arith.index_cast %scan3A_35 : i32 to index
      %get3A_187 = arith.constant 144 : index
      %get3A_188 = tpu.vector_load %arg9[%get3A_186, %get3A_187] {strides = array<i32>} : memref<64x768xf32, #tpu.memory_space<vmem>>, vector<1x16xf32>,
      %get3A_189 = vector.shape_cast %get3A_188 : vector<1x16xf32> to vector<16xf32>
      %mul3A_190 = arith.mulf %get3A_38, %get3A_189 : vector<16xf32>
      %get3A_191 = arith.index_cast %scan3A_35 : i32 to index
      %get3A_192 = arith.constant 144 : index
      %get3A_193 = tpu.vector_load %arg10[%get3A_191, %get3A_192] {strides = array<i32>} : memref<64x768xf32, #tpu.memory_space<vmem>>, vector<1x16xf32>,
      %get3A_194 = vector.shape_cast %get3A_193 : vector<1x16xf32> to vector<16xf32>
      %mul3A_195 = arith.mulf %get3A_42, %get3A_194 : vector<16xf32>
      %add3A_196 = arith.addf %mul3A_190, %mul3A_195 : vector<16xf32>
      %swap3A_197 = arith.index_cast %scan3A_35 : i32 to index
      %swap3A_198 = arith.constant 144 : index
      %swap3A_199 = tpu.vector_load %arg9[%swap3A_197, %swap3A_198] {strides = array<i32>} : memref<64x768xf32, #tpu.memory_space<vmem>>, vector<1x16xf32>,
      %swap3A_200 = vector.shape_cast %swap3A_199 : vector<1x16xf32> to vector<16xf32>
      %swap3A_201 = vector.shape_cast %add3A_196 : vector<16xf32> to vector<1x16xf32>
      tpu.vector_store %arg9[%swap3A_197, %swap3A_198], %swap3A_201 {strides = array<i32>} : memref<64x768xf32, #tpu.memory_space<vmem>>, vector<1x16xf32>,
      %get3A_202 = arith.index_cast %scan3A_35 : i32 to index
      %get3A_203 = arith.constant 160 : index
      %get3A_204 = tpu.vector_load %arg9[%get3A_202, %get3A_203] {strides = array<i32>} : memref<64x768xf32, #tpu.memory_space<vmem>>, vector<1x16xf32>,
      %get3A_205 = vector.shape_cast %get3A_204 : vector<1x16xf32> to vector<16xf32>
      %mul3A_206 = arith.mulf %get3A_38, %get3A_205 : vector<16xf32>
      %get3A_207 = arith.index_cast %scan3A_35 : i32 to index
      %get3A_208 = arith.constant 160 : index
      %get3A_209 = tpu.vector_load %arg10[%get3A_207, %get3A_208] {strides = array<i32>} : memref<64x768xf32, #tpu.memory_space<vmem>>, vector<1x16xf32>,
      %get3A_210 = vector.shape_cast %get3A_209 : vector<1x16xf32> to vector<16xf32>
      %mul3A_211 = arith.mulf %get3A_42, %get3A_210 : vector<16xf32>
      %add3A_212 = arith.addf %mul3A_206, %mul3A_211 : vector<16xf32>
      %swap3A_213 = arith.index_cast %scan3A_35 : i32 to index
      %swap3A_214 = arith.constant 160 : index
      %swap3A_215 = tpu.vector_load %arg9[%swap3A_213, %swap3A_214] {strides = array<i32>} : memref<64x768xf32, #tpu.memory_space<vmem>>, vector<1x16xf32>,
      %swap3A_216 = vector.shape_cast %swap3A_215 : vector<1x16xf32> to vector<16xf32>
      %swap3A_217 = vector.shape_cast %add3A_212 : vector<16xf32> to vector<1x16xf32>
      tpu.vector_store %arg9[%swap3A_213, %swap3A_214], %swap3A_217 {strides = array<i32>} : memref<64x768xf32, #tpu.memory_space<vmem>>, vector<1x16xf32>,
      %get3A_218 = arith.index_cast %scan3A_35 : i32 to index
      %get3A_219 = arith.constant 176 : index
      %get3A_220 = tpu.vector_load %arg9[%get3A_218, %get3A_219] {strides = array<i32>} : memref<64x768xf32, #tpu.memory_space<vmem>>, vector<1x16xf32>,
      %get3A_221 = vector.shape_cast %get3A_220 : vector<1x16xf32> to vector<16xf32>
      %mul3A_222 = arith.mulf %get3A_38, %get3A_221 : vector<16xf32>
      %get3A_223 = arith.index_cast %scan3A_35 : i32 to index
      %get3A_224 = arith.constant 176 : index
      %get3A_225 = tpu.vector_load %arg10[%get3A_223, %get3A_224] {strides = array<i32>} : memref<64x768xf32, #tpu.memory_space<vmem>>, vector<1x16xf32>,
      %get3A_226 = vector.shape_cast %get3A_225 : vector<1x16xf32> to vector<16xf32>
      %mul3A_227 = arith.mulf %get3A_42, %get3A_226 : vector<16xf32>
      %add3A_228 = arith.addf %mul3A_222, %mul3A_227 : vector<16xf32>
      %swap3A_229 = arith.index_cast %scan3A_35 : i32 to index
      %swap3A_230 = arith.constant 176 : index
      %swap3A_231 = tpu.vector_load %arg9[%swap3A_229, %swap3A_230] {strides = array<i32>} : memref<64x768xf32, #tpu.memory_space<vmem>>, vector<1x16xf32>,
      %swap3A_232 = vector.shape_cast %swap3A_231 : vector<1x16xf32> to vector<16xf32>
      %swap3A_233 = vector.shape_cast %add3A_228 : vector<16xf32> to vector<1x16xf32>
      tpu.vector_store %arg9[%swap3A_229, %swap3A_230], %swap3A_233 {strides = array<i32>} : memref<64x768xf32, #tpu.memory_space<vmem>>, vector<1x16xf32>,
      %get3A_234 = arith.index_cast %scan3A_35 : i32 to index
      %get3A_235 = arith.constant 192 : index
      %get3A_236 = tpu.vector_load %arg9[%get3A_234, %get3A_235] {strides = array<i32>} : memref<64x768xf32, #tpu.memory_space<vmem>>, vector<1x16xf32>,
      %get3A_237 = vector.shape_cast %get3A_236 : vector<1x16xf32> to vector<16xf32>
      %mul3A_238 = arith.mulf %get3A_38, %get3A_237 : vector<16xf32>
      %get3A_239 = arith.index_cast %scan3A_35 : i32 to index
      %get3A_240 = arith.constant 192 : index
      %get3A_241 = tpu.vector_load %arg10[%get3A_239, %get3A_240] {strides = array<i32>} : memref<64x768xf32, #tpu.memory_space<vmem>>, vector<1x16xf32>,
      %get3A_242 = vector.shape_cast %get3A_241 : vector<1x16xf32> to vector<16xf32>
      %mul3A_243 = arith.mulf %get3A_42, %get3A_242 : vector<16xf32>
      %add3A_244 = arith.addf %mul3A_238, %mul3A_243 : vector<16xf32>
      %swap3A_245 = arith.index_cast %scan3A_35 : i32 to index
      %swap3A_246 = arith.constant 192 : index
      %swap3A_247 = tpu.vector_load %arg9[%swap3A_245, %swap3A_246] {strides = array<i32>} : memref<64x768xf32, #tpu.memory_space<vmem>>, vector<1x16xf32>,
      %swap3A_248 = vector.shape_cast %swap3A_247 : vector<1x16xf32> to vector<16xf32>
      %swap3A_249 = vector.shape_cast %add3A_244 : vector<16xf32> to vector<1x16xf32>
      tpu.vector_store %arg9[%swap3A_245, %swap3A_246], %swap3A_249 {strides = array<i32>} : memref<64x768xf32, #tpu.memory_space<vmem>>, vector<1x16xf32>,
      %get3A_250 = arith.index_cast %scan3A_35 : i32 to index
      %get3A_251 = arith.constant 208 : index
      %get3A_252 = tpu.vector_load %arg9[%get3A_250, %get3A_251] {strides = array<i32>} : memref<64x768xf32, #tpu.memory_space<vmem>>, vector<1x16xf32>,
      %get3A_253 = vector.shape_cast %get3A_252 : vector<1x16xf32> to vector<16xf32>
      %mul3A_254 = arith.mulf %get3A_38, %get3A_253 : vector<16xf32>
      %get3A_255 = arith.index_cast %scan3A_35 : i32 to index
      %get3A_256 = arith.constant 208 : index
      %get3A_257 = tpu.vector_load %arg10[%get3A_255, %get3A_256] {strides = array<i32>} : memref<64x768xf32, #tpu.memory_space<vmem>>, vector<1x16xf32>,
      %get3A_258 = vector.shape_cast %get3A_257 : vector<1x16xf32> to vector<16xf32>
      %mul3A_259 = arith.mulf %get3A_42, %get3A_258 : vector<16xf32>
      %add3A_260 = arith.addf %mul3A_254, %mul3A_259 : vector<16xf32>
      %swap3A_261 = arith.index_cast %scan3A_35 : i32 to index
      %swap3A_262 = arith.constant 208 : index
      %swap3A_263 = tpu.vector_load %arg9[%swap3A_261, %swap3A_262] {strides = array<i32>} : memref<64x768xf32, #tpu.memory_space<vmem>>, vector<1x16xf32>,
      %swap3A_264 = vector.shape_cast %swap3A_263 : vector<1x16xf32> to vector<16xf32>
      %swap3A_265 = vector.shape_cast %add3A_260 : vector<16xf32> to vector<1x16xf32>
      tpu.vector_store %arg9[%swap3A_261, %swap3A_262], %swap3A_265 {strides = array<i32>} : memref<64x768xf32, #tpu.memory_space<vmem>>, vector<1x16xf32>,
      %get3A_266 = arith.index_cast %scan3A_35 : i32 to index
      %get3A_267 = arith.constant 224 : index
      %get3A_268 = tpu.vector_load %arg9[%get3A_266, %get3A_267] {strides = array<i32>} : memref<64x768xf32, #tpu.memory_space<vmem>>, vector<1x16xf32>,
      %get3A_269 = vector.shape_cast %get3A_268 : vector<1x16xf32> to vector<16xf32>
      %mul3A_270 = arith.mulf %get3A_38, %get3A_269 : vector<16xf32>
      %get3A_271 = arith.index_cast %scan3A_35 : i32 to index
      %get3A_272 = arith.constant 224 : index
      %get3A_273 = tpu.vector_load %arg10[%get3A_271, %get3A_272] {strides = array<i32>} : memref<64x768xf32, #tpu.memory_space<vmem>>, vector<1x16xf32>,
      %get3A_274 = vector.shape_cast %get3A_273 : vector<1x16xf32> to vector<16xf32>
      %mul3A_275 = arith.mulf %get3A_42, %get3A_274 : vector<16xf32>
      %add3A_276 = arith.addf %mul3A_270, %mul3A_275 : vector<16xf32>
      %swap3A_277 = arith.index_cast %scan3A_35 : i32 to index
      %swap3A_278 = arith.constant 224 : index
      %swap3A_279 = tpu.vector_load %arg9[%swap3A_277, %swap3A_278] {strides = array<i32>} : memref<64x768xf32, #tpu.memory_space<vmem>>, vector<1x16xf32>,
      %swap3A_280 = vector.shape_cast %swap3A_279 : vector<1x16xf32> to vector<16xf32>
      %swap3A_281 = vector.shape_cast %add3A_276 : vector<16xf32> to vector<1x16xf32>
      tpu.vector_store %arg9[%swap3A_277, %swap3A_278], %swap3A_281 {strides = array<i32>} : memref<64x768xf32, #tpu.memory_space<vmem>>, vector<1x16xf32>,
      %get3A_282 = arith.index_cast %scan3A_35 : i32 to index
      %get3A_283 = arith.constant 240 : index
      %get3A_284 = tpu.vector_load %arg9[%get3A_282, %get3A_283] {strides = array<i32>} : memref<64x768xf32, #tpu.memory_space<vmem>>, vector<1x16xf32>,
      %get3A_285 = vector.shape_cast %get3A_284 : vector<1x16xf32> to vector<16xf32>
      %mul3A_286 = arith.mulf %get3A_38, %get3A_285 : vector<16xf32>
      %get3A_287 = arith.index_cast %scan3A_35 : i32 to index
      %get3A_288 = arith.constant 240 : index
      %get3A_289 = tpu.vector_load %arg10[%get3A_287, %get3A_288] {strides = array<i32>} : memref<64x768xf32, #tpu.memory_space<vmem>>, vector<1x16xf32>,
      %get3A_290 = vector.shape_cast %get3A_289 : vector<1x16xf32> to vector<16xf32>
      %mul3A_291 = arith.mulf %get3A_42, %get3A_290 : vector<16xf32>
      %add3A_292 = arith.addf %mul3A_286, %mul3A_291 : vector<16xf32>
      %swap3A_293 = arith.index_cast %scan3A_35 : i32 to index
      %swap3A_294 = arith.constant 240 : index
      %swap3A_295 = tpu.vector_load %arg9[%swap3A_293, %swap3A_294] {strides = array<i32>} : memref<64x768xf32, #tpu.memory_space<vmem>>, vector<1x16xf32>,
      %swap3A_296 = vector.shape_cast %swap3A_295 : vector<1x16xf32> to vector<16xf32>
      %swap3A_297 = vector.shape_cast %add3A_292 : vector<16xf32> to vector<1x16xf32>
      tpu.vector_store %arg9[%swap3A_293, %swap3A_294], %swap3A_297 {strides = array<i32>} : memref<64x768xf32, #tpu.memory_space<vmem>>, vector<1x16xf32>,
      %get3A_298 = arith.index_cast %scan3A_35 : i32 to index
      %get3A_299 = arith.constant 256 : index
      %get3A_300 = tpu.vector_load %arg9[%get3A_298, %get3A_299] {strides = array<i32>} : memref<64x768xf32, #tpu.memory_space<vmem>>, vector<1x16xf32>,
      %get3A_301 = vector.shape_cast %get3A_300 : vector<1x16xf32> to vector<16xf32>
      %mul3A_302 = arith.mulf %get3A_38, %get3A_301 : vector<16xf32>
      %get3A_303 = arith.index_cast %scan3A_35 : i32 to index
      %get3A_304 = arith.constant 256 : index
      %get3A_305 = tpu.vector_load %arg10[%get3A_303, %get3A_304] {strides = array<i32>} : memref<64x768xf32, #tpu.memory_space<vmem>>, vector<1x16xf32>,
      %get3A_306 = vector.shape_cast %get3A_305 : vector<1x16xf32> to vector<16xf32>
      %mul3A_307 = arith.mulf %get3A_42, %get3A_306 : vector<16xf32>
      %add3A_308 = arith.addf %mul3A_302, %mul3A_307 : vector<16xf32>
      %swap3A_309 = arith.index_cast %scan3A_35 : i32 to index
      %swap3A_310 = arith.constant 256 : index
      %swap3A_311 = tpu.vector_load %arg9[%swap3A_309, %swap3A_310] {strides = array<i32>} : memref<64x768xf32, #tpu.memory_space<vmem>>, vector<1x16xf32>,
      %swap3A_312 = vector.shape_cast %swap3A_311 : vector<1x16xf32> to vector<16xf32>
      %swap3A_313 = vector.shape_cast %add3A_308 : vector<16xf32> to vector<1x16xf32>
      tpu.vector_store %arg9[%swap3A_309, %swap3A_310], %swap3A_313 {strides = array<i32>} : memref<64x768xf32, #tpu.memory_space<vmem>>, vector<1x16xf32>,
      %get3A_314 = arith.index_cast %scan3A_35 : i32 to index
      %get3A_315 = arith.constant 272 : index
      %get3A_316 = tpu.vector_load %arg9[%get3A_314, %get3A_315] {strides = array<i32>} : memref<64x768xf32, #tpu.memory_space<vmem>>, vector<1x16xf32>,
      %get3A_317 = vector.shape_cast %get3A_316 : vector<1x16xf32> to vector<16xf32>
      %mul3A_318 = arith.mulf %get3A_38, %get3A_317 : vector<16xf32>
      %get3A_319 = arith.index_cast %scan3A_35 : i32 to index
      %get3A_320 = arith.constant 272 : index
      %get3A_321 = tpu.vector_load %arg10[%get3A_319, %get3A_320] {strides = array<i32>} : memref<64x768xf32, #tpu.memory_space<vmem>>, vector<1x16xf32>,
      %get3A_322 = vector.shape_cast %get3A_321 : vector<1x16xf32> to vector<16xf32>
      %mul3A_323 = arith.mulf %get3A_42, %get3A_322 : vector<16xf32>
      %add3A_324 = arith.addf %mul3A_318, %mul3A_323 : vector<16xf32>
      %swap3A_325 = arith.index_cast %scan3A_35 : i32 to index
      %swap3A_326 = arith.constant 272 : index
      %swap3A_327 = tpu.vector_load %arg9[%swap3A_325, %swap3A_326] {strides = array<i32>} : memref<64x768xf32, #tpu.memory_space<vmem>>, vector<1x16xf32>,
      %swap3A_328 = vector.shape_cast %swap3A_327 : vector<1x16xf32> to vector<16xf32>
      %swap3A_329 = vector.shape_cast %add3A_324 : vector<16xf32> to vector<1x16xf32>
      tpu.vector_store %arg9[%swap3A_325, %swap3A_326], %swap3A_329 {strides = array<i32>} : memref<64x768xf32, #tpu.memory_space<vmem>>, vector<1x16xf32>,
      %get3A_330 = arith.index_cast %scan3A_35 : i32 to index
      %get3A_331 = arith.constant 288 : index
      %get3A_332 = tpu.vector_load %arg9[%get3A_330, %get3A_331] {strides = array<i32>} : memref<64x768xf32, #tpu.memory_space<vmem>>, vector<1x16xf32>,
      %get3A_333 = vector.shape_cast %get3A_332 : vector<1x16xf32> to vector<16xf32>
      %mul3A_334 = arith.mulf %get3A_38, %get3A_333 : vector<16xf32>
      %get3A_335 = arith.index_cast %scan3A_35 : i32 to index
      %get3A_336 = arith.constant 288 : index
      %get3A_337 = tpu.vector_load %arg10[%get3A_335, %get3A_336] {strides = array<i32>} : memref<64x768xf32, #tpu.memory_space<vmem>>, vector<1x16xf32>,
      %get3A_338 = vector.shape_cast %get3A_337 : vector<1x16xf32> to vector<16xf32>
      %mul3A_339 = arith.mulf %get3A_42, %get3A_338 : vector<16xf32>
      %add3A_340 = arith.addf %mul3A_334, %mul3A_339 : vector<16xf32>
      %swap3A_341 = arith.index_cast %scan3A_35 : i32 to index
      %swap3A_342 = arith.constant 288 : index
      %swap3A_343 = tpu.vector_load %arg9[%swap3A_341, %swap3A_342] {strides = array<i32>} : memref<64x768xf32, #tpu.memory_space<vmem>>, vector<1x16xf32>,
      %swap3A_344 = vector.shape_cast %swap3A_343 : vector<1x16xf32> to vector<16xf32>
      %swap3A_345 = vector.shape_cast %add3A_340 : vector<16xf32> to vector<1x16xf32>
      tpu.vector_store %arg9[%swap3A_341, %swap3A_342], %swap3A_345 {strides = array<i32>} : memref<64x768xf32, #tpu.memory_space<vmem>>, vector<1x16xf32>,
      %get3A_346 = arith.index_cast %scan3A_35 : i32 to index
      %get3A_347 = arith.constant 304 : index
      %get3A_348 = tpu.vector_load %arg9[%get3A_346, %get3A_347] {strides = array<i32>} : memref<64x768xf32, #tpu.memory_space<vmem>>, vector<1x16xf32>,
      %get3A_349 = vector.shape_cast %get3A_348 : vector<1x16xf32> to vector<16xf32>
      %mul3A_350 = arith.mulf %get3A_38, %get3A_349 : vector<16xf32>
      %get3A_351 = arith.index_cast %scan3A_35 : i32 to index
      %get3A_352 = arith.constant 304 : index
      %get3A_353 = tpu.vector_load %arg10[%get3A_351, %get3A_352] {strides = array<i32>} : memref<64x768xf32, #tpu.memory_space<vmem>>, vector<1x16xf32>,
      %get3A_354 = vector.shape_cast %get3A_353 : vector<1x16xf32> to vector<16xf32>
      %mul3A_355 = arith.mulf %get3A_42, %get3A_354 : vector<16xf32>
      %add3A_356 = arith.addf %mul3A_350, %mul3A_355 : vector<16xf32>
      %swap3A_357 = arith.index_cast %scan3A_35 : i32 to index
      %swap3A_358 = arith.constant 304 : index
      %swap3A_359 = tpu.vector_load %arg9[%swap3A_357, %swap3A_358] {strides = array<i32>} : memref<64x768xf32, #tpu.memory_space<vmem>>, vector<1x16xf32>,
      %swap3A_360 = vector.shape_cast %swap3A_359 : vector<1x16xf32> to vector<16xf32>
      %swap3A_361 = vector.shape_cast %add3A_356 : vector<16xf32> to vector<1x16xf32>
      tpu.vector_store %arg9[%swap3A_357, %swap3A_358], %swap3A_361 {strides = array<i32>} : memref<64x768xf32, #tpu.memory_space<vmem>>, vector<1x16xf32>,
      %get3A_362 = arith.index_cast %scan3A_35 : i32 to index
      %get3A_363 = arith.constant 320 : index
      %get3A_364 = tpu.vector_load %arg9[%get3A_362, %get3A_363] {strides = array<i32>} : memref<64x768xf32, #tpu.memory_space<vmem>>, vector<1x16xf32>,
      %get3A_365 = vector.shape_cast %get3A_364 : vector<1x16xf32> to vector<16xf32>
      %mul3A_366 = arith.mulf %get3A_38, %get3A_365 : vector<16xf32>
      %get3A_367 = arith.index_cast %scan3A_35 : i32 to index
      %get3A_368 = arith.constant 320 : index
      %get3A_369 = tpu.vector_load %arg10[%get3A_367, %get3A_368] {strides = array<i32>} : memref<64x768xf32, #tpu.memory_space<vmem>>, vector<1x16xf32>,
      %get3A_370 = vector.shape_cast %get3A_369 : vector<1x16xf32> to vector<16xf32>
      %mul3A_371 = arith.mulf %get3A_42, %get3A_370 : vector<16xf32>
      %add3A_372 = arith.addf %mul3A_366, %mul3A_371 : vector<16xf32>
      %swap3A_373 = arith.index_cast %scan3A_35 : i32 to index
      %swap3A_374 = arith.constant 320 : index
      %swap3A_375 = tpu.vector_load %arg9[%swap3A_373, %swap3A_374] {strides = array<i32>} : memref<64x768xf32, #tpu.memory_space<vmem>>, vector<1x16xf32>,
      %swap3A_376 = vector.shape_cast %swap3A_375 : vector<1x16xf32> to vector<16xf32>
      %swap3A_377 = vector.shape_cast %add3A_372 : vector<16xf32> to vector<1x16xf32>
      tpu.vector_store %arg9[%swap3A_373, %swap3A_374], %swap3A_377 {strides = array<i32>} : memref<64x768xf32, #tpu.memory_space<vmem>>, vector<1x16xf32>,
      %get3A_378 = arith.index_cast %scan3A_35 : i32 to index
      %get3A_379 = arith.constant 336 : index
      %get3A_380 = tpu.vector_load %arg9[%get3A_378, %get3A_379] {strides = array<i32>} : memref<64x768xf32, #tpu.memory_space<vmem>>, vector<1x16xf32>,
      %get3A_381 = vector.shape_cast %get3A_380 : vector<1x16xf32> to vector<16xf32>
      %mul3A_382 = arith.mulf %get3A_38, %get3A_381 : vector<16xf32>
      %get3A_383 = arith.index_cast %scan3A_35 : i32 to index
      %get3A_384 = arith.constant 336 : index
      %get3A_385 = tpu.vector_load %arg10[%get3A_383, %get3A_384] {strides = array<i32>} : memref<64x768xf32, #tpu.memory_space<vmem>>, vector<1x16xf32>,
      %get3A_386 = vector.shape_cast %get3A_385 : vector<1x16xf32> to vector<16xf32>
      %mul3A_387 = arith.mulf %get3A_42, %get3A_386 : vector<16xf32>
      %add3A_388 = arith.addf %mul3A_382, %mul3A_387 : vector<16xf32>
      %swap3A_389 = arith.index_cast %scan3A_35 : i32 to index
      %swap3A_390 = arith.constant 336 : index
      %swap3A_391 = tpu.vector_load %arg9[%swap3A_389, %swap3A_390] {strides = array<i32>} : memref<64x768xf32, #tpu.memory_space<vmem>>, vector<1x16xf32>,
      %swap3A_392 = vector.shape_cast %swap3A_391 : vector<1x16xf32> to vector<16xf32>
      %swap3A_393 = vector.shape_cast %add3A_388 : vector<16xf32> to vector<1x16xf32>
      tpu.vector_store %arg9[%swap3A_389, %swap3A_390], %swap3A_393 {strides = array<i32>} : memref<64x768xf32, #tpu.memory_space<vmem>>, vector<1x16xf32>,
      %get3A_394 = arith.index_cast %scan3A_35 : i32 to index
      %get3A_395 = arith.constant 352 : index
      %get3A_396 = tpu.vector_load %arg9[%get3A_394, %get3A_395] {strides = array<i32>} : memref<64x768xf32, #tpu.memory_space<vmem>>, vector<1x16xf32>,
      %get3A_397 = vector.shape_cast %get3A_396 : vector<1x16xf32> to vector<16xf32>
      %mul3A_398 = arith.mulf %get3A_38, %get3A_397 : vector<16xf32>
      %get3A_399 = arith.index_cast %scan3A_35 : i32 to index
      %get3A_400 = arith.constant 352 : index
      %get3A_401 = tpu.vector_load %arg10[%get3A_399, %get3A_400] {strides = array<i32>} : memref<64x768xf32, #tpu.memory_space<vmem>>, vector<1x16xf32>,
      %get3A_402 = vector.shape_cast %get3A_401 : vector<1x16xf32> to vector<16xf32>
      %mul3A_403 = arith.mulf %get3A_42, %get3A_402 : vector<16xf32>
      %add3A_404 = arith.addf %mul3A_398, %mul3A_403 : vector<16xf32>
      %swap3A_405 = arith.index_cast %scan3A_35 : i32 to index
      %swap3A_406 = arith.constant 352 : index
      %swap3A_407 = tpu.vector_load %arg9[%swap3A_405, %swap3A_406] {strides = array<i32>} : memref<64x768xf32, #tpu.memory_space<vmem>>, vector<1x16xf32>,
      %swap3A_408 = vector.shape_cast %swap3A_407 : vector<1x16xf32> to vector<16xf32>
      %swap3A_409 = vector.shape_cast %add3A_404 : vector<16xf32> to vector<1x16xf32>
      tpu.vector_store %arg9[%swap3A_405, %swap3A_406], %swap3A_409 {strides = array<i32>} : memref<64x768xf32, #tpu.memory_space<vmem>>, vector<1x16xf32>,
      %get3A_410 = arith.index_cast %scan3A_35 : i32 to index
      %get3A_411 = arith.constant 368 : index
      %get3A_412 = tpu.vector_load %arg9[%get3A_410, %get3A_411] {strides = array<i32>} : memref<64x768xf32, #tpu.memory_space<vmem>>, vector<1x16xf32>,
      %get3A_413 = vector.shape_cast %get3A_412 : vector<1x16xf32> to vector<16xf32>
      %mul3A_414 = arith.mulf %get3A_38, %get3A_413 : vector<16xf32>
      %get3A_415 = arith.index_cast %scan3A_35 : i32 to index
      %get3A_416 = arith.constant 368 : index
      %get3A_417 = tpu.vector_load %arg10[%get3A_415, %get3A_416] {strides = array<i32>} : memref<64x768xf32, #tpu.memory_space<vmem>>, vector<1x16xf32>,
      %get3A_418 = vector.shape_cast %get3A_417 : vector<1x16xf32> to vector<16xf32>
      %mul3A_419 = arith.mulf %get3A_42, %get3A_418 : vector<16xf32>
      %add3A_420 = arith.addf %mul3A_414, %mul3A_419 : vector<16xf32>
      %swap3A_421 = arith.index_cast %scan3A_35 : i32 to index
      %swap3A_422 = arith.constant 368 : index
      %swap3A_423 = tpu.vector_load %arg9[%swap3A_421, %swap3A_422] {strides = array<i32>} : memref<64x768xf32, #tpu.memory_space<vmem>>, vector<1x16xf32>,
      %swap3A_424 = vector.shape_cast %swap3A_423 : vector<1x16xf32> to vector<16xf32>
      %swap3A_425 = vector.shape_cast %add3A_420 : vector<16xf32> to vector<1x16xf32>
      tpu.vector_store %arg9[%swap3A_421, %swap3A_422], %swap3A_425 {strides = array<i32>} : memref<64x768xf32, #tpu.memory_space<vmem>>, vector<1x16xf32>,
      %get3A_426 = arith.index_cast %scan3A_35 : i32 to index
      %get3A_427 = arith.constant 384 : index
      %get3A_428 = tpu.vector_load %arg9[%get3A_426, %get3A_427] {strides = array<i32>} : memref<64x768xf32, #tpu.memory_space<vmem>>, vector<1x16xf32>,
      %get3A_429 = vector.shape_cast %get3A_428 : vector<1x16xf32> to vector<16xf32>
      %mul3A_430 = arith.mulf %get3A_38, %get3A_429 : vector<16xf32>
      %get3A_431 = arith.index_cast %scan3A_35 : i32 to index
      %get3A_432 = arith.constant 384 : index
      %get3A_433 = tpu.vector_load %arg10[%get3A_431, %get3A_432] {strides = array<i32>} : memref<64x768xf32, #tpu.memory_space<vmem>>, vector<1x16xf32>,
      %get3A_434 = vector.shape_cast %get3A_433 : vector<1x16xf32> to vector<16xf32>
      %mul3A_435 = arith.mulf %get3A_42, %get3A_434 : vector<16xf32>
      %add3A_436 = arith.addf %mul3A_430, %mul3A_435 : vector<16xf32>
      %swap3A_437 = arith.index_cast %scan3A_35 : i32 to index
      %swap3A_438 = arith.constant 384 : index
      %swap3A_439 = tpu.vector_load %arg9[%swap3A_437, %swap3A_438] {strides = array<i32>} : memref<64x768xf32, #tpu.memory_space<vmem>>, vector<1x16xf32>,
      %swap3A_440 = vector.shape_cast %swap3A_439 : vector<1x16xf32> to vector<16xf32>
      %swap3A_441 = vector.shape_cast %add3A_436 : vector<16xf32> to vector<1x16xf32>
      tpu.vector_store %arg9[%swap3A_437, %swap3A_438], %swap3A_441 {strides = array<i32>} : memref<64x768xf32, #tpu.memory_space<vmem>>, vector<1x16xf32>,
      %get3A_442 = arith.index_cast %scan3A_35 : i32 to index
      %get3A_443 = arith.constant 400 : index
      %get3A_444 = tpu.vector_load %arg9[%get3A_442, %get3A_443] {strides = array<i32>} : memref<64x768xf32, #tpu.memory_space<vmem>>, vector<1x16xf32>,
      %get3A_445 = vector.shape_cast %get3A_444 : vector<1x16xf32> to vector<16xf32>
      %mul3A_446 = arith.mulf %get3A_38, %get3A_445 : vector<16xf32>
      %get3A_447 = arith.index_cast %scan3A_35 : i32 to index
      %get3A_448 = arith.constant 400 : index
      %get3A_449 = tpu.vector_load %arg10[%get3A_447, %get3A_448] {strides = array<i32>} : memref<64x768xf32, #tpu.memory_space<vmem>>, vector<1x16xf32>,
      %get3A_450 = vector.shape_cast %get3A_449 : vector<1x16xf32> to vector<16xf32>
      %mul3A_451 = arith.mulf %get3A_42, %get3A_450 : vector<16xf32>
      %add3A_452 = arith.addf %mul3A_446, %mul3A_451 : vector<16xf32>
      %swap3A_453 = arith.index_cast %scan3A_35 : i32 to index
      %swap3A_454 = arith.constant 400 : index
      %swap3A_455 = tpu.vector_load %arg9[%swap3A_453, %swap3A_454] {strides = array<i32>} : memref<64x768xf32, #tpu.memory_space<vmem>>, vector<1x16xf32>,
      %swap3A_456 = vector.shape_cast %swap3A_455 : vector<1x16xf32> to vector<16xf32>
      %swap3A_457 = vector.shape_cast %add3A_452 : vector<16xf32> to vector<1x16xf32>
      tpu.vector_store %arg9[%swap3A_453, %swap3A_454], %swap3A_457 {strides = array<i32>} : memref<64x768xf32, #tpu.memory_space<vmem>>, vector<1x16xf32>,
      %get3A_458 = arith.index_cast %scan3A_35 : i32 to index
      %get3A_459 = arith.constant 416 : index
      %get3A_460 = tpu.vector_load %arg9[%get3A_458, %get3A_459] {strides = array<i32>} : memref<64x768xf32, #tpu.memory_space<vmem>>, vector<1x16xf32>,
      %get3A_461 = vector.shape_cast %get3A_460 : vector<1x16xf32> to vector<16xf32>
      %mul3A_462 = arith.mulf %get3A_38, %get3A_461 : vector<16xf32>
      %get3A_463 = arith.index_cast %scan3A_35 : i32 to index
      %get3A_464 = arith.constant 416 : index
      %get3A_465 = tpu.vector_load %arg10[%get3A_463, %get3A_464] {strides = array<i32>} : memref<64x768xf32, #tpu.memory_space<vmem>>, vector<1x16xf32>,
      %get3A_466 = vector.shape_cast %get3A_465 : vector<1x16xf32> to vector<16xf32>
      %mul3A_467 = arith.mulf %get3A_42, %get3A_466 : vector<16xf32>
      %add3A_468 = arith.addf %mul3A_462, %mul3A_467 : vector<16xf32>
      %swap3A_469 = arith.index_cast %scan3A_35 : i32 to index
      %swap3A_470 = arith.constant 416 : index
      %swap3A_471 = tpu.vector_load %arg9[%swap3A_469, %swap3A_470] {strides = array<i32>} : memref<64x768xf32, #tpu.memory_space<vmem>>, vector<1x16xf32>,
      %swap3A_472 = vector.shape_cast %swap3A_471 : vector<1x16xf32> to vector<16xf32>
      %swap3A_473 = vector.shape_cast %add3A_468 : vector<16xf32> to vector<1x16xf32>
      tpu.vector_store %arg9[%swap3A_469, %swap3A_470], %swap3A_473 {strides = array<i32>} : memref<64x768xf32, #tpu.memory_space<vmem>>, vector<1x16xf32>,
      %get3A_474 = arith.index_cast %scan3A_35 : i32 to index
      %get3A_475 = arith.constant 432 : index
      %get3A_476 = tpu.vector_load %arg9[%get3A_474, %get3A_475] {strides = array<i32>} : memref<64x768xf32, #tpu.memory_space<vmem>>, vector<1x16xf32>,
      %get3A_477 = vector.shape_cast %get3A_476 : vector<1x16xf32> to vector<16xf32>
      %mul3A_478 = arith.mulf %get3A_38, %get3A_477 : vector<16xf32>
      %get3A_479 = arith.index_cast %scan3A_35 : i32 to index
      %get3A_480 = arith.constant 432 : index
      %get3A_481 = tpu.vector_load %arg10[%get3A_479, %get3A_480] {strides = array<i32>} : memref<64x768xf32, #tpu.memory_space<vmem>>, vector<1x16xf32>,
      %get3A_482 = vector.shape_cast %get3A_481 : vector<1x16xf32> to vector<16xf32>
      %mul3A_483 = arith.mulf %get3A_42, %get3A_482 : vector<16xf32>
      %add3A_484 = arith.addf %mul3A_478, %mul3A_483 : vector<16xf32>
      %swap3A_485 = arith.index_cast %scan3A_35 : i32 to index
      %swap3A_486 = arith.constant 432 : index
      %swap3A_487 = tpu.vector_load %arg9[%swap3A_485, %swap3A_486] {strides = array<i32>} : memref<64x768xf32, #tpu.memory_space<vmem>>, vector<1x16xf32>,
      %swap3A_488 = vector.shape_cast %swap3A_487 : vector<1x16xf32> to vector<16xf32>
      %swap3A_489 = vector.shape_cast %add3A_484 : vector<16xf32> to vector<1x16xf32>
      tpu.vector_store %arg9[%swap3A_485, %swap3A_486], %swap3A_489 {strides = array<i32>} : memref<64x768xf32, #tpu.memory_space<vmem>>, vector<1x16xf32>,
      %get3A_490 = arith.index_cast %scan3A_35 : i32 to index
      %get3A_491 = arith.constant 448 : index
      %get3A_492 = tpu.vector_load %arg9[%get3A_490, %get3A_491] {strides = array<i32>} : memref<64x768xf32, #tpu.memory_space<vmem>>, vector<1x16xf32>,
      %get3A_493 = vector.shape_cast %get3A_492 : vector<1x16xf32> to vector<16xf32>
      %mul3A_494 = arith.mulf %get3A_38, %get3A_493 : vector<16xf32>
      %get3A_495 = arith.index_cast %scan3A_35 : i32 to index
      %get3A_496 = arith.constant 448 : index
      %get3A_497 = tpu.vector_load %arg10[%get3A_495, %get3A_496] {strides = array<i32>} : memref<64x768xf32, #tpu.memory_space<vmem>>, vector<1x16xf32>,
      %get3A_498 = vector.shape_cast %get3A_497 : vector<1x16xf32> to vector<16xf32>
      %mul3A_499 = arith.mulf %get3A_42, %get3A_498 : vector<16xf32>
      %add3A_500 = arith.addf %mul3A_494, %mul3A_499 : vector<16xf32>
      %swap3A_501 = arith.index_cast %scan3A_35 : i32 to index
      %swap3A_502 = arith.constant 448 : index
      %swap3A_503 = tpu.vector_load %arg9[%swap3A_501, %swap3A_502] {strides = array<i32>} : memref<64x768xf32, #tpu.memory_space<vmem>>, vector<1x16xf32>,
      %swap3A_504 = vector.shape_cast %swap3A_503 : vector<1x16xf32> to vector<16xf32>
      %swap3A_505 = vector.shape_cast %add3A_500 : vector<16xf32> to vector<1x16xf32>
      tpu.vector_store %arg9[%swap3A_501, %swap3A_502], %swap3A_505 {strides = array<i32>} : memref<64x768xf32, #tpu.memory_space<vmem>>, vector<1x16xf32>,
      %get3A_506 = arith.index_cast %scan3A_35 : i32 to index
      %get3A_507 = arith.constant 464 : index
      %get3A_508 = tpu.vector_load %arg9[%get3A_506, %get3A_507] {strides = array<i32>} : memref<64x768xf32, #tpu.memory_space<vmem>>, vector<1x16xf32>,
      %get3A_509 = vector.shape_cast %get3A_508 : vector<1x16xf32> to vector<16xf32>
      %mul3A_510 = arith.mulf %get3A_38, %get3A_509 : vector<16xf32>
      %get3A_511 = arith.index_cast %scan3A_35 : i32 to index
      %get3A_512 = arith.constant 464 : index
      %get3A_513 = tpu.vector_load %arg10[%get3A_511, %get3A_512] {strides = array<i32>} : memref<64x768xf32, #tpu.memory_space<vmem>>, vector<1x16xf32>,
      %get3A_514 = vector.shape_cast %get3A_513 : vector<1x16xf32> to vector<16xf32>
      %mul3A_515 = arith.mulf %get3A_42, %get3A_514 : vector<16xf32>
      %add3A_516 = arith.addf %mul3A_510, %mul3A_515 : vector<16xf32>
      %swap3A_517 = arith.index_cast %scan3A_35 : i32 to index
      %swap3A_518 = arith.constant 464 : index
      %swap3A_519 = tpu.vector_load %arg9[%swap3A_517, %swap3A_518] {strides = array<i32>} : memref<64x768xf32, #tpu.memory_space<vmem>>, vector<1x16xf32>,
      %swap3A_520 = vector.shape_cast %swap3A_519 : vector<1x16xf32> to vector<16xf32>
      %swap3A_521 = vector.shape_cast %add3A_516 : vector<16xf32> to vector<1x16xf32>
      tpu.vector_store %arg9[%swap3A_517, %swap3A_518], %swap3A_521 {strides = array<i32>} : memref<64x768xf32, #tpu.memory_space<vmem>>, vector<1x16xf32>,
      %get3A_522 = arith.index_cast %scan3A_35 : i32 to index
      %get3A_523 = arith.constant 480 : index
      %get3A_524 = tpu.vector_load %arg9[%get3A_522, %get3A_523] {strides = array<i32>} : memref<64x768xf32, #tpu.memory_space<vmem>>, vector<1x16xf32>,
      %get3A_525 = vector.shape_cast %get3A_524 : vector<1x16xf32> to vector<16xf32>
      %mul3A_526 = arith.mulf %get3A_38, %get3A_525 : vector<16xf32>
      %get3A_527 = arith.index_cast %scan3A_35 : i32 to index
      %get3A_528 = arith.constant 480 : index
      %get3A_529 = tpu.vector_load %arg10[%get3A_527, %get3A_528] {strides = array<i32>} : memref<64x768xf32, #tpu.memory_space<vmem>>, vector<1x16xf32>,
      %get3A_530 = vector.shape_cast %get3A_529 : vector<1x16xf32> to vector<16xf32>
      %mul3A_531 = arith.mulf %get3A_42, %get3A_530 : vector<16xf32>
      %add3A_532 = arith.addf %mul3A_526, %mul3A_531 : vector<16xf32>
      %swap3A_533 = arith.index_cast %scan3A_35 : i32 to index
      %swap3A_534 = arith.constant 480 : index
      %swap3A_535 = tpu.vector_load %arg9[%swap3A_533, %swap3A_534] {strides = array<i32>} : memref<64x768xf32, #tpu.memory_space<vmem>>, vector<1x16xf32>,
      %swap3A_536 = vector.shape_cast %swap3A_535 : vector<1x16xf32> to vector<16xf32>
      %swap3A_537 = vector.shape_cast %add3A_532 : vector<16xf32> to vector<1x16xf32>
      tpu.vector_store %arg9[%swap3A_533, %swap3A_534], %swap3A_537 {strides = array<i32>} : memref<64x768xf32, #tpu.memory_space<vmem>>, vector<1x16xf32>,
      %get3A_538 = arith.index_cast %scan3A_35 : i32 to index
      %get3A_539 = arith.constant 496 : index
      %get3A_540 = tpu.vector_load %arg9[%get3A_538, %get3A_539] {strides = array<i32>} : memref<64x768xf32, #tpu.memory_space<vmem>>, vector<1x16xf32>,
      %get3A_541 = vector.shape_cast %get3A_540 : vector<1x16xf32> to vector<16xf32>
      %mul3A_542 = arith.mulf %get3A_38, %get3A_541 : vector<16xf32>
      %get3A_543 = arith.index_cast %scan3A_35 : i32 to index
      %get3A_544 = arith.constant 496 : index
      %get3A_545 = tpu.vector_load %arg10[%get3A_543, %get3A_544] {strides = array<i32>} : memref<64x768xf32, #tpu.memory_space<vmem>>, vector<1x16xf32>,
      %get3A_546 = vector.shape_cast %get3A_545 : vector<1x16xf32> to vector<16xf32>
      %mul3A_547 = arith.mulf %get3A_42, %get3A_546 : vector<16xf32>
      %add3A_548 = arith.addf %mul3A_542, %mul3A_547 : vector<16xf32>
      %swap3A_549 = arith.index_cast %scan3A_35 : i32 to index
      %swap3A_550 = arith.constant 496 : index
      %swap3A_551 = tpu.vector_load %arg9[%swap3A_549, %swap3A_550] {strides = array<i32>} : memref<64x768xf32, #tpu.memory_space<vmem>>, vector<1x16xf32>,
      %swap3A_552 = vector.shape_cast %swap3A_551 : vector<1x16xf32> to vector<16xf32>
      %swap3A_553 = vector.shape_cast %add3A_548 : vector<16xf32> to vector<1x16xf32>
      tpu.vector_store %arg9[%swap3A_549, %swap3A_550], %swap3A_553 {strides = array<i32>} : memref<64x768xf32, #tpu.memory_space<vmem>>, vector<1x16xf32>,
      %get3A_554 = arith.index_cast %scan3A_35 : i32 to index
      %get3A_555 = arith.constant 512 : index
      %get3A_556 = tpu.vector_load %arg9[%get3A_554, %get3A_555] {strides = array<i32>} : memref<64x768xf32, #tpu.memory_space<vmem>>, vector<1x16xf32>,
      %get3A_557 = vector.shape_cast %get3A_556 : vector<1x16xf32> to vector<16xf32>
      %mul3A_558 = arith.mulf %get3A_38, %get3A_557 : vector<16xf32>
      %get3A_559 = arith.index_cast %scan3A_35 : i32 to index
      %get3A_560 = arith.constant 512 : index
      %get3A_561 = tpu.vector_load %arg10[%get3A_559, %get3A_560] {strides = array<i32>} : memref<64x768xf32, #tpu.memory_space<vmem>>, vector<1x16xf32>,
      %get3A_562 = vector.shape_cast %get3A_561 : vector<1x16xf32> to vector<16xf32>
      %mul3A_563 = arith.mulf %get3A_42, %get3A_562 : vector<16xf32>
      %add3A_564 = arith.addf %mul3A_558, %mul3A_563 : vector<16xf32>
      %swap3A_565 = arith.index_cast %scan3A_35 : i32 to index
      %swap3A_566 = arith.constant 512 : index
      %swap3A_567 = tpu.vector_load %arg9[%swap3A_565, %swap3A_566] {strides = array<i32>} : memref<64x768xf32, #tpu.memory_space<vmem>>, vector<1x16xf32>,
      %swap3A_568 = vector.shape_cast %swap3A_567 : vector<1x16xf32> to vector<16xf32>
      %swap3A_569 = vector.shape_cast %add3A_564 : vector<16xf32> to vector<1x16xf32>
      tpu.vector_store %arg9[%swap3A_565, %swap3A_566], %swap3A_569 {strides = array<i32>} : memref<64x768xf32, #tpu.memory_space<vmem>>, vector<1x16xf32>,
      %get3A_570 = arith.index_cast %scan3A_35 : i32 to index
      %get3A_571 = arith.constant 528 : index
      %get3A_572 = tpu.vector_load %arg9[%get3A_570, %get3A_571] {strides = array<i32>} : memref<64x768xf32, #tpu.memory_space<vmem>>, vector<1x16xf32>,
      %get3A_573 = vector.shape_cast %get3A_572 : vector<1x16xf32> to vector<16xf32>
      %mul3A_574 = arith.mulf %get3A_38, %get3A_573 : vector<16xf32>
      %get3A_575 = arith.index_cast %scan3A_35 : i32 to index
      %get3A_576 = arith.constant 528 : index
      %get3A_577 = tpu.vector_load %arg10[%get3A_575, %get3A_576] {strides = array<i32>} : memref<64x768xf32, #tpu.memory_space<vmem>>, vector<1x16xf32>,
      %get3A_578 = vector.shape_cast %get3A_577 : vector<1x16xf32> to vector<16xf32>
      %mul3A_579 = arith.mulf %get3A_42, %get3A_578 : vector<16xf32>
      %add3A_580 = arith.addf %mul3A_574, %mul3A_579 : vector<16xf32>
      %swap3A_581 = arith.index_cast %scan3A_35 : i32 to index
      %swap3A_582 = arith.constant 528 : index
      %swap3A_583 = tpu.vector_load %arg9[%swap3A_581, %swap3A_582] {strides = array<i32>} : memref<64x768xf32, #tpu.memory_space<vmem>>, vector<1x16xf32>,
      %swap3A_584 = vector.shape_cast %swap3A_583 : vector<1x16xf32> to vector<16xf32>
      %swap3A_585 = vector.shape_cast %add3A_580 : vector<16xf32> to vector<1x16xf32>
      tpu.vector_store %arg9[%swap3A_581, %swap3A_582], %swap3A_585 {strides = array<i32>} : memref<64x768xf32, #tpu.memory_space<vmem>>, vector<1x16xf32>,
      %get3A_586 = arith.index_cast %scan3A_35 : i32 to index
      %get3A_587 = arith.constant 544 : index
      %get3A_588 = tpu.vector_load %arg9[%get3A_586, %get3A_587] {strides = array<i32>} : memref<64x768xf32, #tpu.memory_space<vmem>>, vector<1x16xf32>,
      %get3A_589 = vector.shape_cast %get3A_588 : vector<1x16xf32> to vector<16xf32>
      %mul3A_590 = arith.mulf %get3A_38, %get3A_589 : vector<16xf32>
      %get3A_591 = arith.index_cast %scan3A_35 : i32 to index
      %get3A_592 = arith.constant 544 : index
      %get3A_593 = tpu.vector_load %arg10[%get3A_591, %get3A_592] {strides = array<i32>} : memref<64x768xf32, #tpu.memory_space<vmem>>, vector<1x16xf32>,
      %get3A_594 = vector.shape_cast %get3A_593 : vector<1x16xf32> to vector<16xf32>
      %mul3A_595 = arith.mulf %get3A_42, %get3A_594 : vector<16xf32>
      %add3A_596 = arith.addf %mul3A_590, %mul3A_595 : vector<16xf32>
      %swap3A_597 = arith.index_cast %scan3A_35 : i32 to index
      %swap3A_598 = arith.constant 544 : index
      %swap3A_599 = tpu.vector_load %arg9[%swap3A_597, %swap3A_598] {strides = array<i32>} : memref<64x768xf32, #tpu.memory_space<vmem>>, vector<1x16xf32>,
      %swap3A_600 = vector.shape_cast %swap3A_599 : vector<1x16xf32> to vector<16xf32>
      %swap3A_601 = vector.shape_cast %add3A_596 : vector<16xf32> to vector<1x16xf32>
      tpu.vector_store %arg9[%swap3A_597, %swap3A_598], %swap3A_601 {strides = array<i32>} : memref<64x768xf32, #tpu.memory_space<vmem>>, vector<1x16xf32>,
      %get3A_602 = arith.index_cast %scan3A_35 : i32 to index
      %get3A_603 = arith.constant 560 : index
      %get3A_604 = tpu.vector_load %arg9[%get3A_602, %get3A_603] {strides = array<i32>} : memref<64x768xf32, #tpu.memory_space<vmem>>, vector<1x16xf32>,
      %get3A_605 = vector.shape_cast %get3A_604 : vector<1x16xf32> to vector<16xf32>
      %mul3A_606 = arith.mulf %get3A_38, %get3A_605 : vector<16xf32>
      %get3A_607 = arith.index_cast %scan3A_35 : i32 to index
      %get3A_608 = arith.constant 560 : index
      %get3A_609 = tpu.vector_load %arg10[%get3A_607, %get3A_608] {strides = array<i32>} : memref<64x768xf32, #tpu.memory_space<vmem>>, vector<1x16xf32>,
      %get3A_610 = vector.shape_cast %get3A_609 : vector<1x16xf32> to vector<16xf32>
      %mul3A_611 = arith.mulf %get3A_42, %get3A_610 : vector<16xf32>
      %add3A_612 = arith.addf %mul3A_606, %mul3A_611 : vector<16xf32>
      %swap3A_613 = arith.index_cast %scan3A_35 : i32 to index
      %swap3A_614 = arith.constant 560 : index
      %swap3A_615 = tpu.vector_load %arg9[%swap3A_613, %swap3A_614] {strides = array<i32>} : memref<64x768xf32, #tpu.memory_space<vmem>>, vector<1x16xf32>,
      %swap3A_616 = vector.shape_cast %swap3A_615 : vector<1x16xf32> to vector<16xf32>
      %swap3A_617 = vector.shape_cast %add3A_612 : vector<16xf32> to vector<1x16xf32>
      tpu.vector_store %arg9[%swap3A_613, %swap3A_614], %swap3A_617 {strides = array<i32>} : memref<64x768xf32, #tpu.memory_space<vmem>>, vector<1x16xf32>,
      %get3A_618 = arith.index_cast %scan3A_35 : i32 to index
      %get3A_619 = arith.constant 576 : index
      %get3A_620 = tpu.vector_load %arg9[%get3A_618, %get3A_619] {strides = array<i32>} : memref<64x768xf32, #tpu.memory_space<vmem>>, vector<1x16xf32>,
      %get3A_621 = vector.shape_cast %get3A_620 : vector<1x16xf32> to vector<16xf32>
      %mul3A_622 = arith.mulf %get3A_38, %get3A_621 : vector<16xf32>
      %get3A_623 = arith.index_cast %scan3A_35 : i32 to index
      %get3A_624 = arith.constant 576 : index
      %get3A_625 = tpu.vector_load %arg10[%get3A_623, %get3A_624] {strides = array<i32>} : memref<64x768xf32, #tpu.memory_space<vmem>>, vector<1x16xf32>,
      %get3A_626 = vector.shape_cast %get3A_625 : vector<1x16xf32> to vector<16xf32>
      %mul3A_627 = arith.mulf %get3A_42, %get3A_626 : vector<16xf32>
      %add3A_628 = arith.addf %mul3A_622, %mul3A_627 : vector<16xf32>
      %swap3A_629 = arith.index_cast %scan3A_35 : i32 to index
      %swap3A_630 = arith.constant 576 : index
      %swap3A_631 = tpu.vector_load %arg9[%swap3A_629, %swap3A_630] {strides = array<i32>} : memref<64x768xf32, #tpu.memory_space<vmem>>, vector<1x16xf32>,
      %swap3A_632 = vector.shape_cast %swap3A_631 : vector<1x16xf32> to vector<16xf32>
      %swap3A_633 = vector.shape_cast %add3A_628 : vector<16xf32> to vector<1x16xf32>
      tpu.vector_store %arg9[%swap3A_629, %swap3A_630], %swap3A_633 {strides = array<i32>} : memref<64x768xf32, #tpu.memory_space<vmem>>, vector<1x16xf32>,
      %get3A_634 = arith.index_cast %scan3A_35 : i32 to index
      %get3A_635 = arith.constant 592 : index
      %get3A_636 = tpu.vector_load %arg9[%get3A_634, %get3A_635] {strides = array<i32>} : memref<64x768xf32, #tpu.memory_space<vmem>>, vector<1x16xf32>,
      %get3A_637 = vector.shape_cast %get3A_636 : vector<1x16xf32> to vector<16xf32>
      %mul3A_638 = arith.mulf %get3A_38, %get3A_637 : vector<16xf32>
      %get3A_639 = arith.index_cast %scan3A_35 : i32 to index
      %get3A_640 = arith.constant 592 : index
      %get3A_641 = tpu.vector_load %arg10[%get3A_639, %get3A_640] {strides = array<i32>} : memref<64x768xf32, #tpu.memory_space<vmem>>, vector<1x16xf32>,
      %get3A_642 = vector.shape_cast %get3A_641 : vector<1x16xf32> to vector<16xf32>
      %mul3A_643 = arith.mulf %get3A_42, %get3A_642 : vector<16xf32>
      %add3A_644 = arith.addf %mul3A_638, %mul3A_643 : vector<16xf32>
      %swap3A_645 = arith.index_cast %scan3A_35 : i32 to index
      %swap3A_646 = arith.constant 592 : index
      %swap3A_647 = tpu.vector_load %arg9[%swap3A_645, %swap3A_646] {strides = array<i32>} : memref<64x768xf32, #tpu.memory_space<vmem>>, vector<1x16xf32>,
      %swap3A_648 = vector.shape_cast %swap3A_647 : vector<1x16xf32> to vector<16xf32>
      %swap3A_649 = vector.shape_cast %add3A_644 : vector<16xf32> to vector<1x16xf32>
      tpu.vector_store %arg9[%swap3A_645, %swap3A_646], %swap3A_649 {strides = array<i32>} : memref<64x768xf32, #tpu.memory_space<vmem>>, vector<1x16xf32>,
      %get3A_650 = arith.index_cast %scan3A_35 : i32 to index
      %get3A_651 = arith.constant 608 : index
      %get3A_652 = tpu.vector_load %arg9[%get3A_650, %get3A_651] {strides = array<i32>} : memref<64x768xf32, #tpu.memory_space<vmem>>, vector<1x16xf32>,
      %get3A_653 = vector.shape_cast %get3A_652 : vector<1x16xf32> to vector<16xf32>
      %mul3A_654 = arith.mulf %get3A_38, %get3A_653 : vector<16xf32>
      %get3A_655 = arith.index_cast %scan3A_35 : i32 to index
      %get3A_656 = arith.constant 608 : index
      %get3A_657 = tpu.vector_load %arg10[%get3A_655, %get3A_656] {strides = array<i32>} : memref<64x768xf32, #tpu.memory_space<vmem>>, vector<1x16xf32>,
      %get3A_658 = vector.shape_cast %get3A_657 : vector<1x16xf32> to vector<16xf32>
      %mul3A_659 = arith.mulf %get3A_42, %get3A_658 : vector<16xf32>
      %add3A_660 = arith.addf %mul3A_654, %mul3A_659 : vector<16xf32>
      %swap3A_661 = arith.index_cast %scan3A_35 : i32 to index
      %swap3A_662 = arith.constant 608 : index
      %swap3A_663 = tpu.vector_load %arg9[%swap3A_661, %swap3A_662] {strides = array<i32>} : memref<64x768xf32, #tpu.memory_space<vmem>>, vector<1x16xf32>,
      %swap3A_664 = vector.shape_cast %swap3A_663 : vector<1x16xf32> to vector<16xf32>
      %swap3A_665 = vector.shape_cast %add3A_660 : vector<16xf32> to vector<1x16xf32>
      tpu.vector_store %arg9[%swap3A_661, %swap3A_662], %swap3A_665 {strides = array<i32>} : memref<64x768xf32, #tpu.memory_space<vmem>>, vector<1x16xf32>,
      %get3A_666 = arith.index_cast %scan3A_35 : i32 to index
      %get3A_667 = arith.constant 624 : index
      %get3A_668 = tpu.vector_load %arg9[%get3A_666, %get3A_667] {strides = array<i32>} : memref<64x768xf32, #tpu.memory_space<vmem>>, vector<1x16xf32>,
      %get3A_669 = vector.shape_cast %get3A_668 : vector<1x16xf32> to vector<16xf32>
      %mul3A_670 = arith.mulf %get3A_38, %get3A_669 : vector<16xf32>
      %get3A_671 = arith.index_cast %scan3A_35 : i32 to index
      %get3A_672 = arith.constant 624 : index
      %get3A_673 = tpu.vector_load %arg10[%get3A_671, %get3A_672] {strides = array<i32>} : memref<64x768xf32, #tpu.memory_space<vmem>>, vector<1x16xf32>,
      %get3A_674 = vector.shape_cast %get3A_673 : vector<1x16xf32> to vector<16xf32>
      %mul3A_675 = arith.mulf %get3A_42, %get3A_674 : vector<16xf32>
      %add3A_676 = arith.addf %mul3A_670, %mul3A_675 : vector<16xf32>
      %swap3A_677 = arith.index_cast %scan3A_35 : i32 to index
      %swap3A_678 = arith.constant 624 : index
      %swap3A_679 = tpu.vector_load %arg9[%swap3A_677, %swap3A_678] {strides = array<i32>} : memref<64x768xf32, #tpu.memory_space<vmem>>, vector<1x16xf32>,
      %swap3A_680 = vector.shape_cast %swap3A_679 : vector<1x16xf32> to vector<16xf32>
      %swap3A_681 = vector.shape_cast %add3A_676 : vector<16xf32> to vector<1x16xf32>
      tpu.vector_store %arg9[%swap3A_677, %swap3A_678], %swap3A_681 {strides = array<i32>} : memref<64x768xf32, #tpu.memory_space<vmem>>, vector<1x16xf32>,
      %get3A_682 = arith.index_cast %scan3A_35 : i32 to index
      %get3A_683 = arith.constant 640 : index
      %get3A_684 = tpu.vector_load %arg9[%get3A_682, %get3A_683] {strides = array<i32>} : memref<64x768xf32, #tpu.memory_space<vmem>>, vector<1x16xf32>,
      %get3A_685 = vector.shape_cast %get3A_684 : vector<1x16xf32> to vector<16xf32>
      %mul3A_686 = arith.mulf %get3A_38, %get3A_685 : vector<16xf32>
      %get3A_687 = arith.index_cast %scan3A_35 : i32 to index
      %get3A_688 = arith.constant 640 : index
      %get3A_689 = tpu.vector_load %arg10[%get3A_687, %get3A_688] {strides = array<i32>} : memref<64x768xf32, #tpu.memory_space<vmem>>, vector<1x16xf32>,
      %get3A_690 = vector.shape_cast %get3A_689 : vector<1x16xf32> to vector<16xf32>
      %mul3A_691 = arith.mulf %get3A_42, %get3A_690 : vector<16xf32>
      %add3A_692 = arith.addf %mul3A_686, %mul3A_691 : vector<16xf32>
      %swap3A_693 = arith.index_cast %scan3A_35 : i32 to index
      %swap3A_694 = arith.constant 640 : index
      %swap3A_695 = tpu.vector_load %arg9[%swap3A_693, %swap3A_694] {strides = array<i32>} : memref<64x768xf32, #tpu.memory_space<vmem>>, vector<1x16xf32>,
      %swap3A_696 = vector.shape_cast %swap3A_695 : vector<1x16xf32> to vector<16xf32>
      %swap3A_697 = vector.shape_cast %add3A_692 : vector<16xf32> to vector<1x16xf32>
      tpu.vector_store %arg9[%swap3A_693, %swap3A_694], %swap3A_697 {strides = array<i32>} : memref<64x768xf32, #tpu.memory_space<vmem>>, vector<1x16xf32>,
      %get3A_698 = arith.index_cast %scan3A_35 : i32 to index
      %get3A_699 = arith.constant 656 : index
      %get3A_700 = tpu.vector_load %arg9[%get3A_698, %get3A_699] {strides = array<i32>} : memref<64x768xf32, #tpu.memory_space<vmem>>, vector<1x16xf32>,
      %get3A_701 = vector.shape_cast %get3A_700 : vector<1x16xf32> to vector<16xf32>
      %mul3A_702 = arith.mulf %get3A_38, %get3A_701 : vector<16xf32>
      %get3A_703 = arith.index_cast %scan3A_35 : i32 to index
      %get3A_704 = arith.constant 656 : index
      %get3A_705 = tpu.vector_load %arg10[%get3A_703, %get3A_704] {strides = array<i32>} : memref<64x768xf32, #tpu.memory_space<vmem>>, vector<1x16xf32>,
      %get3A_706 = vector.shape_cast %get3A_705 : vector<1x16xf32> to vector<16xf32>
      %mul3A_707 = arith.mulf %get3A_42, %get3A_706 : vector<16xf32>
      %add3A_708 = arith.addf %mul3A_702, %mul3A_707 : vector<16xf32>
      %swap3A_709 = arith.index_cast %scan3A_35 : i32 to index
      %swap3A_710 = arith.constant 656 : index
      %swap3A_711 = tpu.vector_load %arg9[%swap3A_709, %swap3A_710] {strides = array<i32>} : memref<64x768xf32, #tpu.memory_space<vmem>>, vector<1x16xf32>,
      %swap3A_712 = vector.shape_cast %swap3A_711 : vector<1x16xf32> to vector<16xf32>
      %swap3A_713 = vector.shape_cast %add3A_708 : vector<16xf32> to vector<1x16xf32>
      tpu.vector_store %arg9[%swap3A_709, %swap3A_710], %swap3A_713 {strides = array<i32>} : memref<64x768xf32, #tpu.memory_space<vmem>>, vector<1x16xf32>,
      %get3A_714 = arith.index_cast %scan3A_35 : i32 to index
      %get3A_715 = arith.constant 672 : index
      %get3A_716 = tpu.vector_load %arg9[%get3A_714, %get3A_715] {strides = array<i32>} : memref<64x768xf32, #tpu.memory_space<vmem>>, vector<1x16xf32>,
      %get3A_717 = vector.shape_cast %get3A_716 : vector<1x16xf32> to vector<16xf32>
      %mul3A_718 = arith.mulf %get3A_38, %get3A_717 : vector<16xf32>
      %get3A_719 = arith.index_cast %scan3A_35 : i32 to index
      %get3A_720 = arith.constant 672 : index
      %get3A_721 = tpu.vector_load %arg10[%get3A_719, %get3A_720] {strides = array<i32>} : memref<64x768xf32, #tpu.memory_space<vmem>>, vector<1x16xf32>,
      %get3A_722 = vector.shape_cast %get3A_721 : vector<1x16xf32> to vector<16xf32>
      %mul3A_723 = arith.mulf %get3A_42, %get3A_722 : vector<16xf32>
      %add3A_724 = arith.addf %mul3A_718, %mul3A_723 : vector<16xf32>
      %swap3A_725 = arith.index_cast %scan3A_35 : i32 to index
      %swap3A_726 = arith.constant 672 : index
      %swap3A_727 = tpu.vector_load %arg9[%swap3A_725, %swap3A_726] {strides = array<i32>} : memref<64x768xf32, #tpu.memory_space<vmem>>, vector<1x16xf32>,
      %swap3A_728 = vector.shape_cast %swap3A_727 : vector<1x16xf32> to vector<16xf32>
      %swap3A_729 = vector.shape_cast %add3A_724 : vector<16xf32> to vector<1x16xf32>
      tpu.vector_store %arg9[%swap3A_725, %swap3A_726], %swap3A_729 {strides = array<i32>} : memref<64x768xf32, #tpu.memory_space<vmem>>, vector<1x16xf32>,
      %get3A_730 = arith.index_cast %scan3A_35 : i32 to index
      %get3A_731 = arith.constant 688 : index
      %get3A_732 = tpu.vector_load %arg9[%get3A_730, %get3A_731] {strides = array<i32>} : memref<64x768xf32, #tpu.memory_space<vmem>>, vector<1x16xf32>,
      %get3A_733 = vector.shape_cast %get3A_732 : vector<1x16xf32> to vector<16xf32>
      %mul3A_734 = arith.mulf %get3A_38, %get3A_733 : vector<16xf32>
      %get3A_735 = arith.index_cast %scan3A_35 : i32 to index
      %get3A_736 = arith.constant 688 : index
      %get3A_737 = tpu.vector_load %arg10[%get3A_735, %get3A_736] {strides = array<i32>} : memref<64x768xf32, #tpu.memory_space<vmem>>, vector<1x16xf32>,
      %get3A_738 = vector.shape_cast %get3A_737 : vector<1x16xf32> to vector<16xf32>
      %mul3A_739 = arith.mulf %get3A_42, %get3A_738 : vector<16xf32>
      %add3A_740 = arith.addf %mul3A_734, %mul3A_739 : vector<16xf32>
      %swap3A_741 = arith.index_cast %scan3A_35 : i32 to index
      %swap3A_742 = arith.constant 688 : index
      %swap3A_743 = tpu.vector_load %arg9[%swap3A_741, %swap3A_742] {strides = array<i32>} : memref<64x768xf32, #tpu.memory_space<vmem>>, vector<1x16xf32>,
      %swap3A_744 = vector.shape_cast %swap3A_743 : vector<1x16xf32> to vector<16xf32>
      %swap3A_745 = vector.shape_cast %add3A_740 : vector<16xf32> to vector<1x16xf32>
      tpu.vector_store %arg9[%swap3A_741, %swap3A_742], %swap3A_745 {strides = array<i32>} : memref<64x768xf32, #tpu.memory_space<vmem>>, vector<1x16xf32>,
      %get3A_746 = arith.index_cast %scan3A_35 : i32 to index
      %get3A_747 = arith.constant 704 : index
      %get3A_748 = tpu.vector_load %arg9[%get3A_746, %get3A_747] {strides = array<i32>} : memref<64x768xf32, #tpu.memory_space<vmem>>, vector<1x16xf32>,
      %get3A_749 = vector.shape_cast %get3A_748 : vector<1x16xf32> to vector<16xf32>
      %mul3A_750 = arith.mulf %get3A_38, %get3A_749 : vector<16xf32>
      %get3A_751 = arith.index_cast %scan3A_35 : i32 to index
      %get3A_752 = arith.constant 704 : index
      %get3A_753 = tpu.vector_load %arg10[%get3A_751, %get3A_752] {strides = array<i32>} : memref<64x768xf32, #tpu.memory_space<vmem>>, vector<1x16xf32>,
      %get3A_754 = vector.shape_cast %get3A_753 : vector<1x16xf32> to vector<16xf32>
      %mul3A_755 = arith.mulf %get3A_42, %get3A_754 : vector<16xf32>
      %add3A_756 = arith.addf %mul3A_750, %mul3A_755 : vector<16xf32>
      %swap3A_757 = arith.index_cast %scan3A_35 : i32 to index
      %swap3A_758 = arith.constant 704 : index
      %swap3A_759 = tpu.vector_load %arg9[%swap3A_757, %swap3A_758] {strides = array<i32>} : memref<64x768xf32, #tpu.memory_space<vmem>>, vector<1x16xf32>,
      %swap3A_760 = vector.shape_cast %swap3A_759 : vector<1x16xf32> to vector<16xf32>
      %swap3A_761 = vector.shape_cast %add3A_756 : vector<16xf32> to vector<1x16xf32>
      tpu.vector_store %arg9[%swap3A_757, %swap3A_758], %swap3A_761 {strides = array<i32>} : memref<64x768xf32, #tpu.memory_space<vmem>>, vector<1x16xf32>,
      %get3A_762 = arith.index_cast %scan3A_35 : i32 to index
      %get3A_763 = arith.constant 720 : index
      %get3A_764 = tpu.vector_load %arg9[%get3A_762, %get3A_763] {strides = array<i32>} : memref<64x768xf32, #tpu.memory_space<vmem>>, vector<1x16xf32>,
      %get3A_765 = vector.shape_cast %get3A_764 : vector<1x16xf32> to vector<16xf32>
      %mul3A_766 = arith.mulf %get3A_38, %get3A_765 : vector<16xf32>
      %get3A_767 = arith.index_cast %scan3A_35 : i32 to index
      %get3A_768 = arith.constant 720 : index
      %get3A_769 = tpu.vector_load %arg10[%get3A_767, %get3A_768] {strides = array<i32>} : memref<64x768xf32, #tpu.memory_space<vmem>>, vector<1x16xf32>,
      %get3A_770 = vector.shape_cast %get3A_769 : vector<1x16xf32> to vector<16xf32>
      %mul3A_771 = arith.mulf %get3A_42, %get3A_770 : vector<16xf32>
      %add3A_772 = arith.addf %mul3A_766, %mul3A_771 : vector<16xf32>
      %swap3A_773 = arith.index_cast %scan3A_35 : i32 to index
      %swap3A_774 = arith.constant 720 : index
      %swap3A_775 = tpu.vector_load %arg9[%swap3A_773, %swap3A_774] {strides = array<i32>} : memref<64x768xf32, #tpu.memory_space<vmem>>, vector<1x16xf32>,
      %swap3A_776 = vector.shape_cast %swap3A_775 : vector<1x16xf32> to vector<16xf32>
      %swap3A_777 = vector.shape_cast %add3A_772 : vector<16xf32> to vector<1x16xf32>
      tpu.vector_store %arg9[%swap3A_773, %swap3A_774], %swap3A_777 {strides = array<i32>} : memref<64x768xf32, #tpu.memory_space<vmem>>, vector<1x16xf32>,
      %get3A_778 = arith.index_cast %scan3A_35 : i32 to index
      %get3A_779 = arith.constant 736 : index
      %get3A_780 = tpu.vector_load %arg9[%get3A_778, %get3A_779] {strides = array<i32>} : memref<64x768xf32, #tpu.memory_space<vmem>>, vector<1x16xf32>,
      %get3A_781 = vector.shape_cast %get3A_780 : vector<1x16xf32> to vector<16xf32>
      %mul3A_782 = arith.mulf %get3A_38, %get3A_781 : vector<16xf32>
      %get3A_783 = arith.index_cast %scan3A_35 : i32 to index
      %get3A_784 = arith.constant 736 : index
      %get3A_785 = tpu.vector_load %arg10[%get3A_783, %get3A_784] {strides = array<i32>} : memref<64x768xf32, #tpu.memory_space<vmem>>, vector<1x16xf32>,
      %get3A_786 = vector.shape_cast %get3A_785 : vector<1x16xf32> to vector<16xf32>
      %mul3A_787 = arith.mulf %get3A_42, %get3A_786 : vector<16xf32>
      %add3A_788 = arith.addf %mul3A_782, %mul3A_787 : vector<16xf32>
      %swap3A_789 = arith.index_cast %scan3A_35 : i32 to index
      %swap3A_790 = arith.constant 736 : index
      %swap3A_791 = tpu.vector_load %arg9[%swap3A_789, %swap3A_790] {strides = array<i32>} : memref<64x768xf32, #tpu.memory_space<vmem>>, vector<1x16xf32>,
      %swap3A_792 = vector.shape_cast %swap3A_791 : vector<1x16xf32> to vector<16xf32>
      %swap3A_793 = vector.shape_cast %add3A_788 : vector<16xf32> to vector<1x16xf32>
      tpu.vector_store %arg9[%swap3A_789, %swap3A_790], %swap3A_793 {strides = array<i32>} : memref<64x768xf32, #tpu.memory_space<vmem>>, vector<1x16xf32>,
      %get3A_794 = arith.index_cast %scan3A_35 : i32 to index
      %get3A_795 = arith.constant 752 : index
      %get3A_796 = tpu.vector_load %arg9[%get3A_794, %get3A_795] {strides = array<i32>} : memref<64x768xf32, #tpu.memory_space<vmem>>, vector<1x16xf32>,
      %get3A_797 = vector.shape_cast %get3A_796 : vector<1x16xf32> to vector<16xf32>
      %mul3A_798 = arith.mulf %get3A_38, %get3A_797 : vector<16xf32>
      %get3A_799 = arith.index_cast %scan3A_35 : i32 to index
      %get3A_800 = arith.constant 752 : index
      %get3A_801 = tpu.vector_load %arg10[%get3A_799, %get3A_800] {strides = array<i32>} : memref<64x768xf32, #tpu.memory_space<vmem>>, vector<1x16xf32>,
      %get3A_802 = vector.shape_cast %get3A_801 : vector<1x16xf32> to vector<16xf32>
      %mul3A_803 = arith.mulf %get3A_42, %get3A_802 : vector<16xf32>
      %add3A_804 = arith.addf %mul3A_798, %mul3A_803 : vector<16xf32>
      %swap3A_805 = arith.index_cast %scan3A_35 : i32 to index
      %swap3A_806 = arith.constant 752 : index
      %swap3A_807 = tpu.vector_load %arg9[%swap3A_805, %swap3A_806] {strides = array<i32>} : memref<64x768xf32, #tpu.memory_space<vmem>>, vector<1x16xf32>,
      %swap3A_808 = vector.shape_cast %swap3A_807 : vector<1x16xf32> to vector<16xf32>
      %swap3A_809 = vector.shape_cast %add3A_804 : vector<16xf32> to vector<1x16xf32>
      tpu.vector_store %arg9[%swap3A_805, %swap3A_806], %swap3A_809 {strides = array<i32>} : memref<64x768xf32, #tpu.memory_space<vmem>>, vector<1x16xf32>,
    }
    %scan3A_34 = arith.constant 64 : i32
    "tpu.region"() ({
      %run_scoped3A_35 = tpu.sem_alloc : memref<!tpu.dma_semaphore, #tpu.memory_space<semaphore_mem>>
      %dma_start3A_36 = arith.constant 0 : i32
      %dma_start3A_37 = tpu.memref_slice %arg7[%mul3A_2, %dma_start3A_36] : memref<2048x768xf32, #tpu.memory_space<hbm>> -> memref<64x768xf32, #tpu.memory_space<hbm>>
      %dma_start3A_38 = arith.constant 0 : i32
      %dma_start3A_39 = tpu.memref_slice %arg7[%mul3A_2, %dma_start3A_38] : memref<2048x768xf32, #tpu.memory_space<hbm>> -> memref<64x768xf32, #tpu.memory_space<hbm>>
      tpu.enqueue_dma source(%arg9 : memref<64x768xf32, #tpu.memory_space<vmem>>) target(%dma_start3A_39 : memref<64x768xf32, #tpu.memory_space<hbm>>) target_semaphore(%run_scoped3A_35 : memref<!tpu.dma_semaphore, #tpu.memory_space<semaphore_mem>>)
      %dma_wait3A_40 = arith.constant 0 : i32
      %dma_wait3A_41 = tpu.memref_slice %arg7[%mul3A_2, %dma_wait3A_40] : memref<2048x768xf32, #tpu.memory_space<hbm>> -> memref<64x768xf32, #tpu.memory_space<hbm>>
      %dma_wait3A_42 = arith.constant 0 : i32
      %dma_wait3A_43 = tpu.memref_slice %arg7[%mul3A_2, %dma_wait3A_42] : memref<2048x768xf32, #tpu.memory_space<hbm>> -> memref<64x768xf32, #tpu.memory_space<hbm>>
      tpu.wait_dma2 semaphore(%run_scoped3A_35 : memref<!tpu.dma_semaphore, #tpu.memory_space<semaphore_mem>>) src(%arg9 : memref<64x768xf32, #tpu.memory_space<vmem>>) dst(%dma_wait3A_43 : memref<64x768xf32, #tpu.memory_space<hbm>>)
      tpu.yield
    }) : () -> ()
    return
  }
}

#map = affine_map<(d0, d1) -> (0, 0)>
#map1 = affine_map<(d0, d1) -> (0)>
module attributes {stable_mosaic.version = 14 : i64} {
  func.func @gather_rows(%arg0: i32, %arg1: i32, %arg2: memref<2048x768xf32, #tpu.memory_space<hbm>>, %arg3: memref<6144xi32, #tpu.memory_space<hbm>>, %arg4: memref<6144x768xf32, #tpu.memory_space<hbm>>, %arg5: memref<2x64xi32, #tpu.memory_space<vmem>>, %arg6: memref<2x64x768xf32, #tpu.memory_space<vmem>>, %arg7: memref<!tpu.dma_semaphore, #tpu.memory_space<semaphore_mem>>, %arg8: memref<!tpu.dma_semaphore, #tpu.memory_space<semaphore_mem>>) attributes {dimension_semantics = [#tpu.dimension_semantics<core_parallel>, #tpu.dimension_semantics<subcore_parallel>], iteration_bounds = array<i64: 2, 16>, scalar_prefetch = 0 : i64, scratch_operands = 4 : i64, tpu.core_type = #tpu.core_type<sc_vector_subcore>, window_params = [{transform_indices = #map}, {transform_indices = #map1}, {transform_indices = #map}]} {
    %mul3A = arith.constant 2 : i32
    %mul3A_0 = arith.muli %arg1, %mul3A : i32
    %add3A = arith.addi %mul3A_0, %arg0 : i32
    %mul3A_1 = arith.constant 192 : i32
    %mul3A_2 = arith.muli %add3A, %mul3A_1 : i32
    %add3A_3 = arith.constant 0 : i32
    %add3A_4 = arith.addi %mul3A_2, %add3A_3 : i32
    %run_scoped3A = arith.constant 0 : i32
    "tpu.region"() ({
      %run_scoped3A_90 = tpu.sem_alloc : memref<!tpu.dma_semaphore, #tpu.memory_space<semaphore_mem>>
      %dma_start3A_91 = arith.constant 0 : i32
      %dma_start3A_92 = tpu.memref_slice %arg5[%run_scoped3A, %dma_start3A_91] : memref<2x64xi32, #tpu.memory_space<vmem>> -> memref<1x64xi32, #tpu.memory_space<vmem>>
      %dma_start3A_93 = tpu.memref_squeeze %dma_start3A_92 : memref<1x64xi32, #tpu.memory_space<vmem>> -> memref<64xi32, #tpu.memory_space<vmem>>
      %dma_start3A_94 = tpu.memref_slice %arg3[%add3A_4] : memref<6144xi32, #tpu.memory_space<hbm>> -> memref<64xi32, #tpu.memory_space<hbm>>
      %dma_start3A_95 = arith.constant 0 : i32
      %dma_start3A_96 = tpu.memref_slice %arg5[%run_scoped3A, %dma_start3A_95] : memref<2x64xi32, #tpu.memory_space<vmem>> -> memref<1x64xi32, #tpu.memory_space<vmem>>
      %dma_start3A_97 = tpu.memref_squeeze %dma_start3A_96 : memref<1x64xi32, #tpu.memory_space<vmem>> -> memref<64xi32, #tpu.memory_space<vmem>>
      %dma_start3A_98 = tpu.memref_slice %arg3[%add3A_4] : memref<6144xi32, #tpu.memory_space<hbm>> -> memref<64xi32, #tpu.memory_space<hbm>>
      tpu.enqueue_dma source(%dma_start3A_98 : memref<64xi32, #tpu.memory_space<hbm>>) target(%dma_start3A_97 : memref<64xi32, #tpu.memory_space<vmem>>) target_semaphore(%run_scoped3A_90 : memref<!tpu.dma_semaphore, #tpu.memory_space<semaphore_mem>>)
      %dma_wait3A_99 = arith.constant 0 : i32
      %dma_wait3A_100 = tpu.memref_slice %arg5[%run_scoped3A, %dma_wait3A_99] : memref<2x64xi32, #tpu.memory_space<vmem>> -> memref<1x64xi32, #tpu.memory_space<vmem>>
      %dma_wait3A_101 = tpu.memref_squeeze %dma_wait3A_100 : memref<1x64xi32, #tpu.memory_space<vmem>> -> memref<64xi32, #tpu.memory_space<vmem>>
      %dma_wait3A_102 = tpu.memref_slice %arg3[%add3A_4] : memref<6144xi32, #tpu.memory_space<hbm>> -> memref<64xi32, #tpu.memory_space<hbm>>
      %dma_wait3A_103 = arith.constant 0 : i32
      %dma_wait3A_104 = tpu.memref_slice %arg5[%run_scoped3A, %dma_wait3A_103] : memref<2x64xi32, #tpu.memory_space<vmem>> -> memref<1x64xi32, #tpu.memory_space<vmem>>
      %dma_wait3A_105 = tpu.memref_squeeze %dma_wait3A_104 : memref<1x64xi32, #tpu.memory_space<vmem>> -> memref<64xi32, #tpu.memory_space<vmem>>
      %dma_wait3A_106 = tpu.memref_slice %arg3[%add3A_4] : memref<6144xi32, #tpu.memory_space<hbm>> -> memref<64xi32, #tpu.memory_space<hbm>>
      tpu.wait_dma2 semaphore(%run_scoped3A_90 : memref<!tpu.dma_semaphore, #tpu.memory_space<semaphore_mem>>) src(%dma_wait3A_106 : memref<64xi32, #tpu.memory_space<hbm>>) dst(%dma_wait3A_105 : memref<64xi32, #tpu.memory_space<vmem>>)
      tpu.yield
    }) : () -> ()
    %dma_start3A = arith.constant 0 : i32
    %dma_start3A_5 = arith.constant 0 : i32
    %dma_start3A_6 = arith.constant 0 : i32
    %dma_start3A_7 = arith.constant 0 : i32
    %dma_start3A_8 = tpu.memref_slice %arg6[%dma_start3A_5, %dma_start3A_6, %dma_start3A_7] : memref<2x64x768xf32, #tpu.memory_space<vmem>> -> memref<1x64x768xf32, #tpu.memory_space<vmem>>
    %dma_start3A_9 = tpu.memref_squeeze %dma_start3A_8 : memref<1x64x768xf32, #tpu.memory_space<vmem>> -> memref<64x768xf32, #tpu.memory_space<vmem>>
    %dma_start3A_10 = arith.constant 0 : i32
    %dma_start3A_11 = tpu.memref_slice %arg5[%dma_start3A, %dma_start3A_10] : memref<2x64xi32, #tpu.memory_space<vmem>> -> memref<1x64xi32, #tpu.memory_space<vmem>>
    %dma_start3A_12 = tpu.memref_squeeze %dma_start3A_11 : memref<1x64xi32, #tpu.memory_space<vmem>> -> memref<64xi32, #tpu.memory_space<vmem>>
    %dma_start3A_13 = arith.constant 0 : i32
    %dma_start3A_14 = arith.constant 0 : i32
    %dma_start3A_15 = tpu.memref_slice %arg2[%dma_start3A_13, %dma_start3A_14] : memref<2048x768xf32, #tpu.memory_space<hbm>> -> memref<2048x768xf32, #tpu.memory_space<hbm>>
    tpu.enqueue_indirect_dma source(%dma_start3A_15 : memref<2048x768xf32, #tpu.memory_space<hbm>>) target(%dma_start3A_9 : memref<64x768xf32, #tpu.memory_space<vmem>>) offsets(%dma_start3A_12 : memref<64xi32, #tpu.memory_space<vmem>>) semaphore(%arg7 : memref<!tpu.dma_semaphore, #tpu.memory_space<semaphore_mem>>)
    %add3A_16 = arith.constant 64 : i32
    %add3A_17 = arith.addi %mul3A_2, %add3A_16 : i32
    %run_scoped3A_18 = arith.constant 1 : i32
    "tpu.region"() ({
      %run_scoped3A_90 = tpu.sem_alloc : memref<!tpu.dma_semaphore, #tpu.memory_space<semaphore_mem>>
      %dma_start3A_91 = arith.constant 0 : i32
      %dma_start3A_92 = tpu.memref_slice %arg5[%run_scoped3A_18, %dma_start3A_91] : memref<2x64xi32, #tpu.memory_space<vmem>> -> memref<1x64xi32, #tpu.memory_space<vmem>>
      %dma_start3A_93 = tpu.memref_squeeze %dma_start3A_92 : memref<1x64xi32, #tpu.memory_space<vmem>> -> memref<64xi32, #tpu.memory_space<vmem>>
      %dma_start3A_94 = tpu.memref_slice %arg3[%add3A_17] : memref<6144xi32, #tpu.memory_space<hbm>> -> memref<64xi32, #tpu.memory_space<hbm>>
      %dma_start3A_95 = arith.constant 0 : i32
      %dma_start3A_96 = tpu.memref_slice %arg5[%run_scoped3A_18, %dma_start3A_95] : memref<2x64xi32, #tpu.memory_space<vmem>> -> memref<1x64xi32, #tpu.memory_space<vmem>>
      %dma_start3A_97 = tpu.memref_squeeze %dma_start3A_96 : memref<1x64xi32, #tpu.memory_space<vmem>> -> memref<64xi32, #tpu.memory_space<vmem>>
      %dma_start3A_98 = tpu.memref_slice %arg3[%add3A_17] : memref<6144xi32, #tpu.memory_space<hbm>> -> memref<64xi32, #tpu.memory_space<hbm>>
      tpu.enqueue_dma source(%dma_start3A_98 : memref<64xi32, #tpu.memory_space<hbm>>) target(%dma_start3A_97 : memref<64xi32, #tpu.memory_space<vmem>>) target_semaphore(%run_scoped3A_90 : memref<!tpu.dma_semaphore, #tpu.memory_space<semaphore_mem>>)
      %dma_wait3A_99 = arith.constant 0 : i32
      %dma_wait3A_100 = tpu.memref_slice %arg5[%run_scoped3A_18, %dma_wait3A_99] : memref<2x64xi32, #tpu.memory_space<vmem>> -> memref<1x64xi32, #tpu.memory_space<vmem>>
      %dma_wait3A_101 = tpu.memref_squeeze %dma_wait3A_100 : memref<1x64xi32, #tpu.memory_space<vmem>> -> memref<64xi32, #tpu.memory_space<vmem>>
      %dma_wait3A_102 = tpu.memref_slice %arg3[%add3A_17] : memref<6144xi32, #tpu.memory_space<hbm>> -> memref<64xi32, #tpu.memory_space<hbm>>
      %dma_wait3A_103 = arith.constant 0 : i32
      %dma_wait3A_104 = tpu.memref_slice %arg5[%run_scoped3A_18, %dma_wait3A_103] : memref<2x64xi32, #tpu.memory_space<vmem>> -> memref<1x64xi32, #tpu.memory_space<vmem>>
      %dma_wait3A_105 = tpu.memref_squeeze %dma_wait3A_104 : memref<1x64xi32, #tpu.memory_space<vmem>> -> memref<64xi32, #tpu.memory_space<vmem>>
      %dma_wait3A_106 = tpu.memref_slice %arg3[%add3A_17] : memref<6144xi32, #tpu.memory_space<hbm>> -> memref<64xi32, #tpu.memory_space<hbm>>
      tpu.wait_dma2 semaphore(%run_scoped3A_90 : memref<!tpu.dma_semaphore, #tpu.memory_space<semaphore_mem>>) src(%dma_wait3A_106 : memref<64xi32, #tpu.memory_space<hbm>>) dst(%dma_wait3A_105 : memref<64xi32, #tpu.memory_space<vmem>>)
      tpu.yield
    }) : () -> ()
    %dma_start3A_19 = arith.constant 1 : i32
    %dma_start3A_20 = arith.constant 1 : i32
    %dma_start3A_21 = arith.constant 0 : i32
    %dma_start3A_22 = arith.constant 0 : i32
    %dma_start3A_23 = tpu.memref_slice %arg6[%dma_start3A_20, %dma_start3A_21, %dma_start3A_22] : memref<2x64x768xf32, #tpu.memory_space<vmem>> -> memref<1x64x768xf32, #tpu.memory_space<vmem>>
    %dma_start3A_24 = tpu.memref_squeeze %dma_start3A_23 : memref<1x64x768xf32, #tpu.memory_space<vmem>> -> memref<64x768xf32, #tpu.memory_space<vmem>>
    %dma_start3A_25 = arith.constant 0 : i32
    %dma_start3A_26 = tpu.memref_slice %arg5[%dma_start3A_19, %dma_start3A_25] : memref<2x64xi32, #tpu.memory_space<vmem>> -> memref<1x64xi32, #tpu.memory_space<vmem>>
    %dma_start3A_27 = tpu.memref_squeeze %dma_start3A_26 : memref<1x64xi32, #tpu.memory_space<vmem>> -> memref<64xi32, #tpu.memory_space<vmem>>
    %dma_start3A_28 = arith.constant 0 : i32
    %dma_start3A_29 = arith.constant 0 : i32
    %dma_start3A_30 = tpu.memref_slice %arg2[%dma_start3A_28, %dma_start3A_29] : memref<2048x768xf32, #tpu.memory_space<hbm>> -> memref<2048x768xf32, #tpu.memory_space<hbm>>
    tpu.enqueue_indirect_dma source(%dma_start3A_30 : memref<2048x768xf32, #tpu.memory_space<hbm>>) target(%dma_start3A_24 : memref<64x768xf32, #tpu.memory_space<vmem>>) offsets(%dma_start3A_27 : memref<64xi32, #tpu.memory_space<vmem>>) semaphore(%arg8 : memref<!tpu.dma_semaphore, #tpu.memory_space<semaphore_mem>>)
    %dma_wait3A = arith.constant 0 : i32
    %dma_wait3A_31 = arith.constant 0 : i32
    %dma_wait3A_32 = arith.constant 0 : i32
    %dma_wait3A_33 = arith.constant 0 : i32
    %dma_wait3A_34 = tpu.memref_slice %arg6[%dma_wait3A_31, %dma_wait3A_32, %dma_wait3A_33] : memref<2x64x768xf32, #tpu.memory_space<vmem>> -> memref<1x64x768xf32, #tpu.memory_space<vmem>>
    %dma_wait3A_35 = tpu.memref_squeeze %dma_wait3A_34 : memref<1x64x768xf32, #tpu.memory_space<vmem>> -> memref<64x768xf32, #tpu.memory_space<vmem>>
    %dma_wait3A_36 = arith.constant 0 : i32
    %dma_wait3A_37 = tpu.memref_slice %arg5[%dma_wait3A, %dma_wait3A_36] : memref<2x64xi32, #tpu.memory_space<vmem>> -> memref<1x64xi32, #tpu.memory_space<vmem>>
    %dma_wait3A_38 = tpu.memref_squeeze %dma_wait3A_37 : memref<1x64xi32, #tpu.memory_space<vmem>> -> memref<64xi32, #tpu.memory_space<vmem>>
    %dma_wait3A_39 = arith.constant 0 : i32
    %dma_wait3A_40 = arith.constant 0 : i32
    %dma_wait3A_41 = tpu.memref_slice %arg2[%dma_wait3A_39, %dma_wait3A_40] : memref<2048x768xf32, #tpu.memory_space<hbm>> -> memref<2048x768xf32, #tpu.memory_space<hbm>>
    tpu.wait_indirect_dma semaphore(%arg7 : memref<!tpu.dma_semaphore, #tpu.memory_space<semaphore_mem>>) src(%dma_wait3A_41 : memref<2048x768xf32, #tpu.memory_space<hbm>>) dst(%dma_wait3A_35 : memref<64x768xf32, #tpu.memory_space<vmem>>)
    %add3A_42 = arith.constant 0 : i32
    %add3A_43 = arith.addi %mul3A_2, %add3A_42 : i32
    %run_scoped3A_44 = arith.constant 0 : i32
    "tpu.region"() ({
      %run_scoped3A_90 = tpu.sem_alloc : memref<!tpu.dma_semaphore, #tpu.memory_space<semaphore_mem>>
      %dma_start3A_91 = arith.constant 0 : i32
      %dma_start3A_92 = arith.constant 0 : i32
      %dma_start3A_93 = tpu.memref_slice %arg6[%run_scoped3A_44, %dma_start3A_91, %dma_start3A_92] : memref<2x64x768xf32, #tpu.memory_space<vmem>> -> memref<1x64x768xf32, #tpu.memory_space<vmem>>
      %dma_start3A_94 = tpu.memref_squeeze %dma_start3A_93 : memref<1x64x768xf32, #tpu.memory_space<vmem>> -> memref<64x768xf32, #tpu.memory_space<vmem>>
      %dma_start3A_95 = arith.constant 0 : i32
      %dma_start3A_96 = tpu.memref_slice %arg4[%add3A_43, %dma_start3A_95] : memref<6144x768xf32, #tpu.memory_space<hbm>> -> memref<64x768xf32, #tpu.memory_space<hbm>>
      %dma_start3A_97 = arith.constant 0 : i32
      %dma_start3A_98 = tpu.memref_slice %arg4[%add3A_43, %dma_start3A_97] : memref<6144x768xf32, #tpu.memory_space<hbm>> -> memref<64x768xf32, #tpu.memory_space<hbm>>
      %dma_start3A_99 = arith.constant 0 : i32
      %dma_start3A_100 = arith.constant 0 : i32
      %dma_start3A_101 = tpu.memref_slice %arg6[%run_scoped3A_44, %dma_start3A_99, %dma_start3A_100] : memref<2x64x768xf32, #tpu.memory_space<vmem>> -> memref<1x64x768xf32, #tpu.memory_space<vmem>>
      %dma_start3A_102 = tpu.memref_squeeze %dma_start3A_101 : memref<1x64x768xf32, #tpu.memory_space<vmem>> -> memref<64x768xf32, #tpu.memory_space<vmem>>
      tpu.enqueue_dma source(%dma_start3A_102 : memref<64x768xf32, #tpu.memory_space<vmem>>) target(%dma_start3A_98 : memref<64x768xf32, #tpu.memory_space<hbm>>) target_semaphore(%run_scoped3A_90 : memref<!tpu.dma_semaphore, #tpu.memory_space<semaphore_mem>>)
      %dma_wait3A_103 = arith.constant 0 : i32
      %dma_wait3A_104 = arith.constant 0 : i32
      %dma_wait3A_105 = tpu.memref_slice %arg6[%run_scoped3A_44, %dma_wait3A_103, %dma_wait3A_104] : memref<2x64x768xf32, #tpu.memory_space<vmem>> -> memref<1x64x768xf32, #tpu.memory_space<vmem>>
      %dma_wait3A_106 = tpu.memref_squeeze %dma_wait3A_105 : memref<1x64x768xf32, #tpu.memory_space<vmem>> -> memref<64x768xf32, #tpu.memory_space<vmem>>
      %dma_wait3A_107 = arith.constant 0 : i32
      %dma_wait3A_108 = tpu.memref_slice %arg4[%add3A_43, %dma_wait3A_107] : memref<6144x768xf32, #tpu.memory_space<hbm>> -> memref<64x768xf32, #tpu.memory_space<hbm>>
      %dma_wait3A_109 = arith.constant 0 : i32
      %dma_wait3A_110 = tpu.memref_slice %arg4[%add3A_43, %dma_wait3A_109] : memref<6144x768xf32, #tpu.memory_space<hbm>> -> memref<64x768xf32, #tpu.memory_space<hbm>>
      %dma_wait3A_111 = arith.constant 0 : i32
      %dma_wait3A_112 = arith.constant 0 : i32
      %dma_wait3A_113 = tpu.memref_slice %arg6[%run_scoped3A_44, %dma_wait3A_111, %dma_wait3A_112] : memref<2x64x768xf32, #tpu.memory_space<vmem>> -> memref<1x64x768xf32, #tpu.memory_space<vmem>>
      %dma_wait3A_114 = tpu.memref_squeeze %dma_wait3A_113 : memref<1x64x768xf32, #tpu.memory_space<vmem>> -> memref<64x768xf32, #tpu.memory_space<vmem>>
      tpu.wait_dma2 semaphore(%run_scoped3A_90 : memref<!tpu.dma_semaphore, #tpu.memory_space<semaphore_mem>>) src(%dma_wait3A_114 : memref<64x768xf32, #tpu.memory_space<vmem>>) dst(%dma_wait3A_110 : memref<64x768xf32, #tpu.memory_space<hbm>>)
      tpu.yield
    }) : () -> ()
    %add3A_45 = arith.constant 128 : i32
    %add3A_46 = arith.addi %mul3A_2, %add3A_45 : i32
    %run_scoped3A_47 = arith.constant 0 : i32
    "tpu.region"() ({
      %run_scoped3A_90 = tpu.sem_alloc : memref<!tpu.dma_semaphore, #tpu.memory_space<semaphore_mem>>
      %dma_start3A_91 = arith.constant 0 : i32
      %dma_start3A_92 = tpu.memref_slice %arg5[%run_scoped3A_47, %dma_start3A_91] : memref<2x64xi32, #tpu.memory_space<vmem>> -> memref<1x64xi32, #tpu.memory_space<vmem>>
      %dma_start3A_93 = tpu.memref_squeeze %dma_start3A_92 : memref<1x64xi32, #tpu.memory_space<vmem>> -> memref<64xi32, #tpu.memory_space<vmem>>
      %dma_start3A_94 = tpu.memref_slice %arg3[%add3A_46] : memref<6144xi32, #tpu.memory_space<hbm>> -> memref<64xi32, #tpu.memory_space<hbm>>
      %dma_start3A_95 = arith.constant 0 : i32
      %dma_start3A_96 = tpu.memref_slice %arg5[%run_scoped3A_47, %dma_start3A_95] : memref<2x64xi32, #tpu.memory_space<vmem>> -> memref<1x64xi32, #tpu.memory_space<vmem>>
      %dma_start3A_97 = tpu.memref_squeeze %dma_start3A_96 : memref<1x64xi32, #tpu.memory_space<vmem>> -> memref<64xi32, #tpu.memory_space<vmem>>
      %dma_start3A_98 = tpu.memref_slice %arg3[%add3A_46] : memref<6144xi32, #tpu.memory_space<hbm>> -> memref<64xi32, #tpu.memory_space<hbm>>
      tpu.enqueue_dma source(%dma_start3A_98 : memref<64xi32, #tpu.memory_space<hbm>>) target(%dma_start3A_97 : memref<64xi32, #tpu.memory_space<vmem>>) target_semaphore(%run_scoped3A_90 : memref<!tpu.dma_semaphore, #tpu.memory_space<semaphore_mem>>)
      %dma_wait3A_99 = arith.constant 0 : i32
      %dma_wait3A_100 = tpu.memref_slice %arg5[%run_scoped3A_47, %dma_wait3A_99] : memref<2x64xi32, #tpu.memory_space<vmem>> -> memref<1x64xi32, #tpu.memory_space<vmem>>
      %dma_wait3A_101 = tpu.memref_squeeze %dma_wait3A_100 : memref<1x64xi32, #tpu.memory_space<vmem>> -> memref<64xi32, #tpu.memory_space<vmem>>
      %dma_wait3A_102 = tpu.memref_slice %arg3[%add3A_46] : memref<6144xi32, #tpu.memory_space<hbm>> -> memref<64xi32, #tpu.memory_space<hbm>>
      %dma_wait3A_103 = arith.constant 0 : i32
      %dma_wait3A_104 = tpu.memref_slice %arg5[%run_scoped3A_47, %dma_wait3A_103] : memref<2x64xi32, #tpu.memory_space<vmem>> -> memref<1x64xi32, #tpu.memory_space<vmem>>
      %dma_wait3A_105 = tpu.memref_squeeze %dma_wait3A_104 : memref<1x64xi32, #tpu.memory_space<vmem>> -> memref<64xi32, #tpu.memory_space<vmem>>
      %dma_wait3A_106 = tpu.memref_slice %arg3[%add3A_46] : memref<6144xi32, #tpu.memory_space<hbm>> -> memref<64xi32, #tpu.memory_space<hbm>>
      tpu.wait_dma2 semaphore(%run_scoped3A_90 : memref<!tpu.dma_semaphore, #tpu.memory_space<semaphore_mem>>) src(%dma_wait3A_106 : memref<64xi32, #tpu.memory_space<hbm>>) dst(%dma_wait3A_105 : memref<64xi32, #tpu.memory_space<vmem>>)
      tpu.yield
    }) : () -> ()
    %dma_start3A_48 = arith.constant 0 : i32
    %dma_start3A_49 = arith.constant 0 : i32
    %dma_start3A_50 = arith.constant 0 : i32
    %dma_start3A_51 = arith.constant 0 : i32
    %dma_start3A_52 = tpu.memref_slice %arg6[%dma_start3A_49, %dma_start3A_50, %dma_start3A_51] : memref<2x64x768xf32, #tpu.memory_space<vmem>> -> memref<1x64x768xf32, #tpu.memory_space<vmem>>
    %dma_start3A_53 = tpu.memref_squeeze %dma_start3A_52 : memref<1x64x768xf32, #tpu.memory_space<vmem>> -> memref<64x768xf32, #tpu.memory_space<vmem>>
    %dma_start3A_54 = arith.constant 0 : i32
    %dma_start3A_55 = tpu.memref_slice %arg5[%dma_start3A_48, %dma_start3A_54] : memref<2x64xi32, #tpu.memory_space<vmem>> -> memref<1x64xi32, #tpu.memory_space<vmem>>
    %dma_start3A_56 = tpu.memref_squeeze %dma_start3A_55 : memref<1x64xi32, #tpu.memory_space<vmem>> -> memref<64xi32, #tpu.memory_space<vmem>>
    %dma_start3A_57 = arith.constant 0 : i32
    %dma_start3A_58 = arith.constant 0 : i32
    %dma_start3A_59 = tpu.memref_slice %arg2[%dma_start3A_57, %dma_start3A_58] : memref<2048x768xf32, #tpu.memory_space<hbm>> -> memref<2048x768xf32, #tpu.memory_space<hbm>>
    tpu.enqueue_indirect_dma source(%dma_start3A_59 : memref<2048x768xf32, #tpu.memory_space<hbm>>) target(%dma_start3A_53 : memref<64x768xf32, #tpu.memory_space<vmem>>) offsets(%dma_start3A_56 : memref<64xi32, #tpu.memory_space<vmem>>) semaphore(%arg7 : memref<!tpu.dma_semaphore, #tpu.memory_space<semaphore_mem>>)
    %dma_wait3A_60 = arith.constant 1 : i32
    %dma_wait3A_61 = arith.constant 1 : i32
    %dma_wait3A_62 = arith.constant 0 : i32
    %dma_wait3A_63 = arith.constant 0 : i32
    %dma_wait3A_64 = tpu.memref_slice %arg6[%dma_wait3A_61, %dma_wait3A_62, %dma_wait3A_63] : memref<2x64x768xf32, #tpu.memory_space<vmem>> -> memref<1x64x768xf32, #tpu.memory_space<vmem>>
    %dma_wait3A_65 = tpu.memref_squeeze %dma_wait3A_64 : memref<1x64x768xf32, #tpu.memory_space<vmem>> -> memref<64x768xf32, #tpu.memory_space<vmem>>
    %dma_wait3A_66 = arith.constant 0 : i32
    %dma_wait3A_67 = tpu.memref_slice %arg5[%dma_wait3A_60, %dma_wait3A_66] : memref<2x64xi32, #tpu.memory_space<vmem>> -> memref<1x64xi32, #tpu.memory_space<vmem>>
    %dma_wait3A_68 = tpu.memref_squeeze %dma_wait3A_67 : memref<1x64xi32, #tpu.memory_space<vmem>> -> memref<64xi32, #tpu.memory_space<vmem>>
    %dma_wait3A_69 = arith.constant 0 : i32
    %dma_wait3A_70 = arith.constant 0 : i32
    %dma_wait3A_71 = tpu.memref_slice %arg2[%dma_wait3A_69, %dma_wait3A_70] : memref<2048x768xf32, #tpu.memory_space<hbm>> -> memref<2048x768xf32, #tpu.memory_space<hbm>>
    tpu.wait_indirect_dma semaphore(%arg8 : memref<!tpu.dma_semaphore, #tpu.memory_space<semaphore_mem>>) src(%dma_wait3A_71 : memref<2048x768xf32, #tpu.memory_space<hbm>>) dst(%dma_wait3A_65 : memref<64x768xf32, #tpu.memory_space<vmem>>)
    %add3A_72 = arith.constant 64 : i32
    %add3A_73 = arith.addi %mul3A_2, %add3A_72 : i32
    %run_scoped3A_74 = arith.constant 1 : i32
    "tpu.region"() ({
      %run_scoped3A_90 = tpu.sem_alloc : memref<!tpu.dma_semaphore, #tpu.memory_space<semaphore_mem>>
      %dma_start3A_91 = arith.constant 0 : i32
      %dma_start3A_92 = arith.constant 0 : i32
      %dma_start3A_93 = tpu.memref_slice %arg6[%run_scoped3A_74, %dma_start3A_91, %dma_start3A_92] : memref<2x64x768xf32, #tpu.memory_space<vmem>> -> memref<1x64x768xf32, #tpu.memory_space<vmem>>
      %dma_start3A_94 = tpu.memref_squeeze %dma_start3A_93 : memref<1x64x768xf32, #tpu.memory_space<vmem>> -> memref<64x768xf32, #tpu.memory_space<vmem>>
      %dma_start3A_95 = arith.constant 0 : i32
      %dma_start3A_96 = tpu.memref_slice %arg4[%add3A_73, %dma_start3A_95] : memref<6144x768xf32, #tpu.memory_space<hbm>> -> memref<64x768xf32, #tpu.memory_space<hbm>>
      %dma_start3A_97 = arith.constant 0 : i32
      %dma_start3A_98 = tpu.memref_slice %arg4[%add3A_73, %dma_start3A_97] : memref<6144x768xf32, #tpu.memory_space<hbm>> -> memref<64x768xf32, #tpu.memory_space<hbm>>
      %dma_start3A_99 = arith.constant 0 : i32
      %dma_start3A_100 = arith.constant 0 : i32
      %dma_start3A_101 = tpu.memref_slice %arg6[%run_scoped3A_74, %dma_start3A_99, %dma_start3A_100] : memref<2x64x768xf32, #tpu.memory_space<vmem>> -> memref<1x64x768xf32, #tpu.memory_space<vmem>>
      %dma_start3A_102 = tpu.memref_squeeze %dma_start3A_101 : memref<1x64x768xf32, #tpu.memory_space<vmem>> -> memref<64x768xf32, #tpu.memory_space<vmem>>
      tpu.enqueue_dma source(%dma_start3A_102 : memref<64x768xf32, #tpu.memory_space<vmem>>) target(%dma_start3A_98 : memref<64x768xf32, #tpu.memory_space<hbm>>) target_semaphore(%run_scoped3A_90 : memref<!tpu.dma_semaphore, #tpu.memory_space<semaphore_mem>>)
      %dma_wait3A_103 = arith.constant 0 : i32
      %dma_wait3A_104 = arith.constant 0 : i32
      %dma_wait3A_105 = tpu.memref_slice %arg6[%run_scoped3A_74, %dma_wait3A_103, %dma_wait3A_104] : memref<2x64x768xf32, #tpu.memory_space<vmem>> -> memref<1x64x768xf32, #tpu.memory_space<vmem>>
      %dma_wait3A_106 = tpu.memref_squeeze %dma_wait3A_105 : memref<1x64x768xf32, #tpu.memory_space<vmem>> -> memref<64x768xf32, #tpu.memory_space<vmem>>
      %dma_wait3A_107 = arith.constant 0 : i32
      %dma_wait3A_108 = tpu.memref_slice %arg4[%add3A_73, %dma_wait3A_107] : memref<6144x768xf32, #tpu.memory_space<hbm>> -> memref<64x768xf32, #tpu.memory_space<hbm>>
      %dma_wait3A_109 = arith.constant 0 : i32
      %dma_wait3A_110 = tpu.memref_slice %arg4[%add3A_73, %dma_wait3A_109] : memref<6144x768xf32, #tpu.memory_space<hbm>> -> memref<64x768xf32, #tpu.memory_space<hbm>>
      %dma_wait3A_111 = arith.constant 0 : i32
      %dma_wait3A_112 = arith.constant 0 : i32
      %dma_wait3A_113 = tpu.memref_slice %arg6[%run_scoped3A_74, %dma_wait3A_111, %dma_wait3A_112] : memref<2x64x768xf32, #tpu.memory_space<vmem>> -> memref<1x64x768xf32, #tpu.memory_space<vmem>>
      %dma_wait3A_114 = tpu.memref_squeeze %dma_wait3A_113 : memref<1x64x768xf32, #tpu.memory_space<vmem>> -> memref<64x768xf32, #tpu.memory_space<vmem>>
      tpu.wait_dma2 semaphore(%run_scoped3A_90 : memref<!tpu.dma_semaphore, #tpu.memory_space<semaphore_mem>>) src(%dma_wait3A_114 : memref<64x768xf32, #tpu.memory_space<vmem>>) dst(%dma_wait3A_110 : memref<64x768xf32, #tpu.memory_space<hbm>>)
      tpu.yield
    }) : () -> ()
    %dma_wait3A_75 = arith.constant 0 : i32
    %dma_wait3A_76 = arith.constant 0 : i32
    %dma_wait3A_77 = arith.constant 0 : i32
    %dma_wait3A_78 = arith.constant 0 : i32
    %dma_wait3A_79 = tpu.memref_slice %arg6[%dma_wait3A_76, %dma_wait3A_77, %dma_wait3A_78] : memref<2x64x768xf32, #tpu.memory_space<vmem>> -> memref<1x64x768xf32, #tpu.memory_space<vmem>>
    %dma_wait3A_80 = tpu.memref_squeeze %dma_wait3A_79 : memref<1x64x768xf32, #tpu.memory_space<vmem>> -> memref<64x768xf32, #tpu.memory_space<vmem>>
    %dma_wait3A_81 = arith.constant 0 : i32
    %dma_wait3A_82 = tpu.memref_slice %arg5[%dma_wait3A_75, %dma_wait3A_81] : memref<2x64xi32, #tpu.memory_space<vmem>> -> memref<1x64xi32, #tpu.memory_space<vmem>>
    %dma_wait3A_83 = tpu.memref_squeeze %dma_wait3A_82 : memref<1x64xi32, #tpu.memory_space<vmem>> -> memref<64xi32, #tpu.memory_space<vmem>>
    %dma_wait3A_84 = arith.constant 0 : i32
    %dma_wait3A_85 = arith.constant 0 : i32
    %dma_wait3A_86 = tpu.memref_slice %arg2[%dma_wait3A_84, %dma_wait3A_85] : memref<2048x768xf32, #tpu.memory_space<hbm>> -> memref<2048x768xf32, #tpu.memory_space<hbm>>
    tpu.wait_indirect_dma semaphore(%arg7 : memref<!tpu.dma_semaphore, #tpu.memory_space<semaphore_mem>>) src(%dma_wait3A_86 : memref<2048x768xf32, #tpu.memory_space<hbm>>) dst(%dma_wait3A_80 : memref<64x768xf32, #tpu.memory_space<vmem>>)
    %add3A_87 = arith.constant 128 : i32
    %add3A_88 = arith.addi %mul3A_2, %add3A_87 : i32
    %run_scoped3A_89 = arith.constant 0 : i32
    "tpu.region"() ({
      %run_scoped3A_90 = tpu.sem_alloc : memref<!tpu.dma_semaphore, #tpu.memory_space<semaphore_mem>>
      %dma_start3A_91 = arith.constant 0 : i32
      %dma_start3A_92 = arith.constant 0 : i32
      %dma_start3A_93 = tpu.memref_slice %arg6[%run_scoped3A_89, %dma_start3A_91, %dma_start3A_92] : memref<2x64x768xf32, #tpu.memory_space<vmem>> -> memref<1x64x768xf32, #tpu.memory_space<vmem>>
      %dma_start3A_94 = tpu.memref_squeeze %dma_start3A_93 : memref<1x64x768xf32, #tpu.memory_space<vmem>> -> memref<64x768xf32, #tpu.memory_space<vmem>>
      %dma_start3A_95 = arith.constant 0 : i32
      %dma_start3A_96 = tpu.memref_slice %arg4[%add3A_88, %dma_start3A_95] : memref<6144x768xf32, #tpu.memory_space<hbm>> -> memref<64x768xf32, #tpu.memory_space<hbm>>
      %dma_start3A_97 = arith.constant 0 : i32
      %dma_start3A_98 = tpu.memref_slice %arg4[%add3A_88, %dma_start3A_97] : memref<6144x768xf32, #tpu.memory_space<hbm>> -> memref<64x768xf32, #tpu.memory_space<hbm>>
      %dma_start3A_99 = arith.constant 0 : i32
      %dma_start3A_100 = arith.constant 0 : i32
      %dma_start3A_101 = tpu.memref_slice %arg6[%run_scoped3A_89, %dma_start3A_99, %dma_start3A_100] : memref<2x64x768xf32, #tpu.memory_space<vmem>> -> memref<1x64x768xf32, #tpu.memory_space<vmem>>
      %dma_start3A_102 = tpu.memref_squeeze %dma_start3A_101 : memref<1x64x768xf32, #tpu.memory_space<vmem>> -> memref<64x768xf32, #tpu.memory_space<vmem>>
      tpu.enqueue_dma source(%dma_start3A_102 : memref<64x768xf32, #tpu.memory_space<vmem>>) target(%dma_start3A_98 : memref<64x768xf32, #tpu.memory_space<hbm>>) target_semaphore(%run_scoped3A_90 : memref<!tpu.dma_semaphore, #tpu.memory_space<semaphore_mem>>)
      %dma_wait3A_103 = arith.constant 0 : i32
      %dma_wait3A_104 = arith.constant 0 : i32
      %dma_wait3A_105 = tpu.memref_slice %arg6[%run_scoped3A_89, %dma_wait3A_103, %dma_wait3A_104] : memref<2x64x768xf32, #tpu.memory_space<vmem>> -> memref<1x64x768xf32, #tpu.memory_space<vmem>>
      %dma_wait3A_106 = tpu.memref_squeeze %dma_wait3A_105 : memref<1x64x768xf32, #tpu.memory_space<vmem>> -> memref<64x768xf32, #tpu.memory_space<vmem>>
      %dma_wait3A_107 = arith.constant 0 : i32
      %dma_wait3A_108 = tpu.memref_slice %arg4[%add3A_88, %dma_wait3A_107] : memref<6144x768xf32, #tpu.memory_space<hbm>> -> memref<64x768xf32, #tpu.memory_space<hbm>>
      %dma_wait3A_109 = arith.constant 0 : i32
      %dma_wait3A_110 = tpu.memref_slice %arg4[%add3A_88, %dma_wait3A_109] : memref<6144x768xf32, #tpu.memory_space<hbm>> -> memref<64x768xf32, #tpu.memory_space<hbm>>
      %dma_wait3A_111 = arith.constant 0 : i32
      %dma_wait3A_112 = arith.constant 0 : i32
      %dma_wait3A_113 = tpu.memref_slice %arg6[%run_scoped3A_89, %dma_wait3A_111, %dma_wait3A_112] : memref<2x64x768xf32, #tpu.memory_space<vmem>> -> memref<1x64x768xf32, #tpu.memory_space<vmem>>
      %dma_wait3A_114 = tpu.memref_squeeze %dma_wait3A_113 : memref<1x64x768xf32, #tpu.memory_space<vmem>> -> memref<64x768xf32, #tpu.memory_space<vmem>>
      tpu.wait_dma2 semaphore(%run_scoped3A_90 : memref<!tpu.dma_semaphore, #tpu.memory_space<semaphore_mem>>) src(%dma_wait3A_114 : memref<64x768xf32, #tpu.memory_space<vmem>>) dst(%dma_wait3A_110 : memref<64x768xf32, #tpu.memory_space<hbm>>)
      tpu.yield
    }) : () -> ()
    return
  }
}

module attributes {stable_mosaic.version = 14 : i64} {
  func.func @_matmul_body(%arg0: i32, %arg1: memref<25xi32, #tpu.memory_space<smem>>, %arg2: memref<256x768xf32, #tpu.memory_space<vmem>>, %arg3: memref<1x768x3072xf32, #tpu.memory_space<vmem>>, %arg4: memref<1x1536x768xf32, #tpu.memory_space<vmem>>, %arg5: memref<1x32x768xf32, #tpu.memory_space<vmem>>, %arg6: memref<1x32x3072xf32, #tpu.memory_space<vmem>>, %arg7: memref<1x16x1536xf32, #tpu.memory_space<vmem>>, %arg8: memref<1x768x16xf32, #tpu.memory_space<vmem>>, %arg9: memref<256x768xf32, #tpu.memory_space<vmem>>) attributes {dimension_semantics = [#tpu.dimension_semantics<arbitrary>], iteration_bounds = array<i64: 24>, scalar_prefetch = 1 : i64, scratch_operands = 0 : i64, tpu.core_type = #tpu.core_type<tc>, window_params = [{transform_indices = @transform_0, window_bounds = array<i64: 256, 768>}, {transform_indices = @transform_1, window_bounds = array<i64: 1, 768, 3072>}, {transform_indices = @transform_2, window_bounds = array<i64: 1, 1536, 768>}, {transform_indices = @transform_3, window_bounds = array<i64: 1, 32, 768>}, {transform_indices = @transform_4, window_bounds = array<i64: 1, 32, 3072>}, {transform_indices = @transform_5, window_bounds = array<i64: 1, 16, 1536>}, {transform_indices = @transform_6, window_bounds = array<i64: 1, 768, 16>}, {transform_indices = @transform_7, window_bounds = array<i64: 256, 768>}]} {
    %get3A = arith.constant 24 : index
    %get3A_0 = memref.load %arg1[%get3A] : memref<25xi32, #tpu.memory_space<smem>>
    %lt3A = arith.cmpi slt, %arg0, %get3A_0 : i32
    %convert_element_type3A = arith.extui %lt3A : i1 to i32
    %cond3A = arith.constant 0 : i32
    %cond3A_1 = arith.cmpi ne, %convert_element_type3A, %cond3A : i32
    scf.if %cond3A_1 {
      %get3A_2 = arith.constant 0 : index
      %get3A_3 = arith.constant 0 : index
      %get3A_4 = vector.load %arg2[%get3A_2, %get3A_3] : memref<256x768xf32, #tpu.memory_space<vmem>>, vector<256x768xf32>
      %get3A_5 = arith.constant 0 : index
      %get3A_6 = arith.constant 0 : index
      %get3A_7 = arith.constant 0 : index
      %get3A_8 = vector.load %arg3[%get3A_5, %get3A_6, %get3A_7] : memref<1x768x3072xf32, #tpu.memory_space<vmem>>, vector<1x768x3072xf32>
      %get3A_9 = vector.shape_cast %get3A_8 : vector<1x768x3072xf32> to vector<768x3072xf32>
      %dot_general3A = arith.constant dense<0.000000e+00> : vector<256x3072xf32>
      %dot_general3A_10 = tpu.matmul %get3A_4, %get3A_9, %dot_general3A {dimension_numbers = #tpu.dot_dimension_numbers<[1], [0], [0], [1], [0, 0, 1, 1], [], []>, transpose_lhs_hint = false} : vector<256x768xf32>, vector<768x3072xf32>, vector<256x3072xf32> -> vector<256x3072xf32>
      %get3A_11 = arith.constant 0 : index
      %get3A_12 = arith.constant 0 : index
      %get3A_13 = arith.constant 0 : index
      %get3A_14 = vector.load %arg5[%get3A_11, %get3A_12, %get3A_13] : memref<1x32x768xf32, #tpu.memory_space<vmem>>, vector<1x32x768xf32>
      %get3A_15 = vector.shape_cast %get3A_14 : vector<1x32x768xf32> to vector<32x768xf32>
      %dot_general3A_16 = arith.constant dense<0.000000e+00> : vector<256x32xf32>
      %dot_general3A_17 = tpu.matmul %get3A_4, %get3A_15, %dot_general3A_16 {dimension_numbers = #tpu.dot_dimension_numbers<[1], [1], [0], [0], [0, 0, 1, 0], [], []>, transpose_lhs_hint = false} : vector<256x768xf32>, vector<32x768xf32>, vector<256x32xf32> -> vector<256x32xf32>
      %get3A_18 = arith.constant 0 : index
      %get3A_19 = arith.constant 0 : index
      %get3A_20 = arith.constant 0 : index
      %get3A_21 = vector.load %arg6[%get3A_18, %get3A_19, %get3A_20] : memref<1x32x3072xf32, #tpu.memory_space<vmem>>, vector<1x32x3072xf32>
      %get3A_22 = vector.shape_cast %get3A_21 : vector<1x32x3072xf32> to vector<32x3072xf32>
      %dot_general3A_23 = arith.constant dense<0.000000e+00> : vector<256x3072xf32>
      %dot_general3A_24 = tpu.matmul %dot_general3A_17, %get3A_22, %dot_general3A_23 {dimension_numbers = #tpu.dot_dimension_numbers<[1], [0], [0], [1], [0, 0, 1, 1], [], []>, transpose_lhs_hint = false} : vector<256x32xf32>, vector<32x3072xf32>, vector<256x3072xf32> -> vector<256x3072xf32>
      %add3A = arith.addf %dot_general3A_10, %dot_general3A_24 : vector<256x3072xf32>
      %slice3A = vector.extract_strided_slice %add3A {offsets = [0, 0], sizes = [256, 1536], strides = [1, 1]} : vector<256x3072xf32> to vector<256x1536xf32>
      %slice3A_25 = vector.extract_strided_slice %add3A {offsets = [0, 1536], sizes = [256, 1536], strides = [1, 1]} : vector<256x3072xf32> to vector<256x1536xf32>
      %logistic3A = arith.negf %slice3A : vector<256x1536xf32>
      %logistic3A_26 = math.exp %logistic3A : vector<256x1536xf32>
      %logistic3A_27 = arith.constant 1.000000e+00 : f32
      %logistic3A_28 = vector.broadcast %logistic3A_27 : f32 to vector<256x1536xf32>
      %logistic3A_29 = arith.addf %logistic3A_28, %logistic3A_26 : vector<256x1536xf32>
      %logistic3A_30 = arith.divf %logistic3A_28, %logistic3A_29 : vector<256x1536xf32>
      %mul3A = arith.mulf %slice3A, %logistic3A_30 : vector<256x1536xf32>
      %mul3A_31 = arith.mulf %mul3A, %slice3A_25 : vector<256x1536xf32>
      %get3A_32 = arith.constant 0 : index
      %get3A_33 = arith.constant 0 : index
      %get3A_34 = arith.constant 0 : index
      %get3A_35 = vector.load %arg4[%get3A_32, %get3A_33, %get3A_34] : memref<1x1536x768xf32, #tpu.memory_space<vmem>>, vector<1x1536x768xf32>
      %get3A_36 = vector.shape_cast %get3A_35 : vector<1x1536x768xf32> to vector<1536x768xf32>
      %dot_general3A_37 = arith.constant dense<0.000000e+00> : vector<256x768xf32>
      %dot_general3A_38 = tpu.matmul %mul3A_31, %get3A_36, %dot_general3A_37 {dimension_numbers = #tpu.dot_dimension_numbers<[1], [0], [0], [1], [0, 0, 1, 1], [], []>, transpose_lhs_hint = false} : vector<256x1536xf32>, vector<1536x768xf32>, vector<256x768xf32> -> vector<256x768xf32>
      %get3A_39 = arith.constant 0 : index
      %get3A_40 = arith.constant 0 : index
      %get3A_41 = arith.constant 0 : index
      %get3A_42 = vector.load %arg7[%get3A_39, %get3A_40, %get3A_41] : memref<1x16x1536xf32, #tpu.memory_space<vmem>>, vector<1x16x1536xf32>
      %get3A_43 = vector.shape_cast %get3A_42 : vector<1x16x1536xf32> to vector<16x1536xf32>
      %dot_general3A_44 = arith.constant dense<0.000000e+00> : vector<256x16xf32>
      %dot_general3A_45 = tpu.matmul %mul3A_31, %get3A_43, %dot_general3A_44 {dimension_numbers = #tpu.dot_dimension_numbers<[1], [1], [0], [0], [0, 0, 1, 0], [], []>, transpose_lhs_hint = false} : vector<256x1536xf32>, vector<16x1536xf32>, vector<256x16xf32> -> vector<256x16xf32>
      %get3A_46 = arith.constant 0 : index
      %get3A_47 = arith.constant 0 : index
      %get3A_48 = arith.constant 0 : index
      %get3A_49 = vector.load %arg8[%get3A_46, %get3A_47, %get3A_48] : memref<1x768x16xf32, #tpu.memory_space<vmem>>, vector<1x768x16xf32>
      %get3A_50 = vector.shape_cast %get3A_49 : vector<1x768x16xf32> to vector<768x16xf32>
      %dot_general3A_51 = arith.constant dense<0.000000e+00> : vector<256x768xf32>
      %dot_general3A_52 = tpu.matmul %dot_general3A_45, %get3A_50, %dot_general3A_51 {dimension_numbers = #tpu.dot_dimension_numbers<[1], [1], [0], [0], [0, 0, 1, 0], [], []>, transpose_lhs_hint = false} : vector<256x16xf32>, vector<768x16xf32>, vector<256x768xf32> -> vector<256x768xf32>
      %add3A_53 = arith.addf %dot_general3A_38, %dot_general3A_52 : vector<256x768xf32>
      %swap3A = arith.constant 0 : index
      %swap3A_54 = arith.constant 0 : index
      %swap3A_55 = vector.load %arg9[%swap3A, %swap3A_54] : memref<256x768xf32, #tpu.memory_space<vmem>>, vector<256x768xf32>
      tpu.vector_store %arg9[%swap3A, %swap3A_54], %add3A_53 {strides = array<i32>} : memref<256x768xf32, #tpu.memory_space<vmem>>, vector<256x768xf32>,
    } else {
    }
    return
  }
  func.func @transform_0(%arg0: i32, %arg1: memref<25xi32, #tpu.memory_space<smem>>) -> (i32, i32) {
    %c0_i32 = arith.constant 0 : i32
    %c0_i32_0 = arith.constant 0 : i32
    return %arg0, %c0_i32 : i32, i32
  }
  func.func @transform_1(%arg0: i32, %arg1: memref<25xi32, #tpu.memory_space<smem>>) -> (i32, i32, i32) {
    %get3A = arith.index_cast %arg0 : i32 to index
    %get3A_0 = memref.load %arg1[%get3A] : memref<25xi32, #tpu.memory_space<smem>>
    %c0_i32 = arith.constant 0 : i32
    %c0_i32_1 = arith.constant 0 : i32
    %c0_i32_2 = arith.constant 0 : i32
    return %get3A_0, %c0_i32, %c0_i32_1 : i32, i32, i32
  }
  func.func @transform_2(%arg0: i32, %arg1: memref<25xi32, #tpu.memory_space<smem>>) -> (i32, i32, i32) {
    %get3A = arith.index_cast %arg0 : i32 to index
    %get3A_0 = memref.load %arg1[%get3A] : memref<25xi32, #tpu.memory_space<smem>>
    %c0_i32 = arith.constant 0 : i32
    %c0_i32_1 = arith.constant 0 : i32
    %c0_i32_2 = arith.constant 0 : i32
    return %get3A_0, %c0_i32, %c0_i32_1 : i32, i32, i32
  }
  func.func @transform_3(%arg0: i32, %arg1: memref<25xi32, #tpu.memory_space<smem>>) -> (i32, i32, i32) {
    %get3A = arith.index_cast %arg0 : i32 to index
    %get3A_0 = memref.load %arg1[%get3A] : memref<25xi32, #tpu.memory_space<smem>>
    %c0_i32 = arith.constant 0 : i32
    %c0_i32_1 = arith.constant 0 : i32
    %c0_i32_2 = arith.constant 0 : i32
    return %get3A_0, %c0_i32, %c0_i32_1 : i32, i32, i32
  }
  func.func @transform_4(%arg0: i32, %arg1: memref<25xi32, #tpu.memory_space<smem>>) -> (i32, i32, i32) {
    %get3A = arith.index_cast %arg0 : i32 to index
    %get3A_0 = memref.load %arg1[%get3A] : memref<25xi32, #tpu.memory_space<smem>>
    %c0_i32 = arith.constant 0 : i32
    %c0_i32_1 = arith.constant 0 : i32
    %c0_i32_2 = arith.constant 0 : i32
    return %get3A_0, %c0_i32, %c0_i32_1 : i32, i32, i32
  }
  func.func @transform_5(%arg0: i32, %arg1: memref<25xi32, #tpu.memory_space<smem>>) -> (i32, i32, i32) {
    %get3A = arith.index_cast %arg0 : i32 to index
    %get3A_0 = memref.load %arg1[%get3A] : memref<25xi32, #tpu.memory_space<smem>>
    %c0_i32 = arith.constant 0 : i32
    %c0_i32_1 = arith.constant 0 : i32
    %c0_i32_2 = arith.constant 0 : i32
    return %get3A_0, %c0_i32, %c0_i32_1 : i32, i32, i32
  }
  func.func @transform_6(%arg0: i32, %arg1: memref<25xi32, #tpu.memory_space<smem>>) -> (i32, i32, i32) {
    %get3A = arith.index_cast %arg0 : i32 to index
    %get3A_0 = memref.load %arg1[%get3A] : memref<25xi32, #tpu.memory_space<smem>>
    %c0_i32 = arith.constant 0 : i32
    %c0_i32_1 = arith.constant 0 : i32
    %c0_i32_2 = arith.constant 0 : i32
    return %get3A_0, %c0_i32, %c0_i32_1 : i32, i32, i32
  }
  func.func @transform_7(%arg0: i32, %arg1: memref<25xi32, #tpu.memory_space<smem>>) -> (i32, i32) {
    %c0_i32 = arith.constant 0 : i32
    %c0_i32_0 = arith.constant 0 : i32
    return %arg0, %c0_i32 : i32, i32
  }
}

</mosaic_0001>

<sc_bundles>
// kernel: gather_offload_async_start.1
scs
__scs_entry_jumppad:
0x0: {  	(pc) =	sbr.rel $0x88, $3  }
0x1: {  	(tag) =	ssettag $0x0;
	lr =	simm.s32 $0x1  }
0x2: {  	[smem:$0x3F94] =	sst lr;
	_ =	strace $0xD0000000  }
0x3: {  	_ = 	snop  }
0x4: {  	_ = 	snop  }
0x5: {  	_ = 	snop  }
0x6: {  	_ = 	snop  }
0x7: {  	_ = 	snop  }
__scs_overlays_trampoline_lowered:
0x8: {  	[smem:$0x3FA3] =	sst s0  }
0x9: {  	[smem:$0x3FA4] =	sst s1  }
0xa: {  	[smem:$0x3FA5] =	sst s2  }
0xb: {  	[smem:$0x3FA6] =	sst s3  }
0xc: {  	[smem:$0x3FA7] =	sst s4  }
0xd: {  	[smem:$0x3FA8] =	sst s5  }
0xe: {  	[smem:$0x3FA9] =	sst s6  }
0xf: {  	[smem:$0x3FAA] =	sst s7  }
0x10: {  	[smem:$0x3FAB] =	sst s8  }
0x11: {  	[smem:$0x3FAC] =	sst s9;
	s0 =	simm.s32 @!p0 $0x0  }
0x12: {  	s1 =	sld [smem:$0x3F92];
	s0 =	simm.s32 @p0 $0x1  }
0x13: {  	[smem:$0x3FAD] =	sst s0;
	s0 =	simm.s32 @!p1 $0x0  }
0x14: {  	s2 =	sld [smem:$0x3F91];
	s0 =	simm.s32 @p1 $0x1  }
0x15: {  	[smem:$0x3FAE] =	sst s0;
	s0 =	simm.s32 @!p2 $0x0  }
0x16: {  	s3 =	sld [smem:$0x3FDB];
	s0 =	simm.s32 @p2 $0x1  }
0x17: {  	s4 =	simm.s32 $0x1BF5;
	[smem:$0x3FB0] =	sst s0  }
0x18: {  	s0 =	sld [smem:$0x3F93];
	_ =	swait.ge [sflag:s4], $0x0  }
0x19: {  	s7 =	sld [smem:$0x3F94]  }
0x1a: {  	s8 =	sadd.s32 $0xFFFFE003, lr  }
0x1b: {  	s9 =	sadd.s32 $0xFFFFFEF7, lr;
	s5 =	simm.s32 $0xFFFFFFFF;
	p2 =	slt.u32 s8, $0xFFFFF086  }
0x1c: {  	p1 =	slt.u32 s9, $0xF7A;
	s5 =	simm.s32 @!p2 $0x0  }
0x1d: {  	s5 =	simm.s32 @p1 $0x1;
	p0 =	seq.s32 s7, s2  }
0x1e: {  	s7 =	smul.u32 @!p0 $0xF7A, s2;
	p2 =	seq.s32 @!p0 s5, $0x0  }
0x1f: {  	s9 =	smul.u32 $0xF7A, s1;
	s8 =	simm.s32 @!p0 $0x1BF5;
	p2 =	por !p2, p0  }
0x20: {  	[sflag:s8] =	ssyncset.s32 @!p0 $0xFFFFF086;
	s6 =	sadd.s32 @!p0 s3, s7;
	s7 =	simm.s32 @!p0 $0x108  }
0x21: {  	s3 =	sadd.s32 s3, s9;
	s6 =	sadd.s32 @!p0 $0x88, s6;
	s7 =	simm.s32 @p2 $0x1082  }
0x22: {  	[simem:s7], [sflag:s8] =	dma.local @!p0 [hbm:s6], $0xF7A  }
0x23: {  	s9 =	sor.u32 $0xD0000000, s2;
	s6 =	simm.s32 $0x108;
	_ =	swait.ge @!p0 [sflag:s8], $0x0  }
0x24: {  	s3 =	sadd.s32 $0x88, s3;
	s6 =	simm.s32 @!p1 $0x1082;
	[sflag:s4] =	ssyncset.s32 $0xFFFFF086  }
0x25: {  	[simem:s6], [sflag:s4] =	dma.local [hbm:s3], $0xF7A  }
0x26: {  	[smem:$0x3F94] =	sst s1;
	(tag) =	ssettag s2;
	_ =	strace s9  }
0x27: {  	s1 =	sld [smem:$0x3FA4]  }
0x28: {  	s2 =	sld [smem:$0x3FA5]  }
0x29: {  	s4 =	sld [smem:$0x3FA7]  }
0x2a: {  	p0 =	seq.s32 s5, $0x0;
	s5 =	sld [smem:$0x3FA8]  }
0x2b: {  	s6 =	sld [smem:$0x3FA9]  }
0x2c: {  	s7 =	sld [smem:$0x3FAA]  }
0x2d: {  	s3 =	simm.s32 $0x108;
	s8 =	sld [smem:$0x3FAB]  }
0x2e: {  	s3 =	simm.s32 @!p0 $0x1082;
	s9 =	sld [smem:$0x3FAC]  }
0x2f: {  	lr =	sadd.s32 s0, s3;
	s0 =	sld [smem:$0x3FA3]  }
0x30: {  	s3 =	sld [smem:$0x3FA6]  }
0x31: {  	[smem:$0x3FAF] =	sst s10  }
0x32: {  	s10 =	sld [smem:$0x3FAD];
	_ =	sdelay $0x3  }
0x33: {  	p0 =	seq.s32 s10, $0x1;
	s10 =	sld [smem:$0x3FAF];
	_ =	sdelay $0x3  }
0x34: {  	[smem:$0x3FAF] =	sst s10  }
0x35: {  	s10 =	sld [smem:$0x3FAE];
	_ =	sdelay $0x3  }
0x36: {  	p1 =	seq.s32 s10, $0x1;
	s10 =	sld [smem:$0x3FAF];
	_ =	sdelay $0x3  }
0x37: {  	[smem:$0x3FAF] =	sst s10  }
0x38: {  	s10 =	sld [smem:$0x3FB0]  }
0x39: {  	_ = 	snop;
	(pc) =	sbr.ind lr, $3  }
0x3a: {  	_ = 	snop  }
0x3b: {  	_ = 	snop  }
0x3c: {  	p2 =	seq.s32 s10, $0x1;
	s10 =	sld [smem:$0x3FAF]  }
0x3d: {  	_ =	shalt  }
0x3e: {  	_ =	shalt  }
0x3f: {  	_ =	shalt  }
0x40: {  	_ =	shalt  }
0x41: {  	_ =	shalt  }
0x42: {  	_ =	shalt  }
0x43: {  	_ =	shalt  }
0x44: {  	_ =	shalt  }
0x45: {  	_ =	shalt  }
0x46: {  	_ =	shalt  }
0x47: {  	_ =	shalt  }
0x48: {  	_ =	shalt  }
0x49: {  	_ =	shalt  }
0x4a: {  	_ =	shalt  }
0x4b: {  	_ =	shalt  }
0x4c: {  	_ =	shalt  }
0x4d: {  	_ =	shalt  }
0x4e: {  	_ =	shalt  }
0x4f: {  	_ =	shalt  }
0x50: {  	_ =	shalt  }
0x51: {  	_ =	shalt  }
0x52: {  	_ =	shalt  }
0x53: {  	_ =	shalt  }
0x54: {  	_ =	shalt  }
0x55: {  	_ =	shalt  }
0x56: {  	_ =	shalt  }
0x57: {  	_ =	shalt  }
0x58: {  	_ =	shalt  }
0x59: {  	_ =	shalt  }
0x5a: {  	_ =	shalt  }
0x5b: {  	_ =	shalt  }
0x5c: {  	_ =	shalt  }
0x5d: {  	_ =	shalt  }
0x5e: {  	_ =	shalt  }
0x5f: {  	_ =	shalt  }
0x60: {  	_ =	shalt  }
0x61: {  	_ =	shalt  }
0x62: {  	_ =	shalt  }
0x63: {  	_ =	shalt  }
0x64: {  	_ =	shalt  }
0x65: {  	_ =	shalt  }
0x66: {  	_ =	shalt  }
0x67: {  	_ =	shalt  }
0x68: {  	_ =	shalt  }
0x69: {  	_ =	shalt  }
0x6a: {  	_ =	shalt  }
0x6b: {  	_ =	shalt  }
0x6c: {  	_ =	shalt  }
0x6d: {  	_ =	shalt  }
0x6e: {  	_ =	shalt  }
0x6f: {  	_ =	shalt  }
0x70: {  	_ =	shalt  }
0x71: {  	_ =	shalt  }
0x72: {  	_ =	shalt  }
0x73: {  	_ =	shalt  }
0x74: {  	_ =	shalt  }
0x75: {  	_ =	shalt  }
0x76: {  	_ =	shalt  }
0x77: {  	_ =	shalt  }
0x78: {  	_ =	shalt  }
0x79: {  	_ =	shalt  }
0x7a: {  	_ =	shalt  }
0x7b: {  	_ =	shalt  }
0x7c: {  	_ =	shalt  }
0x7d: {  	_ =	shalt  }
0x7e: {  	_ =	shalt  }
0x7f: {  	_ =	shalt  }
0x80: {  	_ =	shalt  }
0x81: {  	_ =	shalt  }
0x82: {  	_ =	shalt  }
0x83: {  	_ =	shalt  }
0x84: {  	_ =	shalt  }
0x85: {  	_ =	shalt  }
0x86: {  	_ =	shalt  }
0x87: {  	_ =	shalt  }
.Lfunc_end0:
.L_simem_size_0:
called_computation.1_lowered:
.L_overlay_start_0:
0x88: {  	s2 =	sld [smem:$0x3FD9]  }
0x89: {  	s3 =	sld [smem:$0x3FFE];
	_ =	sdelay $0x1  }
0x8a: {  	s1 =	srdreg.scid  }
0x8b: {  	s0 =	sand.u32 $0x1, s1  }
0x8c: {  	s17 =	sshll.u32 s0, $0xA;
	s2 =	sadd.s32 s3, s2  }
0x8d: {  	s2 =	sadd.s32 s2, s17  }
0x8e: {  	[smem:$0x3FBB] =	sst s2  }
0x8f: {  	_ = 	snop  }
0x90: {  	s2 =	sld [smem:$0x3FD0];
	(tm) =	ssettm $0x1  }
0x91: {  	s18 =	sld [smem:$0x3FFB];
	_ =	sdelay $0x3  }
0x92: {  	_ =	strace s18  }
0x93: {  	s3 =	sld [smem:$0x3FFC];
	_ =	sdelay $0x3  }
0x94: {  	_ =	strace s3  }
0x95: {  	s3 =	sld [smem:$0x3FFD];
	_ =	sdelay $0x3  }
0x96: {  	_ =	strace s3  }
0x97: {  	_ =	strace $0x8FFFFFFF  }
0x98: {  	s19 =	sld [smem:$0x3FDB];
	_ =	sdelay $0x1  }
0x99: {  	s4 =	simm.s32 $_scs_section_size  }
0x9a: {  	s5 =	simm.s32 $_size__tile_overlayer_lowered;
	s6 =	simm.s32 $_tile_overlayer_lowered  }
0x9b: {  	s22 =	simm.s32 $0x1BFF;
	s21 =	sshll.u32 s6, $0x1;
	s3 =	sadd.s32 s4, s19  }
0x9c: {  	s7 =	simm.s32 $0x0;
	s20 =	sshll.u32 s5, $0x1;
	s5 =	sadd.s32 s21, s3  }
0x9d: {  	[timem:s7], [sflag:s22] =	dma.local [hbm:s5], s20  }
0x9e: {  	_ =	swait.ge [sflag:s22], s20  }
0x9f: {  	s4 =	ssub.s32 $0x0, s20;
	[sflag:s22] =	ssyncset.done $0x0  }
0xa0: {  	[sflag:s22] =	ssyncadd.s32 s4;
	_ =	sdelay $0x1  }
0xa1: {  	s23 =	simm.s32 $0x1B8B  }
0xa2: {  	_ =	swait.ge [sflag:s23], $0x1  }
0xa3: {  	[sflag:s23] =	ssyncset.done $0x0  }
0xa4: {  	s25 =	simm.s32 $0x1B8E;
	s24 =	sld [smem:$0x3FFE];
	[sflag:s23] =	ssyncadd.s32 $0xFFFFFFFF  }
0xa5: {  	s26 =	simm.s32 $execute0_lowered;
	[smem:$0x3FD2] =	sst s25  }
0xa6: {  	s5 =	sshll.u32 s26, $0x1;
	_ =	strace $0x80000049;
	[dreg:$0x1] =	wrdreg $0xFFFFFFFF  }
0xa7: {  	s28 =	simm.s32 $_size_execute0_lowered;
	s3 =	sadd.s32 s3, s5;
	[dreg:$0x0] =	wrdreg $0x0  }
0xa8: {  	s5 =	sshll.u32 s28, $0x1;
	[dreg:$0x2] =	wrdreg s3  }
0xa9: {  	[dreg:$0x3] =	wrdreg s5  }
0xaa: {  	[dreg:$0x4] =	wrdreg $0xC0  }
0xab: {  	_ =	task [dreg:s7], $0x5FFFF  }
0xac: {  	[dreg:$0x1] =	wrdreg $0xFFFFFFFF  }
0xad: {  	[dreg:$0x0] =	wrdreg $0x60  }
0xae: {  	[dreg:$0x2] =	wrdreg s2  }
0xaf: {  	[dreg:$0x3] =	wrdreg s24  }
0xb0: {  	[dreg:$0x4] =	wrdreg $0x9  }
0xb1: {  	_ =	task.clear_ibuf [dreg:s7], $0x5FFFF;
	_ =	strace $0x90000049  }
0xb2: {  	s29 =	simm.s32 $0x9;
	_ =	strace $0x8000004B  }
0xb3: {  	_ =	swait.ge [sflag:s29], $0x1  }
0xb4: {  	[sflag:s29] =	ssyncadd.s32 $0xFFFFFFFF  }
0xb5: {  	_ =	strace $0x9000004B  }
0xb6: {  	_ =	sfence  }
0xb7: {  	s30 =	sld [smem:$0x0];
	_ =	sdelay $0x2  }
0xb8: {  	s31 =	sshll.u32 s1, $0xD;
	s1 =	sshrl.u32 s1, $0x2  }
0xb9: {  	s3 =	sand.u32 $0x4000, s31;
	s1 =	sadd.s32 s1, s30  }
0xba: {  	s0 =	sor.u32 s3, s0;
	s1 =	sshll.u32 s1, $0x11  }
0xbb: {  	s0 =	sor.u32 s1, s0  }
0xbc: {  	s0 =	sadd.s32 $0x8F2B, s0  }
0xbd: {  	[sflag:s0] =	ssyncadd.remote.s32 $0x1  }
0xbe: {  	_ =	sfence.sel $0xFFFF  }
0xbf: {  	[dreg:$0x0] =	wrdreg $0xFFFFFFFF;
	(pc) =	sbr.abs _section_cstart, $3  }
0xc0: {  	[dreg:$0x1] =	wrdreg $0xFFFFFFFF  }
0xc1: {  	_ =	task.clear_ibuf [dreg:s7], $0x2FFFF;
	_ =	strace $0x9FFFFFFF  }
0xc2: {  	(tm) =	ssettm $0x7FFFFFFF  }
0xc3: {  	_ =	shalt  }
tec
execute0_lowered:
.L_overlay_start_1:
0x0: {  	(tag) =	ssettag $0x1  }
0x1: {  	s1 =	srdreg.scid;
	s2 =	rddreg [dreg:$0x0]  }
0x2: {  	s0 =	stileid.u32;
	s5 =	rddreg [dreg:$0x1];
	s6 =	simm.s32 $0x1  }
0x3: {  	s9 =	simm.s32 $0x1;
	s10 =	simm.s32 $0x3;
	s1 =	sshll.u32 s1, $0x6  }
0x4: {  	s13 =	simm.s32 $0x0;
	s3 =	sshll.u32 s0, $0x7;
	s4 =	sand.u32 $0x40, s1  }
0x5: {  	s12 =	simm.s32 $0x0;
	s1 =	rddreg [dreg:$0x2];
	s3 =	sor.u32 s3, s4  }
0x6: {  	_ =	strace $0x8000004A;
	s4 =	sadd.s32 $0x400, s5;
	s8 =	ssub.s32 $0x1000, s3  }
.Ltmp0:
0x7: {  	s5 =	sadd.s32 $0x600, s5;
	s7 =	sand.u32 $0x7C0, s8;
	(pc) =	sbr.rel .LBB2_1-.Ltmp0, $4  }
0x8: {  	[sflag:s6] =	ssyncpa.u1 $0x0;
	s11 =	smov.u32 s3;
	p0 =	sne.s32 s7, $0x0  }
0x9: {  	s8 =	sshrl.u32 s8, $0xB;
	s7 =	simm.s32 $0x2;
	s9 =	simm.s32 @!p0 $0x0  }
0xa: {  	[sflag:s7] =	ssyncpa.u1 $0x0;
	p0 =	por $0x0, $0x0;
	s8 =	sadd.s32 s9, s8  }
0xb: {  	vm0 =	vmmov $0xffff;
	[sflag:s10] =	ssyncpa.u1 $0x0;
	s10 =	simm.s32 $0x0;
	s9 =	sadd.s32 $0x1, s8  }
.LBB2_4:
0xc: {  	v5 =	vshrl.u32 v1, $0xC;
	v6 =	vshll.u32 v1, $0x7  }
0xd: {  	vm1 =	veq.s32 v1, $0x80000000;
	v58 =	vand.u32 $0x7, v5;
	v59 =	vand.u32 $0x7FF80, v6  }
0xe: {  	v1 =	vsel vm1, $0xFFFFFFFF, v58;
	v5 =	vsel vm1, $0xFFFFFF80, v59  }
0xf: {  	v3 =	vor.u32 v4, v3;
	v60 =	vand.u32 $0xFFFFFC00, v5;
	v61 =	vand.u32 $0xFFFFFC00, v1  }
0x10: {  	v2 =	vor.u32 v2, v3;
	v63 =	vand.u32 $0x380, v5;
	v62 =	vadd.s32 v61, v60  }
0x11: {  	v1 =	vand.u32 $0x7F, v1;
	v3 =	vor.u32 v63, v62  }
0x12: {  	v1 =	vor.u32 v1, v3  }
0x13: {  	[tilespmem:s15], [sflag:$0x1] =	stream.indirect_vreg.gather [hbm4b:s2+s10], $0x1, v0, vm0, $0x4038;
	[tilespmem:$0x100] =	vst v63  }
0x14: {  	(ifvalue) =	ssetifvalue $0x7FFFFFFF  }
0x15: {  	[tilespmem:s16], [sflag:$0x1] =	stream.indirect_vreg.gather [hbm4b:s2+s10], $0x1, v2, vm0, $0x4038;
	[tilespmem:$0x100] =	vst v63  }
0x16: {  	s29 =	sadd.s32 $0x10, s16;
	(ifvalue) =	ssetifvalue $0x7FFFFFFF  }
0x17: {  	[tilespmem:s29], [sflag:$0x1] =	stream.indirect_vreg.gather [hbm4b:s2+s10], $0x1, v1, vm0, $0x4038;
	[tilespmem:$0x100] =	vst v63  }
0x18: {  	_ =	swait.ge [sflag:s6], $0x40  }
0x19: {  	s30 =	sshrl.u32 s13, $0x3;
	[sflag:s6] =	ssyncset.done $0x0  }
0x1a: {  	s31 =	sand.u32 $0x7, s13;
	s15 =	sadd.s32 s5, s30;
	[sflag:s6] =	ssyncadd.s32 $0xFFFFFFC0  }
0x1b: {  	[hbm4b:s15+s31] =	stream.linear.scatter [tilespmem:s14], [sflag:$0x3], $0x40, $0x38;
	[tilespmem:$0x100] =	vst v63  }
.LBB2_5:
0x1c: {  	s15 =	sadd.s32 $0x800, s11  }
0x1d: {  	p2 =	sgt.s32 s15, $0xFFF  }
0x1e: {  	s15 =	smov.u32 @p2 s3;
	p2 =	sne.s32 s12, s9  }
.Ltmp1:
0x1f: {  	p1 =	slt.u32 s12, $0x2;
	(pc) =	sbr.rel @!p2 .LBB2_6-.Ltmp1, $4  }
0x20: {  	s14 =	simm.s32 @!p1 $0x3  }
0x21: {  	s16 =	sadd.s32 $0x1, s12;
	_ =	swait.ge @!p1 [sflag:s14], $0x40  }
0x22: {  	s13 =	smov.u32 s11;
	p0 =	por !p0, !p0;
	[sflag:s14] =	ssyncset.done @!p1 $0x0  }
0x23: {  	s12 =	smov.u32 s16;
	s11 =	smov.u32 s15;
	[sflag:s14] =	ssyncadd.s32 @!p1 $0xFFFFFFC0  }
.LBB2_1:
0x24: {  	p1 =	sge.u32 s12, s8  }
0x25: {  	s14 =	sxor.u32 @!p1 $0xFFFFFFFF, s12  }
0x26: {  	s31 =	sadd.s32 $0xFFFFFFFF, s12;
	s15 =	sshrl.u32 @!p1 s11, $0x3;
	s14 =	sshll.u32 @!p1 s14, $0x6  }
0x27: {  	s16 =	sand.u32 @!p1 $0x7, s11;
	s15 =	sadd.s32 @!p1 s4, s15;
	s14 =	sand.u32 @!p1 $0x40, s14  }
0x28: {  	[tilespmem:s14], [sflag:$0x2] =	stream.linear.gather @!p1 [hbm4b:s15+s16], $0x40, $0x38;
	[tilespmem:$0x100] =	vst v63  }
0x29: {  	p1 =	sge.u32 s31, s8  }
.Ltmp2:
0x2a: {  	_ = 	snop;
	(pc) =	sbr.rel @p1 .LBB2_5-.Ltmp2, $1  }
0x2b: {  	_ =	sdelay $0x3  }
0x2c: {  	s14 =	simm.s32 $0x1  }
0x2d: {  	_ =	swait.ge [sflag:s7], $0x40;
	s14 =	simm.s32 @!p0 $0x0  }
0x2e: {  	[sflag:s7] =	ssyncset.done $0x0;
	s14 =	sshll.u32 s14, $0x6  }
0x2f: {  	[sflag:s7] =	ssyncadd.s32 $0xFFFFFFC0;
	(ifvalue) =	ssetifvalue $0x7FFFFFFF;
	v0 =	vld.msk [tilespmem:s14+$0x0 ss:$0x1], $0xffff;
	_ =	sdelay $0x4  }
0x30: {  	s15 =	sadd.s32 $0x10, s14;
	v2 =	vshrl.u32 v0, $0xC;
	v3 =	vshll.u32 v0, $0x7  }
0x31: {  	v1 =	vld.msk [tilespmem:s15+$0x0 ss:$0x1], $0xffff;
	vm1 =	veq.s32 v0, $0x80000000;
	v0 =	vand.u32 $0x7, v2;
	v2 =	vand.u32 $0x7FF80, v3  }
0x32: {  	v0 =	vsel vm1, $0xFFFFFFFF, v0;
	v2 =	vsel vm1, $0xFFFFFF80, v2  }
0x33: {  	v3 =	vand.u32 $0xFFFFFC00, v2;
	v4 =	vand.u32 $0xFFFFFC00, v0  }
0x34: {  	v2 =	vand.u32 $0x380, v2;
	v3 =	vadd.s32 v4, v3  }
0x35: {  	v0 =	vand.u32 $0x7F, v0;
	v2 =	vor.u32 v2, v3  }
0x36: {  	v5 =	vshll.u32 v1, $0x7;
	v4 =	vshrl.u32 v1, $0xC;
	v0 =	vor.u32 v0, v2  }
0x37: {  	s16 =	sshll.u32 s12, $0x6;
	vm1 =	veq.s32 v1, $0x80000000;
	v1 =	vand.u32 $0x7, v4;
	v4 =	vand.u32 $0x7FF80, v5  }
0x38: {  	s16 =	sand.u32 $0x40, s16;
	s18 =	sadd.s32 $0x10, s15;
	v3 =	vsel vm1, $0xFFFFFFFF, v1;
	v4 =	vsel vm1, $0xFFFFFF80, v4  }
0x39: {  	s17 =	simm.s32 $0x20;
	s15 =	sor.u32 $0x80, s14;
	s14 =	sor.u32 $0x80, s16;
	v1 =	vld.msk [tilespmem:s18+$0x0 ss:$0x1], $0xffff;
	v5 =	vand.u32 $0xFFFFFC00, v4;
	v6 =	vand.u32 $0xFFFFFC00, v3  }
0x3a: {  	s16 =	sadd.s32 $0x10, s15;
	s18 =	sadd.s32 $0x10, s18;
	(ifvalue) =	ssetifvalue $0x7FFFFFFF;
	v2 =	vand.u32 $0x7F, v3;
	v4 =	vand.u32 $0x380, v4;
	v3 =	vadd.s32 v6, v5  }
.LBB2_3:
0x3b: {  	[tilespmem:s15], [sflag:$0x1] =	stream.indirect_vreg.gather [hbm4b:s2+s10], $0x1, v0, vm0, $0x4038;
	[tilespmem:$0x100] =	vst v63  }
0x3c: {  	s17 =	sadd.s32 $0x10, s17  }
0x3d: {  	v3 =	vor.u32 v4, v3;
	p1 =	slt.u32 s17, $0x30  }
.Ltmp3:
0x3e: {  	v4 =	vshrl.u32 v1, $0xC;
	v5 =	vshll.u32 v1, $0x7;
	s15 =	smov.u32 s16;
	v0 =	vor.u32 v2, v3;
	v2 =	vmovc v1;
	v1 =	vld.msk [tilespmem:s18+$0x0 ss:$0x1], $0xffff;
	(pc) =	sbr.rel @p1 .LBB2_3-.Ltmp3, $4  }
0x3f: {  	v3 =	vand.u32 $0x7FF80, v5;
	vm1 =	veq.s32 v2, $0x80000000;
	v2 =	vand.u32 $0x7, v4  }
0x40: {  	v4 =	vsel vm1, $0xFFFFFFFF, v2;
	v5 =	vsel vm1, $0xFFFFFF80, v3  }
0x41: {  	v2 =	vand.u32 $0x7F, v4;
	v3 =	vand.u32 $0xFFFFFC00, v5;
	v4 =	vand.u32 $0xFFFFFC00, v4  }
0x42: {  	s16 =	sadd.s32 $0x10, s16;
	s18 =	sadd.s32 $0x10, s18;
	v3 =	vadd.s32 v4, v3;
	v4 =	vand.u32 $0x380, v5;
	(ifvalue) =	ssetifvalue $0x7FFFFFFF  }
.Ltmp4:
0x43: {  	_ = 	snop;
	(pc) =	sbr.rel .LBB2_4-.Ltmp4, $1  }
0x44: {  	_ =	sdelay $0x3  }
.LBB2_6:
0x45: {  	_ =	sfence.sel $0x180000  }
0x46: {  	s2 =	simm.s32 $0x2;
	[bflag:$0x0] =	sbarrier.arrive $0xFFFF  }
0x47: {  	s30 =	simm.s32 $0x3;
	[sflag:s2] =	ssyncpa.u1 $0x1  }
0x48: {  	s31 =	simm.s32 $0x1;
	[sflag:s30] =	ssyncpa.u1 $0x1  }
0x49: {  	[sflag:s31] =	ssyncpa.u1 $0x1  }
0x4a: {  	p0 =	sne.s32 s0, $0x0;
	_ =	strace $0x9000004A  }
0x4b: {  	s0 =	sadd.s32 @!p0 $0x100000, s1;
	[bflag:$0x2] =	sbarrier.arrive $0xFFFF  }
0x4c: {  	[sflag:s0] =	ssyncadd.tile.s32 @!p0 $0x1;
	_ =	shalt  }
.Lfunc_end2:
_tile_overlayer_lowered:
.L_overlay_start_2:
0x4d: {  	(tag) =	ssettag $0x2  }
0x4e: {  	s0 =	rddreg [dreg:$0x0];
	s2 =	stileid.u32  }
0x4f: {  	s1 =	rddreg [dreg:$0x1];
	p0 =	sne.s32 s2, $0x0  }
0x50: {  	s3 =	rddreg [dreg:$0x2];
	[bflag:$0x3] =	sbarrier.arrive $0xFFFF;
	s2 =	simm.s32 @!p0 $0x1C01  }
0x51: {  	[timem:s3], [sflag:s2] =	dma.local @!p0 [hbm:s0], s1  }
0x52: {  	s0 =	simm.s32 @!p0 $0x1  }
0x53: {  	_ =	swait.ge @!p0 [sflag:s0], s1  }
0x54: {  	s1 =	ssub.s32 @!p0 $0x0, s1;
	[sflag:s0] =	ssyncset.done @!p0 $0x0  }
0x55: {  	[sflag:s0] =	ssyncadd.s32 @!p0 s1  }
0x56: {  	[bflag:$0x3] =	sbarrier.arrive $0xFFFF  }
0x57: {  	_ =	shalt  }

// kernel: gather_offload_async_start
scs
__scs_entry_jumppad:
0x0: {  	(pc) =	sbr.rel $0x88, $3  }
0x1: {  	(tag) =	ssettag $0x0;
	lr =	simm.s32 $0x1  }
0x2: {  	[smem:$0x3F94] =	sst lr;
	_ =	strace $0xD0000000  }
0x3: {  	_ = 	snop  }
0x4: {  	_ = 	snop  }
0x5: {  	_ = 	snop  }
0x6: {  	_ = 	snop  }
0x7: {  	_ = 	snop  }
__scs_overlays_trampoline_lowered:
0x8: {  	[smem:$0x3FA3] =	sst s0  }
0x9: {  	[smem:$0x3FA4] =	sst s1  }
0xa: {  	[smem:$0x3FA5] =	sst s2  }
0xb: {  	[smem:$0x3FA6] =	sst s3  }
0xc: {  	[smem:$0x3FA7] =	sst s4  }
0xd: {  	[smem:$0x3FA8] =	sst s5  }
0xe: {  	[smem:$0x3FA9] =	sst s6  }
0xf: {  	[smem:$0x3FAA] =	sst s7  }
0x10: {  	[smem:$0x3FAB] =	sst s8  }
0x11: {  	[smem:$0x3FAC] =	sst s9;
	s0 =	simm.s32 @!p0 $0x0  }
0x12: {  	s1 =	sld [smem:$0x3F92];
	s0 =	simm.s32 @p0 $0x1  }
0x13: {  	[smem:$0x3FAD] =	sst s0;
	s0 =	simm.s32 @!p1 $0x0  }
0x14: {  	s2 =	sld [smem:$0x3F91];
	s0 =	simm.s32 @p1 $0x1  }
0x15: {  	[smem:$0x3FAE] =	sst s0;
	s0 =	simm.s32 @!p2 $0x0  }
0x16: {  	s3 =	sld [smem:$0x3FDB];
	s0 =	simm.s32 @p2 $0x1  }
0x17: {  	s4 =	simm.s32 $0x1BF5;
	[smem:$0x3FB0] =	sst s0  }
0x18: {  	s0 =	sld [smem:$0x3F93];
	_ =	swait.ge [sflag:s4], $0x0  }
0x19: {  	s7 =	sld [smem:$0x3F94]  }
0x1a: {  	s8 =	sadd.s32 $0xFFFFE003, lr  }
0x1b: {  	s9 =	sadd.s32 $0xFFFFFEF7, lr;
	s5 =	simm.s32 $0xFFFFFFFF;
	p2 =	slt.u32 s8, $0xFFFFF086  }
0x1c: {  	p1 =	slt.u32 s9, $0xF7A;
	s5 =	simm.s32 @!p2 $0x0  }
0x1d: {  	s5 =	simm.s32 @p1 $0x1;
	p0 =	seq.s32 s7, s2  }
0x1e: {  	s7 =	smul.u32 @!p0 $0xF7A, s2;
	p2 =	seq.s32 @!p0 s5, $0x0  }
0x1f: {  	s9 =	smul.u32 $0xF7A, s1;
	s8 =	simm.s32 @!p0 $0x1BF5;
	p2 =	por !p2, p0  }
0x20: {  	[sflag:s8] =	ssyncset.s32 @!p0 $0xFFFFF086;
	s6 =	sadd.s32 @!p0 s3, s7;
	s7 =	simm.s32 @!p0 $0x108  }
0x21: {  	s3 =	sadd.s32 s3, s9;
	s6 =	sadd.s32 @!p0 $0x88, s6;
	s7 =	simm.s32 @p2 $0x1082  }
0x22: {  	[simem:s7], [sflag:s8] =	dma.local @!p0 [hbm:s6], $0xF7A  }
0x23: {  	s9 =	sor.u32 $0xD0000000, s2;
	s6 =	simm.s32 $0x108;
	_ =	swait.ge @!p0 [sflag:s8], $0x0  }
0x24: {  	s3 =	sadd.s32 $0x88, s3;
	s6 =	simm.s32 @!p1 $0x1082;
	[sflag:s4] =	ssyncset.s32 $0xFFFFF086  }
0x25: {  	[simem:s6], [sflag:s4] =	dma.local [hbm:s3], $0xF7A  }
0x26: {  	[smem:$0x3F94] =	sst s1;
	(tag) =	ssettag s2;
	_ =	strace s9  }
0x27: {  	s1 =	sld [smem:$0x3FA4]  }
0x28: {  	s2 =	sld [smem:$0x3FA5]  }
0x29: {  	s4 =	sld [smem:$0x3FA7]  }
0x2a: {  	p0 =	seq.s32 s5, $0x0;
	s5 =	sld [smem:$0x3FA8]  }
0x2b: {  	s6 =	sld [smem:$0x3FA9]  }
0x2c: {  	s7 =	sld [smem:$0x3FAA]  }
0x2d: {  	s3 =	simm.s32 $0x108;
	s8 =	sld [smem:$0x3FAB]  }
0x2e: {  	s3 =	simm.s32 @!p0 $0x1082;
	s9 =	sld [smem:$0x3FAC]  }
0x2f: {  	lr =	sadd.s32 s0, s3;
	s0 =	sld [smem:$0x3FA3]  }
0x30: {  	s3 =	sld [smem:$0x3FA6]  }
0x31: {  	[smem:$0x3FAF] =	sst s10  }
0x32: {  	s10 =	sld [smem:$0x3FAD];
	_ =	sdelay $0x3  }
0x33: {  	p0 =	seq.s32 s10, $0x1;
	s10 =	sld [smem:$0x3FAF];
	_ =	sdelay $0x3  }
0x34: {  	[smem:$0x3FAF] =	sst s10  }
0x35: {  	s10 =	sld [smem:$0x3FAE];
	_ =	sdelay $0x3  }
0x36: {  	p1 =	seq.s32 s10, $0x1;
	s10 =	sld [smem:$0x3FAF];
	_ =	sdelay $0x3  }
0x37: {  	[smem:$0x3FAF] =	sst s10  }
0x38: {  	s10 =	sld [smem:$0x3FB0]  }
0x39: {  	_ = 	snop;
	(pc) =	sbr.ind lr, $3  }
0x3a: {  	_ = 	snop  }
0x3b: {  	_ = 	snop  }
0x3c: {  	p2 =	seq.s32 s10, $0x1;
	s10 =	sld [smem:$0x3FAF]  }
0x3d: {  	_ =	shalt  }
0x3e: {  	_ =	shalt  }
0x3f: {  	_ =	shalt  }
0x40: {  	_ =	shalt  }
0x41: {  	_ =	shalt  }
0x42: {  	_ =	shalt  }
0x43: {  	_ =	shalt  }
0x44: {  	_ =	shalt  }
0x45: {  	_ =	shalt  }
0x46: {  	_ =	shalt  }
0x47: {  	_ =	shalt  }
0x48: {  	_ =	shalt  }
0x49: {  	_ =	shalt  }
0x4a: {  	_ =	shalt  }
0x4b: {  	_ =	shalt  }
0x4c: {  	_ =	shalt  }
0x4d: {  	_ =	shalt  }
0x4e: {  	_ =	shalt  }
0x4f: {  	_ =	shalt  }
0x50: {  	_ =	shalt  }
0x51: {  	_ =	shalt  }
0x52: {  	_ =	shalt  }
0x53: {  	_ =	shalt  }
0x54: {  	_ =	shalt  }
0x55: {  	_ =	shalt  }
0x56: {  	_ =	shalt  }
0x57: {  	_ =	shalt  }
0x58: {  	_ =	shalt  }
0x59: {  	_ =	shalt  }
0x5a: {  	_ =	shalt  }
0x5b: {  	_ =	shalt  }
0x5c: {  	_ =	shalt  }
0x5d: {  	_ =	shalt  }
0x5e: {  	_ =	shalt  }
0x5f: {  	_ =	shalt  }
0x60: {  	_ =	shalt  }
0x61: {  	_ =	shalt  }
0x62: {  	_ =	shalt  }
0x63: {  	_ =	shalt  }
0x64: {  	_ =	shalt  }
0x65: {  	_ =	shalt  }
0x66: {  	_ =	shalt  }
0x67: {  	_ =	shalt  }
0x68: {  	_ =	shalt  }
0x69: {  	_ =	shalt  }
0x6a: {  	_ =	shalt  }
0x6b: {  	_ =	shalt  }
0x6c: {  	_ =	shalt  }
0x6d: {  	_ =	shalt  }
0x6e: {  	_ =	shalt  }
0x6f: {  	_ =	shalt  }
0x70: {  	_ =	shalt  }
0x71: {  	_ =	shalt  }
0x72: {  	_ =	shalt  }
0x73: {  	_ =	shalt  }
0x74: {  	_ =	shalt  }
0x75: {  	_ =	shalt  }
0x76: {  	_ =	shalt  }
0x77: {  	_ =	shalt  }
0x78: {  	_ =	shalt  }
0x79: {  	_ =	shalt  }
0x7a: {  	_ =	shalt  }
0x7b: {  	_ =	shalt  }
0x7c: {  	_ =	shalt  }
0x7d: {  	_ =	shalt  }
0x7e: {  	_ =	shalt  }
0x7f: {  	_ =	shalt  }
0x80: {  	_ =	shalt  }
0x81: {  	_ =	shalt  }
0x82: {  	_ =	shalt  }
0x83: {  	_ =	shalt  }
0x84: {  	_ =	shalt  }
0x85: {  	_ =	shalt  }
0x86: {  	_ =	shalt  }
0x87: {  	_ =	shalt  }
.Lfunc_end0:
.L_simem_size_0:
called_computation_lowered:
.L_overlay_start_0:
0x88: {  	s2 =	sld [smem:$0x3FD9]  }
0x89: {  	s3 =	sld [smem:$0x3FFE];
	_ =	sdelay $0x1  }
0x8a: {  	s1 =	srdreg.scid  }
0x8b: {  	s0 =	sand.u32 $0x1, s1  }
0x8c: {  	s16 =	sshll.u32 s0, $0xA;
	s2 =	sadd.s32 s3, s2  }
0x8d: {  	s2 =	sadd.s32 s2, s16  }
0x8e: {  	[smem:$0x3FBB] =	sst s2  }
0x8f: {  	_ = 	snop  }
0x90: {  	(tm) =	ssettm $0x1  }
0x91: {  	s17 =	sld [smem:$0x3FFB];
	_ =	sdelay $0x3  }
0x92: {  	_ =	strace s17  }
0x93: {  	s2 =	sld [smem:$0x3FFC];
	_ =	sdelay $0x3  }
0x94: {  	_ =	strace s2  }
0x95: {  	s2 =	sld [smem:$0x3FFD];
	_ =	sdelay $0x3  }
0x96: {  	_ =	strace s2  }
0x97: {  	_ =	strace $0x8FFFFFFF  }
0x98: {  	s18 =	sld [smem:$0x3FDB];
	_ =	sdelay $0x1  }
0x99: {  	s19 =	simm.s32 $_scs_section_size  }
0x9a: {  	s4 =	simm.s32 $_size__tile_overlayer_lowered;
	s5 =	simm.s32 $_tile_overlayer_lowered  }
0x9b: {  	s22 =	simm.s32 $0x1BFF;
	s21 =	sshll.u32 s5, $0x1;
	s2 =	sadd.s32 s19, s18  }
0x9c: {  	s6 =	simm.s32 $0x0;
	s20 =	sshll.u32 s4, $0x1;
	s4 =	sadd.s32 s21, s2  }
0x9d: {  	[timem:s6], [sflag:s22] =	dma.local [hbm:s4], s20  }
0x9e: {  	_ =	swait.ge [sflag:s22], s20  }
0x9f: {  	s3 =	ssub.s32 $0x0, s20;
	[sflag:s22] =	ssyncset.done $0x0  }
0xa0: {  	[sflag:s22] =	ssyncadd.s32 s3;
	_ =	sdelay $0x1  }
0xa1: {  	s23 =	simm.s32 $0x1B8B  }
0xa2: {  	_ =	swait.ge [sflag:s23], $0x1  }
0xa3: {  	[sflag:s23] =	ssyncset.done $0x0  }
0xa4: {  	s25 =	simm.s32 $0x1B8E;
	s24 =	sld [smem:$0x3FFE];
	[sflag:s23] =	ssyncadd.s32 $0xFFFFFFFF  }
0xa5: {  	s26 =	simm.s32 $execute0_lowered;
	[smem:$0x3FD2] =	sst s25  }
0xa6: {  	s4 =	sshll.u32 s26, $0x1;
	_ =	strace $0x80000046;
	[dreg:$0x1] =	wrdreg $0xFFFFFFFF  }
0xa7: {  	s28 =	simm.s32 $_size_execute0_lowered;
	s2 =	sadd.s32 s2, s4;
	[dreg:$0x0] =	wrdreg $0x0  }
0xa8: {  	s4 =	sshll.u32 s28, $0x1;
	[dreg:$0x2] =	wrdreg s2  }
0xa9: {  	[dreg:$0x3] =	wrdreg s4  }
0xaa: {  	[dreg:$0x4] =	wrdreg $0xC0  }
0xab: {  	_ =	task [dreg:s6], $0x5FFFF  }
0xac: {  	[dreg:$0x1] =	wrdreg $0xFFFFFFFF  }
0xad: {  	[dreg:$0x0] =	wrdreg $0x60  }
0xae: {  	[dreg:$0x2] =	wrdreg s24  }
0xaf: {  	[dreg:$0x3] =	wrdreg $0x9  }
0xb0: {  	_ =	task.clear_ibuf [dreg:s6], $0x4FFFF;
	_ =	strace $0x90000046  }
0xb1: {  	s29 =	simm.s32 $0x9;
	_ =	strace $0x80000048  }
0xb2: {  	_ =	swait.ge [sflag:s29], $0x1  }
0xb3: {  	[sflag:s29] =	ssyncadd.s32 $0xFFFFFFFF  }
0xb4: {  	_ =	strace $0x90000048  }
0xb5: {  	_ =	sfence  }
0xb6: {  	s30 =	sld [smem:$0x0];
	_ =	sdelay $0x2  }
0xb7: {  	s31 =	sshll.u32 s1, $0xD;
	s1 =	sshrl.u32 s1, $0x2  }
0xb8: {  	s3 =	sand.u32 $0x4000, s31;
	s1 =	sadd.s32 s1, s30  }
0xb9: {  	s0 =	sor.u32 s3, s0;
	s1 =	sshll.u32 s1, $0x11  }
0xba: {  	s0 =	sor.u32 s1, s0  }
0xbb: {  	s0 =	sadd.s32 $0x8F2B, s0  }
0xbc: {  	[sflag:s0] =	ssyncadd.remote.s32 $0x1  }
0xbd: {  	_ =	sfence.sel $0xFFFF  }
0xbe: {  	[dreg:$0x0] =	wrdreg $0xFFFFFFFF;
	(pc) =	sbr.abs _section_cstart, $3  }
0xbf: {  	[dreg:$0x1] =	wrdreg $0xFFFFFFFF  }
0xc0: {  	_ =	task.clear_ibuf [dreg:s6], $0x2FFFF;
	_ =	strace $0x9FFFFFFF  }
0xc1: {  	(tm) =	ssettm $0x7FFFFFFF  }
tec
execute0_lowered:
.L_overlay_start_1:
0x0: {  	(tag) =	ssettag $0x1  }
0x1: {  	s1 =	srdreg.scid  }
0x2: {  	s0 =	stileid.u32;
	s2 =	rddreg [dreg:$0x0];
	s6 =	simm.s32 $0x1  }
0x3: {  	s9 =	simm.s32 $0x1;
	s10 =	simm.s32 $0x3;
	s1 =	sshll.u32 s1, $0x7  }
0x4: {  	s13 =	simm.s32 $0x0;
	s3 =	sshll.u32 s0, $0x8;
	s4 =	sand.u32 $0x80, s1  }
0x5: {  	s12 =	simm.s32 $0x0;
	s5 =	sadd.s32 $0x800, s2;
	s3 =	sor.u32 s3, s4  }
0x6: {  	s1 =	rddreg [dreg:$0x1];
	_ =	strace $0x80000047;
	s8 =	ssub.s32 $0x1800, s3  }
.Ltmp0:
0x7: {  	s4 =	sadd.s32 $0x600, s2;
	s7 =	sand.u32 $0xF80, s8;
	(pc) =	sbr.rel .LBB2_1-.Ltmp0, $4  }
0x8: {  	[sflag:s6] =	ssyncpa.u1 $0x0;
	s11 =	smov.u32 s3;
	p0 =	sne.s32 s7, $0x0  }
0x9: {  	s8 =	sshrl.u32 s8, $0xC;
	s7 =	simm.s32 $0x2;
	s9 =	simm.s32 @!p0 $0x0  }
0xa: {  	[sflag:s7] =	ssyncpa.u1 $0x0;
	p0 =	por $0x0, $0x0;
	s8 =	sadd.s32 s9, s8  }
0xb: {  	vm0 =	vmmov $0xffff;
	[sflag:s10] =	ssyncpa.u1 $0x0;
	s10 =	simm.s32 $0x0;
	s9 =	sadd.s32 $0x1, s8  }
.LBB2_4:
0xc: {  	v2 =	vnsel vm1, $0x0, v2  }
0xd: {  	vm1 =	vgt.s32 v0, $0x0;
	v2 =	vmin.u32 v2, $0xFFF  }
0xe: {  	v0 =	vnsel vm1, $0x0, v0  }
0xf: {  	v0 =	vmin.u32 v0, $0xFFF  }
0x10: {  	[tilespmem:s15], [sflag:$0x1] =	stream.indirect_vreg.gather [hbm4b:s4+s10], $0x1, v1, vm0, $0x4038;
	[tilespmem:$0x200] =	vst v63  }
0x11: {  	(ifvalue) =	ssetifvalue $0x7FFFFFFF  }
0x12: {  	[tilespmem:s16], [sflag:$0x1] =	stream.indirect_vreg.gather [hbm4b:s4+s10], $0x1, v2, vm0, $0x4038;
	[tilespmem:$0x200] =	vst v63  }
0x13: {  	s29 =	sadd.s32 $0x10, s16;
	(ifvalue) =	ssetifvalue $0x7FFFFFFF  }
0x14: {  	[tilespmem:s29], [sflag:$0x1] =	stream.indirect_vreg.gather [hbm4b:s4+s10], $0x1, v0, vm0, $0x4038;
	[tilespmem:$0x200] =	vst v63  }
0x15: {  	_ =	swait.ge [sflag:s6], $0x80  }
0x16: {  	s30 =	sshrl.u32 s13, $0x3;
	[sflag:s6] =	ssyncset.done $0x0  }
0x17: {  	s31 =	sand.u32 $0x7, s13;
	s15 =	sadd.s32 s5, s30;
	[sflag:s6] =	ssyncadd.s32 $0xFFFFFF80  }
0x18: {  	[hbm4b:s15+s31] =	stream.linear.scatter [tilespmem:s14], [sflag:$0x3], $0x80, $0x38;
	[tilespmem:$0x200] =	vst v63  }
.LBB2_5:
0x19: {  	s15 =	sadd.s32 $0x1000, s11  }
0x1a: {  	p2 =	sgt.s32 s15, $0x17FF  }
0x1b: {  	s15 =	smov.u32 @p2 s3;
	p2 =	sne.s32 s12, s9  }
.Ltmp1:
0x1c: {  	p1 =	slt.u32 s12, $0x2;
	(pc) =	sbr.rel @!p2 .LBB2_6-.Ltmp1, $4  }
0x1d: {  	s14 =	simm.s32 @!p1 $0x3  }
0x1e: {  	s16 =	sadd.s32 $0x1, s12;
	_ =	swait.ge @!p1 [sflag:s14], $0x80  }
0x1f: {  	s13 =	smov.u32 s11;
	p0 =	por !p0, !p0;
	[sflag:s14] =	ssyncset.done @!p1 $0x0  }
0x20: {  	s12 =	smov.u32 s16;
	s11 =	smov.u32 s15;
	[sflag:s14] =	ssyncadd.s32 @!p1 $0xFFFFFF80  }
.LBB2_1:
0x21: {  	p1 =	sge.u32 s12, s8  }
0x22: {  	s14 =	sxor.u32 @!p1 $0xFFFFFFFF, s12  }
0x23: {  	s31 =	sadd.s32 $0xFFFFFFFF, s12;
	s15 =	sshrl.u32 @!p1 s11, $0x3;
	s14 =	sshll.u32 @!p1 s14, $0x7  }
0x24: {  	s16 =	sand.u32 @!p1 $0x7, s11;
	s15 =	sadd.s32 @!p1 s2, s15;
	s14 =	sand.u32 @!p1 $0x80, s14  }
0x25: {  	[tilespmem:s14], [sflag:$0x2] =	stream.linear.gather @!p1 [hbm4b:s15+s16], $0x80, $0x38;
	[tilespmem:$0x200] =	vst v63  }
0x26: {  	p1 =	sge.u32 s31, s8  }
.Ltmp2:
0x27: {  	_ = 	snop;
	(pc) =	sbr.rel @p1 .LBB2_5-.Ltmp2, $1  }
0x28: {  	_ =	sdelay $0x3  }
0x29: {  	s14 =	simm.s32 $0x1  }
0x2a: {  	_ =	swait.ge [sflag:s7], $0x80;
	s14 =	simm.s32 @!p0 $0x0  }
0x2b: {  	[sflag:s7] =	ssyncset.done $0x0;
	s14 =	sshll.u32 s14, $0x7  }
0x2c: {  	[sflag:s7] =	ssyncadd.s32 $0xFFFFFF80;
	(ifvalue) =	ssetifvalue $0x7FFFFFFF;
	v0 =	vld.msk [tilespmem:s14+$0x0 ss:$0x1], $0xffff;
	_ =	sdelay $0x4  }
0x2d: {  	s15 =	sadd.s32 $0x10, s14;
	vm1 =	vgt.s32 v0, $0x0  }
0x2e: {  	v2 =	vld.msk [tilespmem:s15+$0x0 ss:$0x1], $0xffff;
	v1 =	vnsel vm1, $0x0, v0  }
0x2f: {  	v1 =	vmin.u32 v1, $0xFFF;
	_ =	sdelay $0x1  }
0x30: {  	s16 =	sshll.u32 s12, $0x7;
	s18 =	simm.s32 $0x20  }
0x31: {  	s16 =	sand.u32 $0x80, s16;
	s17 =	sadd.s32 $0x10, s15;
	s15 =	sor.u32 $0x100, s14  }
0x32: {  	s14 =	sor.u32 $0x100, s16;
	s16 =	sadd.s32 $0x10, s15;
	v0 =	vld.msk [tilespmem:s17+$0x0 ss:$0x1], $0xffff;
	vm1 =	vgt.s32 v2, $0x0;
	(ifvalue) =	ssetifvalue $0x7FFFFFFF  }
.LBB2_3:
0x33: {  	[tilespmem:s15], [sflag:$0x1] =	stream.indirect_vreg.gather [hbm4b:s4+s10], $0x1, v1, vm0, $0x4038;
	[tilespmem:$0x200] =	vst v63  }
0x34: {  	s18 =	sadd.s32 $0x10, s18  }
0x35: {  	v2 =	vnsel vm1, $0x0, v2;
	p1 =	slt.u32 s18, $0x70  }
.Ltmp3:
0x36: {  	s15 =	smov.u32 s16;
	v1 =	vmin.u32 v2, $0xFFF;
	(pc) =	sbr.rel @p1 .LBB2_3-.Ltmp3, $3  }
0x37: {  	_ =	sdelay $0x1  }
0x38: {  	s17 =	sadd.s32 $0x10, s17  }
0x39: {  	vm1 =	vgt.s32 v0, $0x0;
	s16 =	sadd.s32 $0x10, s16;
	v2 =	vmov v0;
	(ifvalue) =	ssetifvalue $0x7FFFFFFF;
	v0 =	vld.msk [tilespmem:s17+$0x0 ss:$0x1], $0xffff  }
.Ltmp4:
0x3a: {  	_ = 	snop;
	(pc) =	sbr.rel .LBB2_4-.Ltmp4, $1  }
0x3b: {  	_ =	sdelay $0x3  }
.LBB2_6:
0x3c: {  	_ =	sfence.sel $0x180000  }
0x3d: {  	s2 =	simm.s32 $0x2;
	[bflag:$0x0] =	sbarrier.arrive $0xFFFF  }
0x3e: {  	s30 =	simm.s32 $0x3;
	[sflag:s2] =	ssyncpa.u1 $0x1  }
0x3f: {  	s31 =	simm.s32 $0x1;
	[sflag:s30] =	ssyncpa.u1 $0x1  }
0x40: {  	[sflag:s31] =	ssyncpa.u1 $0x1  }
0x41: {  	p0 =	sne.s32 s0, $0x0;
	_ =	strace $0x90000047  }
0x42: {  	s0 =	sadd.s32 @!p0 $0x100000, s1;
	[bflag:$0x2] =	sbarrier.arrive $0xFFFF  }
0x43: {  	[sflag:s0] =	ssyncadd.tile.s32 @!p0 $0x1;
	_ =	shalt  }
.Lfunc_end2:
_tile_overlayer_lowered:
.L_overlay_start_2:
0x44: {  	(tag) =	ssettag $0x2  }
0x45: {  	s0 =	rddreg [dreg:$0x0];
	s2 =	stileid.u32  }
0x46: {  	s1 =	rddreg [dreg:$0x1];
	p0 =	sne.s32 s2, $0x0  }
0x47: {  	s3 =	rddreg [dreg:$0x2];
	[bflag:$0x3] =	sbarrier.arrive $0xFFFF;
	s2 =	simm.s32 @!p0 $0x1C01  }
0x48: {  	[timem:s3], [sflag:s2] =	dma.local @!p0 [hbm:s0], s1  }
0x49: {  	s0 =	simm.s32 @!p0 $0x1  }
0x4a: {  	_ =	swait.ge @!p0 [sflag:s0], s1  }
0x4b: {  	s1 =	ssub.s32 @!p0 $0x0, s1;
	[sflag:s0] =	ssyncset.done @!p0 $0x0  }
0x4c: {  	[sflag:s0] =	ssyncadd.s32 @!p0 s1  }
0x4d: {  	[bflag:$0x3] =	sbarrier.arrive $0xFFFF  }
0x4e: {  	_ =	shalt  }

// kernel: kernel.5.cloned.1.call-start
scs
__scs_entry_jumppad:
0x0: {  	(pc) =	sbr.rel $0x88, $3  }
0x1: {  	(tag) =	ssettag $0x0;
	lr =	simm.s32 $0x1  }
0x2: {  	[smem:$0x3F94] =	sst lr;
	_ =	strace $0xD0000000  }
0x3: {  	_ = 	snop  }
0x4: {  	_ = 	snop  }
0x5: {  	_ = 	snop  }
0x6: {  	_ = 	snop  }
0x7: {  	_ = 	snop  }
__scs_overlays_trampoline_lowered:
0x8: {  	[smem:$0x3FA3] =	sst s0  }
0x9: {  	[smem:$0x3FA4] =	sst s1  }
0xa: {  	[smem:$0x3FA5] =	sst s2  }
0xb: {  	[smem:$0x3FA6] =	sst s3  }
0xc: {  	[smem:$0x3FA7] =	sst s4  }
0xd: {  	[smem:$0x3FA8] =	sst s5  }
0xe: {  	[smem:$0x3FA9] =	sst s6  }
0xf: {  	[smem:$0x3FAA] =	sst s7  }
0x10: {  	[smem:$0x3FAB] =	sst s8  }
0x11: {  	[smem:$0x3FAC] =	sst s9;
	s0 =	simm.s32 @!p0 $0x0  }
0x12: {  	s1 =	sld [smem:$0x3F92];
	s0 =	simm.s32 @p0 $0x1  }
0x13: {  	[smem:$0x3FAD] =	sst s0;
	s0 =	simm.s32 @!p1 $0x0  }
0x14: {  	s2 =	sld [smem:$0x3F91];
	s0 =	simm.s32 @p1 $0x1  }
0x15: {  	[smem:$0x3FAE] =	sst s0;
	s0 =	simm.s32 @!p2 $0x0  }
0x16: {  	s3 =	sld [smem:$0x3FDB];
	s0 =	simm.s32 @p2 $0x1  }
0x17: {  	s4 =	simm.s32 $0x1BF5;
	[smem:$0x3FB0] =	sst s0  }
0x18: {  	s0 =	sld [smem:$0x3F93];
	_ =	swait.ge [sflag:s4], $0x0  }
0x19: {  	s7 =	sld [smem:$0x3F94]  }
0x1a: {  	s8 =	sadd.s32 $0xFFFFE003, lr  }
0x1b: {  	s9 =	sadd.s32 $0xFFFFFEF7, lr;
	s5 =	simm.s32 $0xFFFFFFFF;
	p2 =	slt.u32 s8, $0xFFFFF086  }
0x1c: {  	p1 =	slt.u32 s9, $0xF7A;
	s5 =	simm.s32 @!p2 $0x0  }
0x1d: {  	s5 =	simm.s32 @p1 $0x1;
	p0 =	seq.s32 s7, s2  }
0x1e: {  	s7 =	smul.u32 @!p0 $0xF7A, s2;
	p2 =	seq.s32 @!p0 s5, $0x0  }
0x1f: {  	s9 =	smul.u32 $0xF7A, s1;
	s8 =	simm.s32 @!p0 $0x1BF5;
	p2 =	por !p2, p0  }
0x20: {  	[sflag:s8] =	ssyncset.s32 @!p0 $0xFFFFF086;
	s6 =	sadd.s32 @!p0 s3, s7;
	s7 =	simm.s32 @!p0 $0x108  }
0x21: {  	s3 =	sadd.s32 s3, s9;
	s6 =	sadd.s32 @!p0 $0x88, s6;
	s7 =	simm.s32 @p2 $0x1082  }
0x22: {  	[simem:s7], [sflag:s8] =	dma.local @!p0 [hbm:s6], $0xF7A  }
0x23: {  	s9 =	sor.u32 $0xD0000000, s2;
	s6 =	simm.s32 $0x108;
	_ =	swait.ge @!p0 [sflag:s8], $0x0  }
0x24: {  	s3 =	sadd.s32 $0x88, s3;
	s6 =	simm.s32 @!p1 $0x1082;
	[sflag:s4] =	ssyncset.s32 $0xFFFFF086  }
0x25: {  	[simem:s6], [sflag:s4] =	dma.local [hbm:s3], $0xF7A  }
0x26: {  	[smem:$0x3F94] =	sst s1;
	(tag) =	ssettag s2;
	_ =	strace s9  }
0x27: {  	s1 =	sld [smem:$0x3FA4]  }
0x28: {  	s2 =	sld [smem:$0x3FA5]  }
0x29: {  	s4 =	sld [smem:$0x3FA7]  }
0x2a: {  	p0 =	seq.s32 s5, $0x0;
	s5 =	sld [smem:$0x3FA8]  }
0x2b: {  	s6 =	sld [smem:$0x3FA9]  }
0x2c: {  	s7 =	sld [smem:$0x3FAA]  }
0x2d: {  	s3 =	simm.s32 $0x108;
	s8 =	sld [smem:$0x3FAB]  }
0x2e: {  	s3 =	simm.s32 @!p0 $0x1082;
	s9 =	sld [smem:$0x3FAC]  }
0x2f: {  	lr =	sadd.s32 s0, s3;
	s0 =	sld [smem:$0x3FA3]  }
0x30: {  	s3 =	sld [smem:$0x3FA6]  }
0x31: {  	[smem:$0x3FAF] =	sst s10  }
0x32: {  	s10 =	sld [smem:$0x3FAD];
	_ =	sdelay $0x3  }
0x33: {  	p0 =	seq.s32 s10, $0x1;
	s10 =	sld [smem:$0x3FAF];
	_ =	sdelay $0x3  }
0x34: {  	[smem:$0x3FAF] =	sst s10  }
0x35: {  	s10 =	sld [smem:$0x3FAE];
	_ =	sdelay $0x3  }
0x36: {  	p1 =	seq.s32 s10, $0x1;
	s10 =	sld [smem:$0x3FAF];
	_ =	sdelay $0x3  }
0x37: {  	[smem:$0x3FAF] =	sst s10  }
0x38: {  	s10 =	sld [smem:$0x3FB0]  }
0x39: {  	_ = 	snop;
	(pc) =	sbr.ind lr, $3  }
0x3a: {  	_ = 	snop  }
0x3b: {  	_ = 	snop  }
0x3c: {  	p2 =	seq.s32 s10, $0x1;
	s10 =	sld [smem:$0x3FAF]  }
0x3d: {  	_ =	shalt  }
0x3e: {  	_ =	shalt  }
0x3f: {  	_ =	shalt  }
0x40: {  	_ =	shalt  }
0x41: {  	_ =	shalt  }
0x42: {  	_ =	shalt  }
0x43: {  	_ =	shalt  }
0x44: {  	_ =	shalt  }
0x45: {  	_ =	shalt  }
0x46: {  	_ =	shalt  }
0x47: {  	_ =	shalt  }
0x48: {  	_ =	shalt  }
0x49: {  	_ =	shalt  }
0x4a: {  	_ =	shalt  }
0x4b: {  	_ =	shalt  }
0x4c: {  	_ =	shalt  }
0x4d: {  	_ =	shalt  }
0x4e: {  	_ =	shalt  }
0x4f: {  	_ =	shalt  }
0x50: {  	_ =	shalt  }
0x51: {  	_ =	shalt  }
0x52: {  	_ =	shalt  }
0x53: {  	_ =	shalt  }
0x54: {  	_ =	shalt  }
0x55: {  	_ =	shalt  }
0x56: {  	_ =	shalt  }
0x57: {  	_ =	shalt  }
0x58: {  	_ =	shalt  }
0x59: {  	_ =	shalt  }
0x5a: {  	_ =	shalt  }
0x5b: {  	_ =	shalt  }
0x5c: {  	_ =	shalt  }
0x5d: {  	_ =	shalt  }
0x5e: {  	_ =	shalt  }
0x5f: {  	_ =	shalt  }
0x60: {  	_ =	shalt  }
0x61: {  	_ =	shalt  }
0x62: {  	_ =	shalt  }
0x63: {  	_ =	shalt  }
0x64: {  	_ =	shalt  }
0x65: {  	_ =	shalt  }
0x66: {  	_ =	shalt  }
0x67: {  	_ =	shalt  }
0x68: {  	_ =	shalt  }
0x69: {  	_ =	shalt  }
0x6a: {  	_ =	shalt  }
0x6b: {  	_ =	shalt  }
0x6c: {  	_ =	shalt  }
0x6d: {  	_ =	shalt  }
0x6e: {  	_ =	shalt  }
0x6f: {  	_ =	shalt  }
0x70: {  	_ =	shalt  }
0x71: {  	_ =	shalt  }
0x72: {  	_ =	shalt  }
0x73: {  	_ =	shalt  }
0x74: {  	_ =	shalt  }
0x75: {  	_ =	shalt  }
0x76: {  	_ =	shalt  }
0x77: {  	_ =	shalt  }
0x78: {  	_ =	shalt  }
0x79: {  	_ =	shalt  }
0x7a: {  	_ =	shalt  }
0x7b: {  	_ =	shalt  }
0x7c: {  	_ =	shalt  }
0x7d: {  	_ =	shalt  }
0x7e: {  	_ =	shalt  }
0x7f: {  	_ =	shalt  }
0x80: {  	_ =	shalt  }
0x81: {  	_ =	shalt  }
0x82: {  	_ =	shalt  }
0x83: {  	_ =	shalt  }
0x84: {  	_ =	shalt  }
0x85: {  	_ =	shalt  }
0x86: {  	_ =	shalt  }
0x87: {  	_ =	shalt  }
.Lfunc_end0:
.L_simem_size_0:
called_computation.2_lowered:
.L_overlay_start_0:
0x88: {  	s2 =	sld [smem:$0x3FD9]  }
0x89: {  	s3 =	sld [smem:$0x3FFE];
	_ =	sdelay $0x1  }
0x8a: {  	s1 =	srdreg.scid  }
0x8b: {  	s0 =	sand.u32 $0x1, s1  }
0x8c: {  	s17 =	sshll.u32 s0, $0xA;
	s2 =	sadd.s32 s3, s2  }
0x8d: {  	s2 =	sadd.s32 s2, s17  }
0x8e: {  	[smem:$0x3FBB] =	sst s2  }
0x8f: {  	_ = 	snop  }
0x90: {  	s18 =	sld [smem:$0x3FC9];
	(tm) =	ssettm $0x1  }
0x91: {  	s19 =	sld [smem:$0x3FFB];
	_ =	sdelay $0x3  }
0x92: {  	_ =	strace s19  }
0x93: {  	s2 =	sld [smem:$0x3FFC];
	_ =	sdelay $0x3  }
0x94: {  	_ =	strace s2  }
0x95: {  	s2 =	sld [smem:$0x3FFD];
	_ =	sdelay $0x3  }
0x96: {  	_ =	strace s2  }
0x97: {  	_ =	strace $0x8FFFFFFF  }
0x98: {  	s20 =	sld [smem:$0x3FDB];
	_ =	sdelay $0x1  }
0x99: {  	s4 =	simm.s32 $_scs_section_size  }
0x9a: {  	s5 =	simm.s32 $_size__tile_overlayer_lowered;
	s6 =	simm.s32 $_tile_overlayer_lowered  }
0x9b: {  	s7 =	simm.s32 $0x1BFF;
	s21 =	sshll.u32 s6, $0x1;
	s4 =	sadd.s32 s4, s20  }
0x9c: {  	s22 =	simm.s32 $0x0;
	s5 =	sshll.u32 s5, $0x1;
	s6 =	sadd.s32 s21, s4  }
0x9d: {  	[timem:s22], [sflag:s7] =	dma.local [hbm:s6], s5  }
0x9e: {  	_ =	swait.ge [sflag:s7], s5  }
0x9f: {  	s5 =	ssub.s32 $0x0, s5;
	[sflag:s7] =	ssyncset.done $0x0  }
0xa0: {  	[sflag:s7] =	ssyncadd.s32 s5;
	_ =	sdelay $0x1  }
0xa1: {  	s23 =	simm.s32 $0x1B8B  }
0xa2: {  	_ =	swait.ge [sflag:s23], $0x1  }
0xa3: {  	[sflag:s23] =	ssyncset.done $0x0  }
0xa4: {  	[sflag:s23] =	ssyncadd.s32 $0xFFFFFFFF  }
0xa5: {  	s5 =	sld [smem:$0x0]  }
0xa6: {  	s6 =	sand.u32 $0xFFFFFFFE, s1  }
0xa7: {  	p0 =	sne.s32 s1, s6  }
0xa8: {  	s6 =	sshll.u32 @p0 s6, $0xE  }
0xa9: {  	s6 =	sadd.s32 @p0 $0x11B8D, s6;
	s7 =	sshll.u32 @p0 s5, $0x11  }
0xaa: {  	s6 =	sor.u32 @p0 s7, s6  }
0xab: {  	[sflag:s6] =	ssyncadd.remote.s32 @p0 $0x1;
	_ =	sdelay $0x1  }
0xac: {  	s6 =	simm.s32 @p0 $0x1B8D  }
0xad: {  	_ =	swait.eq @p0 [sflag:s6], $0x1  }
0xae: {  	[sflag:s6] =	ssyncadd.s32 @p0 $0xFFFFFFFF  }
0xaf: {  	s7 =	sshll.u32 @!p0 s1, $0xE  }
0xb0: {  	s7 =	sor.u32 @!p0 $0x4000, s7;
	s6 =	simm.s32 @!p0 $0x1B8D  }
0xb1: {  	s5 =	sshll.u32 @!p0 s5, $0x11;
	s7 =	sadd.s32 @!p0 $0x11B8D, s7;
	_ =	swait.eq @!p0 [sflag:s6], $0x1  }
0xb2: {  	s5 =	sor.u32 @!p0 s5, s7;
	[sflag:s6] =	ssyncadd.s32 @!p0 $0xFFFFFFFF  }
0xb3: {  	s25 =	simm.s32 $0x1B8E;
	s24 =	sld [smem:$0x3FFE];
	[sflag:s5] =	ssyncadd.remote.s32 @!p0 $0x1  }
0xb4: {  	s26 =	simm.s32 $execute0_lowered;
	[smem:$0x3FD2] =	sst s25  }
0xb5: {  	s6 =	sshll.u32 s26, $0x1;
	_ =	strace $0x8000004C;
	[dreg:$0x1] =	wrdreg $0xFFFFFFFF  }
0xb6: {  	s28 =	simm.s32 $_size_execute0_lowered;
	s4 =	sadd.s32 s4, s6;
	[dreg:$0x0] =	wrdreg $0x0  }
0xb7: {  	s6 =	sshll.u32 s28, $0x1;
	[dreg:$0x2] =	wrdreg s4  }
0xb8: {  	[dreg:$0x3] =	wrdreg s6  }
0xb9: {  	[dreg:$0x4] =	wrdreg $0xC0  }
0xba: {  	_ =	task [dreg:s22], $0x5FFFF  }
0xbb: {  	[dreg:$0x1] =	wrdreg $0xFFFFFFFF  }
0xbc: {  	[dreg:$0x0] =	wrdreg $0x60  }
0xbd: {  	[dreg:$0x2] =	wrdreg s18  }
0xbe: {  	[dreg:$0x3] =	wrdreg s24  }
0xbf: {  	[dreg:$0x4] =	wrdreg $0xA  }
0xc0: {  	_ =	task.clear_ibuf [dreg:s22], $0x5FFFF;
	_ =	strace $0x9000004C  }
0xc1: {  	s29 =	simm.s32 $0xA;
	_ =	strace $0x8000004E  }
0xc2: {  	_ =	swait.ge [sflag:s29], $0x1  }
0xc3: {  	[sflag:s29] =	ssyncadd.s32 $0xFFFFFFFF  }
0xc4: {  	_ =	strace $0x9000004E  }
0xc5: {  	_ =	sfence  }
0xc6: {  	s30 =	sld [smem:$0x0];
	_ =	sdelay $0x2  }
0xc7: {  	s31 =	sshll.u32 s1, $0xD;
	s1 =	sshrl.u32 s1, $0x2  }
0xc8: {  	s4 =	sand.u32 $0x4000, s31;
	s1 =	sadd.s32 s1, s30  }
0xc9: {  	s0 =	sor.u32 s4, s0;
	s1 =	sshll.u32 s1, $0x11  }
0xca: {  	s0 =	sor.u32 s1, s0  }
0xcb: {  	s0 =	sadd.s32 $0x8F2B, s0  }
0xcc: {  	[sflag:s0] =	ssyncadd.remote.s32 $0x1  }
0xcd: {  	_ =	sfence.sel $0xFFFF  }
0xce: {  	[dreg:$0x0] =	wrdreg $0xFFFFFFFF;
	(pc) =	sbr.abs _section_cstart, $3  }
0xcf: {  	[dreg:$0x1] =	wrdreg $0xFFFFFFFF  }
0xd0: {  	_ =	task.clear_ibuf [dreg:s22], $0x2FFFF;
	_ =	strace $0x9FFFFFFF  }
0xd1: {  	(tm) =	ssettm $0x7FFFFFFF  }
tec
execute0_lowered:
.L_overlay_start_1:
0x0: {  	(tag) =	ssettag $0x1  }
0x1: {  	s2 =	rddreg [dreg:$0x0]  }
0x2: {  	s4 =	rddreg [dreg:$0x1];
	s3 =	simm.s32 $0x0  }
0x3: {  	s24 =	simm.s32 $0x80;
	[smem:$0x7FF] =	sst s3  }
0x4: {  	s25 =	simm.s32 $0xC900;
	_ =	strace $0x8000004D;
	[dreg:$0x8] =	wrdreg s24  }
0x5: {  	s7 =	simm.s32 $0xE100;
	[dreg:$0x9] =	wrdreg s25  }
0x6: {  	s8 =	simm.s32 $0xE900;
	[dreg:$0xc] =	wrdreg s7  }
0x7: {  	s0 =	srdreg.scid;
	s9 =	simm.s32 $0xF100;
	[dreg:$0xd] =	wrdreg s8  }
0x8: {  	s1 =	stileid.u32;
	s10 =	simm.s32 $0xF900;
	[dreg:$0xe] =	wrdreg s9  }
0x9: {  	s11 =	simm.s32 $0x10100;
	s12 =	simm.s32 $0x10900;
	[dreg:$0xf] =	wrdreg s10  }
0xa: {  	s13 =	simm.s32 $0x11100;
	s14 =	simm.s32 $0x11900;
	[dreg:$0x10] =	wrdreg s11  }
0xb: {  	s15 =	simm.s32 $0x12100;
	s16 =	simm.s32 $0x12900;
	[dreg:$0x11] =	wrdreg s12  }
0xc: {  	s17 =	simm.s32 $0x13100;
	s18 =	simm.s32 $0x13900;
	[dreg:$0x12] =	wrdreg s13  }
0xd: {  	s28 =	simm.s32 $0x7100;
	s29 =	simm.s32 $0x7900;
	[dreg:$0x13] =	wrdreg s14  }
0xe: {  	s30 =	simm.s32 $0x8100;
	s31 =	simm.s32 $0x8900;
	[dreg:$0x14] =	wrdreg s15  }
0xf: {  	s0 =	sand.u32 $0x1, s0;
	s1 =	sshll.u32 s1, $0x1;
	[dreg:$0x15] =	wrdreg s16  }
0x10: {  	s1 =	sor.u32 s0, s1;
	s0 =	ssub.s32 $0x2, s0;
	[dreg:$0x16] =	wrdreg s17  }
0x11: {  	s8 =	simm.s32 $0x3;
	[dreg:$0x17] =	wrdreg s18;
	s24 =	simm.s32 $0x16900  }
0x12: {  	s25 =	simm.s32 $0x17100;
	s10 =	simm.s32 $0x1;
	s14 =	simm.s32 $0x900  }
0x13: {  	s15 =	simm.s32 $0x1100;
	s16 =	simm.s32 $0x1900;
	s17 =	simm.s32 $0x2100  }
0x14: {  	s18 =	simm.s32 $0x2900;
	s1 =	smul.u32 $0xC0, s1;
	[dreg:$0x1d] =	wrdreg s24  }
0x15: {  	s11 =	simm.s32 $0xA900;
	s26 =	sshrl.u32 s0, $0x1;
	[dreg:$0x1e] =	wrdreg s25  }
0x16: {  	s0 =	ssub.s32 s0, s26;
	s26 =	simm.s32 $0x17900;
	s1 =	sshrl.u32 s1, $0x3  }
0x17: {  	s9 =	simm.s32 $0xB100;
	[dreg:$0x1f] =	wrdreg s26;
	s6 =	sadd.s32 s4, s1  }
0x18: {  	s24 =	simm.s32 $0x5900;
	s20 =	sadd.s32 $0x8, s6;
	[smem:$0x7FD] =	sst s6  }
0x19: {  	s5 =	smul.u32 $0x300, s1;
	s22 =	sadd.s32 $0x10, s6;
	[dreg:$0x3] =	wrdreg s20  }
0x1a: {  	s25 =	simm.s32 $0x6100;
	s6 =	simm.s32 $0xD900;
	[dreg:$0x5] =	wrdreg s22  }
0x1b: {  	s19 =	sadd.s32 s5, s4;
	s5 =	simm.s32 $0xD100;
	[dreg:$0xb] =	wrdreg s6  }
0x1c: {  	s7 =	smax.u32 s0, $0x1;
	s20 =	simm.s32 $0x14900;
	[dreg:$0xa] =	wrdreg s5  }
0x1d: {  	s0 =	simm.s32 $0x100;
	s22 =	simm.s32 $0x15900;
	[dreg:$0x19] =	wrdreg s20  }
0x1e: {  	s26 =	simm.s32 $0x6900;
	s21 =	sadd.s32 $0x2200, s19;
	[dreg:$0x1b] =	wrdreg s22  }
0x1f: {  	s6 =	sadd.s32 $0x200, s2;
	s23 =	sadd.s32 $0x3A00, s19;
	[dreg:$0x4] =	wrdreg s21  }
0x20: {  	s1 =	sadd.s32 $0x5200, s19;
	s5 =	sadd.s32 $0x100, s2;
	[dreg:$0x6] =	wrdreg s23  }
0x21: {  	s19 =	simm.s32 $0x14100;
	s20 =	simm.s32 $0x3900;
	[dreg:$0x7] =	wrdreg s1  }
0x22: {  	v2 =	vlaneseq.u32;
	s22 =	simm.s32 $0x4900;
	[dreg:$0x18] =	wrdreg s19;
	s21 =	simm.s32 $0x15100  }
0x23: {  	vm0 =	vmmov $0xffff;
	v1 =	vshrl.u32 v2, $0x3;
	s23 =	simm.s32 $0x16100;
	s19 =	simm.s32 $0x3100;
	[dreg:$0x1a] =	wrdreg s21  }
0x24: {  	v0 =	vand.u32 $0x7, v2;
	v2 =	vor.u32 $0x8, v2;
	v1 =	vmul.u32 $0x8, v1;
	[dreg:$0x1c] =	wrdreg s23;
	s21 =	simm.s32 $0x4100;
	s23 =	simm.s32 $0x5100  }
.LBB2_1:
0x25: {  	s12 =	sld [smem:$0x7FD];
	_ =	sdelay $0x2  }
0x26: {  	[tilespmem:s3], [sflag:$0x3] =	stream.linear.gather [hbm4b:s12+s3], $0x40, $0x38;
	[tilespmem:$0x18100] =	vst v63  }
0x27: {  	_ =	swait.ge [sflag:s8], $0x40  }
0x28: {  	[sflag:s8] =	ssyncset.done $0x0  }
0x29: {  	[sflag:s8] =	ssyncadd.s32 $0xFFFFFFC0  }
0x2a: {  	v3 =	vld [tilespmem:$0x0];
	_ =	sdelay $0x4  }
0x2b: {  	v4 =	vshrl.u32 v3, $0x3  }
0x2c: {  	v4 =	vmul.u32 $0x30, v4  }
0x2d: {  	v3 =	vand.u32 $0x7, v3  }
0x2e: {  	v3 =	vor.u32 v3, v4  }
0x2f: {  	v4 =	vperm.xlane v3, v0;
	_ =	sdelay $0x1  }
0x30: {  	v4 =	vadd.s32 v1, v4;
	_ =	sdelay $0x3  }
0x31: {  	v3 =	vperm.xlane v3, v2  }
0x32: {  	[tilespmem:s0], [sflag:$0x1] =	stream.indirect_vreg.gather [hbm4b:s2+s3], $0x80, v4, vm0, $0xb8;
	[tilespmem:$0x18100] =	vst v63  }
0x33: {  	v3 =	vadd.s32 v1, v3  }
0x34: {  	[tilespmem:s14], [sflag:$0x1] =	stream.indirect_vreg.gather [hbm4b:s5+s3], $0x80, v4, vm0, $0xb8;
	[tilespmem:$0x18100] =	vst v63  }
0x35: {  	_ = 	snop  }
0x36: {  	[tilespmem:s15], [sflag:$0x1] =	stream.indirect_vreg.gather [hbm4b:s6+s3], $0x80, v4, vm0, $0xb8;
	[tilespmem:$0x18100] =	vst v63  }
0x37: {  	_ = 	snop  }
0x38: {  	[tilespmem:s16], [sflag:$0x1] =	stream.indirect_vreg.gather [hbm4b:s2+s3], $0x80, v3, vm0, $0xb8;
	[tilespmem:$0x18100] =	vst v63  }
0x39: {  	_ = 	snop  }
0x3a: {  	[tilespmem:s17], [sflag:$0x1] =	stream.indirect_vreg.gather [hbm4b:s5+s3], $0x80, v3, vm0, $0xb8;
	[tilespmem:$0x18100] =	vst v63  }
0x3b: {  	_ = 	snop  }
0x3c: {  	[tilespmem:s18], [sflag:$0x1] =	stream.indirect_vreg.gather [hbm4b:s6+s3], $0x80, v3, vm0, $0xb8;
	[tilespmem:$0x18100] =	vst v63  }
0x3d: {  	v3 =	vld [tilespmem:$0x10];
	_ =	sdelay $0x4  }
0x3e: {  	v53 =	vshrl.u32 v3, $0x3  }
0x3f: {  	v4 =	vmul.u32 $0x30, v53  }
0x40: {  	v3 =	vand.u32 $0x7, v3  }
0x41: {  	v3 =	vor.u32 v3, v4  }
0x42: {  	v4 =	vperm.xlane v3, v0;
	_ =	sdelay $0x1  }
0x43: {  	v4 =	vadd.s32 v1, v4;
	_ =	sdelay $0x3  }
0x44: {  	v3 =	vperm.xlane v3, v2  }
0x45: {  	[tilespmem:s19], [sflag:$0x1] =	stream.indirect_vreg.gather [hbm4b:s2+s3], $0x80, v4, vm0, $0xb8;
	[tilespmem:$0x18100] =	vst v63  }
0x46: {  	v3 =	vadd.s32 v1, v3  }
0x47: {  	[tilespmem:s20], [sflag:$0x1] =	stream.indirect_vreg.gather [hbm4b:s5+s3], $0x80, v4, vm0, $0xb8;
	[tilespmem:$0x18100] =	vst v63  }
0x48: {  	_ = 	snop  }
0x49: {  	[tilespmem:s21], [sflag:$0x1] =	stream.indirect_vreg.gather [hbm4b:s6+s3], $0x80, v4, vm0, $0xb8;
	[tilespmem:$0x18100] =	vst v63  }
0x4a: {  	_ = 	snop  }
0x4b: {  	[tilespmem:s22], [sflag:$0x1] =	stream.indirect_vreg.gather [hbm4b:s2+s3], $0x80, v3, vm0, $0xb8;
	[tilespmem:$0x18100] =	vst v63  }
0x4c: {  	_ = 	snop  }
0x4d: {  	[tilespmem:s23], [sflag:$0x1] =	stream.indirect_vreg.gather [hbm4b:s5+s3], $0x80, v3, vm0, $0xb8;
	[tilespmem:$0x18100] =	vst v63  }
0x4e: {  	_ = 	snop  }
0x4f: {  	[tilespmem:s24], [sflag:$0x1] =	stream.indirect_vreg.gather [hbm4b:s6+s3], $0x80, v3, vm0, $0xb8;
	[tilespmem:$0x18100] =	vst v63  }
0x50: {  	v3 =	vld [tilespmem:$0x20];
	_ =	sdelay $0x4  }
0x51: {  	v54 =	vshrl.u32 v3, $0x3  }
0x52: {  	v4 =	vmul.u32 $0x30, v54  }
0x53: {  	v3 =	vand.u32 $0x7, v3  }
0x54: {  	v3 =	vor.u32 v3, v4  }
0x55: {  	v4 =	vperm.xlane v3, v0;
	_ =	sdelay $0x1  }
0x56: {  	v4 =	vadd.s32 v1, v4;
	_ =	sdelay $0x3  }
0x57: {  	v3 =	vperm.xlane v3, v2  }
0x58: {  	[tilespmem:s25], [sflag:$0x1] =	stream.indirect_vreg.gather [hbm4b:s2+s3], $0x80, v4, vm0, $0xb8;
	[tilespmem:$0x18100] =	vst v63  }
0x59: {  	v3 =	vadd.s32 v1, v3  }
0x5a: {  	[tilespmem:s26], [sflag:$0x1] =	stream.indirect_vreg.gather [hbm4b:s5+s3], $0x80, v4, vm0, $0xb8;
	[tilespmem:$0x18100] =	vst v63  }
0x5b: {  	_ = 	snop  }
0x5c: {  	[tilespmem:s28], [sflag:$0x1] =	stream.indirect_vreg.gather [hbm4b:s6+s3], $0x80, v4, vm0, $0xb8;
	[tilespmem:$0x18100] =	vst v63  }
0x5d: {  	_ = 	snop  }
0x5e: {  	[tilespmem:s29], [sflag:$0x1] =	stream.indirect_vreg.gather [hbm4b:s2+s3], $0x80, v3, vm0, $0xb8;
	[tilespmem:$0x18100] =	vst v63  }
0x5f: {  	_ = 	snop  }
0x60: {  	[tilespmem:s30], [sflag:$0x1] =	stream.indirect_vreg.gather [hbm4b:s5+s3], $0x80, v3, vm0, $0xb8;
	[tilespmem:$0x18100] =	vst v63  }
0x61: {  	_ = 	snop  }
0x62: {  	[tilespmem:s31], [sflag:$0x1] =	stream.indirect_vreg.gather [hbm4b:s6+s3], $0x80, v3, vm0, $0xb8;
	[tilespmem:$0x18100] =	vst v63  }
0x63: {  	v3 =	vld [tilespmem:$0x30];
	_ =	sdelay $0x4  }
0x64: {  	v55 =	vshrl.u32 v3, $0x3  }
0x65: {  	v4 =	vmul.u32 $0x30, v55  }
0x66: {  	v3 =	vand.u32 $0x7, v3  }
0x67: {  	v3 =	vor.u32 v3, v4  }
0x68: {  	v4 =	vperm.xlane v3, v0;
	_ =	sdelay $0x1  }
0x69: {  	v4 =	vadd.s32 v1, v4;
	_ =	sdelay $0x3  }
0x6a: {  	s1 =	simm.s32 $0x9100;
	v3 =	vperm.xlane v3, v2  }
0x6b: {  	[tilespmem:s1], [sflag:$0x1] =	stream.indirect_vreg.gather [hbm4b:s2+s3], $0x80, v4, vm0, $0xb8;
	[tilespmem:$0x18100] =	vst v63  }
0x6c: {  	s12 =	simm.s32 $0x9900;
	v3 =	vadd.s32 v1, v3  }
0x6d: {  	[tilespmem:s12], [sflag:$0x1] =	stream.indirect_vreg.gather [hbm4b:s5+s3], $0x80, v4, vm0, $0xb8;
	[tilespmem:$0x18100] =	vst v63  }
0x6e: {  	s13 =	simm.s32 $0xA100  }
0x6f: {  	[tilespmem:s13], [sflag:$0x1] =	stream.indirect_vreg.gather [hbm4b:s6+s3], $0x80, v4, vm0, $0xb8;
	[tilespmem:$0x18100] =	vst v63  }
0x70: {  	_ = 	snop  }
0x71: {  	[tilespmem:s11], [sflag:$0x1] =	stream.indirect_vreg.gather [hbm4b:s2+s3], $0x80, v3, vm0, $0xb8;
	[tilespmem:$0x18100] =	vst v63  }
0x72: {  	_ = 	snop  }
0x73: {  	[tilespmem:s9], [sflag:$0x1] =	stream.indirect_vreg.gather [hbm4b:s5+s3], $0x80, v3, vm0, $0xb8;
	[tilespmem:$0x18100] =	vst v63  }
0x74: {  	s4 =	simm.s32 $0xB900;
	s1 =	rddreg [dreg:$0x3]  }
0x75: {  	[tilespmem:s4], [sflag:$0x1] =	stream.indirect_vreg.gather [hbm4b:s6+s3], $0x80, v3, vm0, $0xb8;
	[tilespmem:$0x18100] =	vst v63  }
0x76: {  	s13 =	rddreg [dreg:$0x8]  }
0x77: {  	[tilespmem:s13], [sflag:$0x3] =	stream.linear.gather [hbm4b:s1+s3], $0x40, $0x38;
	[tilespmem:$0x18100] =	vst v63  }
0x78: {  	_ =	swait.ge [sflag:s8], $0x40  }
0x79: {  	[sflag:s8] =	ssyncset.done $0x0  }
0x7a: {  	[sflag:s8] =	ssyncadd.s32 $0xFFFFFFC0  }
0x7b: {  	v3 =	vld [tilespmem:$0x80];
	_ =	sdelay $0x4  }
0x7c: {  	v56 =	vshrl.u32 v3, $0x3  }
0x7d: {  	v4 =	vmul.u32 $0x30, v56  }
0x7e: {  	v3 =	vand.u32 $0x7, v3  }
0x7f: {  	v3 =	vor.u32 v3, v4  }
0x80: {  	v4 =	vperm.xlane v3, v0;
	_ =	sdelay $0x1  }
0x81: {  	v4 =	vadd.s32 v1, v4;
	_ =	sdelay $0x3  }
0x82: {  	s1 =	simm.s32 $0xC100;
	v3 =	vperm.xlane v3, v2  }
0x83: {  	[tilespmem:s1], [sflag:$0x2] =	stream.indirect_vreg.gather [hbm4b:s2+s3], $0x80, v4, vm0, $0xb8;
	[tilespmem:$0x18100] =	vst v63  }
0x84: {  	s12 =	rddreg [dreg:$0x9];
	v3 =	vadd.s32 v1, v3  }
0x85: {  	[tilespmem:s12], [sflag:$0x2] =	stream.indirect_vreg.gather [hbm4b:s5+s3], $0x80, v4, vm0, $0xb8;
	[tilespmem:$0x18100] =	vst v63  }
0x86: {  	s13 =	rddreg [dreg:$0xa]  }
0x87: {  	[tilespmem:s13], [sflag:$0x2] =	stream.indirect_vreg.gather [hbm4b:s6+s3], $0x80, v4, vm0, $0xb8;
	[tilespmem:$0x18100] =	vst v63  }
0x88: {  	s12 =	rddreg [dreg:$0xb]  }
0x89: {  	[tilespmem:s12], [sflag:$0x2] =	stream.indirect_vreg.gather [hbm4b:s2+s3], $0x80, v3, vm0, $0xb8;
	[tilespmem:$0x18100] =	vst v63  }
0x8a: {  	s13 =	rddreg [dreg:$0xc]  }
0x8b: {  	[tilespmem:s13], [sflag:$0x2] =	stream.indirect_vreg.gather [hbm4b:s5+s3], $0x80, v3, vm0, $0xb8;
	[tilespmem:$0x18100] =	vst v63  }
0x8c: {  	s12 =	rddreg [dreg:$0xd]  }
0x8d: {  	[tilespmem:s12], [sflag:$0x2] =	stream.indirect_vreg.gather [hbm4b:s6+s3], $0x80, v3, vm0, $0xb8;
	[tilespmem:$0x18100] =	vst v63  }
0x8e: {  	v3 =	vld [tilespmem:$0x90];
	_ =	sdelay $0x4  }
0x8f: {  	v57 =	vshrl.u32 v3, $0x3  }
0x90: {  	v4 =	vmul.u32 $0x30, v57  }
0x91: {  	v3 =	vand.u32 $0x7, v3  }
0x92: {  	v3 =	vor.u32 v3, v4  }
0x93: {  	v4 =	vperm.xlane v3, v0;
	_ =	sdelay $0x1  }
0x94: {  	v4 =	vadd.s32 v1, v4;
	_ =	sdelay $0x3  }
0x95: {  	s12 =	rddreg [dreg:$0xe];
	v3 =	vperm.xlane v3, v2  }
0x96: {  	[tilespmem:s12], [sflag:$0x2] =	stream.indirect_vreg.gather [hbm4b:s2+s3], $0x80, v4, vm0, $0xb8;
	[tilespmem:$0x18100] =	vst v63  }
0x97: {  	s13 =	rddreg [dreg:$0xf];
	v3 =	vadd.s32 v1, v3  }
0x98: {  	[tilespmem:s13], [sflag:$0x2] =	stream.indirect_vreg.gather [hbm4b:s5+s3], $0x80, v4, vm0, $0xb8;
	[tilespmem:$0x18100] =	vst v63  }
0x99: {  	s12 =	rddreg [dreg:$0x10]  }
0x9a: {  	[tilespmem:s12], [sflag:$0x2] =	stream.indirect_vreg.gather [hbm4b:s6+s3], $0x80, v4, vm0, $0xb8;
	[tilespmem:$0x18100] =	vst v63  }
0x9b: {  	s13 =	rddreg [dreg:$0x11]  }
0x9c: {  	[tilespmem:s13], [sflag:$0x2] =	stream.indirect_vreg.gather [hbm4b:s2+s3], $0x80, v3, vm0, $0xb8;
	[tilespmem:$0x18100] =	vst v63  }
0x9d: {  	s12 =	rddreg [dreg:$0x12]  }
0x9e: {  	[tilespmem:s12], [sflag:$0x2] =	stream.indirect_vreg.gather [hbm4b:s5+s3], $0x80, v3, vm0, $0xb8;
	[tilespmem:$0x18100] =	vst v63  }
0x9f: {  	s13 =	rddreg [dreg:$0x13]  }
0xa0: {  	[tilespmem:s13], [sflag:$0x2] =	stream.indirect_vreg.gather [hbm4b:s6+s3], $0x80, v3, vm0, $0xb8;
	[tilespmem:$0x18100] =	vst v63  }
0xa1: {  	v3 =	vld [tilespmem:$0xA0];
	_ =	sdelay $0x4  }
0xa2: {  	v58 =	vshrl.u32 v3, $0x3  }
0xa3: {  	v4 =	vmul.u32 $0x30, v58  }
0xa4: {  	v3 =	vand.u32 $0x7, v3  }
0xa5: {  	v3 =	vor.u32 v3, v4  }
0xa6: {  	v4 =	vperm.xlane v3, v0;
	_ =	sdelay $0x1  }
0xa7: {  	v4 =	vadd.s32 v1, v4;
	_ =	sdelay $0x3  }
0xa8: {  	s12 =	rddreg [dreg:$0x14];
	v3 =	vperm.xlane v3, v2  }
0xa9: {  	[tilespmem:s12], [sflag:$0x2] =	stream.indirect_vreg.gather [hbm4b:s2+s3], $0x80, v4, vm0, $0xb8;
	[tilespmem:$0x18100] =	vst v63  }
0xaa: {  	s13 =	rddreg [dreg:$0x15];
	v3 =	vadd.s32 v1, v3  }
0xab: {  	[tilespmem:s13], [sflag:$0x2] =	stream.indirect_vreg.gather [hbm4b:s5+s3], $0x80, v4, vm0, $0xb8;
	[tilespmem:$0x18100] =	vst v63  }
0xac: {  	s12 =	rddreg [dreg:$0x16]  }
0xad: {  	[tilespmem:s12], [sflag:$0x2] =	stream.indirect_vreg.gather [hbm4b:s6+s3], $0x80, v4, vm0, $0xb8;
	[tilespmem:$0x18100] =	vst v63  }
0xae: {  	s13 =	rddreg [dreg:$0x17]  }
0xaf: {  	[tilespmem:s13], [sflag:$0x2] =	stream.indirect_vreg.gather [hbm4b:s2+s3], $0x80, v3, vm0, $0xb8;
	[tilespmem:$0x18100] =	vst v63  }
0xb0: {  	s12 =	rddreg [dreg:$0x18]  }
0xb1: {  	[tilespmem:s12], [sflag:$0x2] =	stream.indirect_vreg.gather [hbm4b:s5+s3], $0x80, v3, vm0, $0xb8;
	[tilespmem:$0x18100] =	vst v63  }
0xb2: {  	s13 =	rddreg [dreg:$0x19]  }
0xb3: {  	[tilespmem:s13], [sflag:$0x2] =	stream.indirect_vreg.gather [hbm4b:s6+s3], $0x80, v3, vm0, $0xb8;
	[tilespmem:$0x18100] =	vst v63  }
0xb4: {  	v3 =	vld [tilespmem:$0xB0];
	_ =	sdelay $0x4  }
0xb5: {  	v59 =	vshrl.u32 v3, $0x3  }
0xb6: {  	v4 =	vmul.u32 $0x30, v59  }
0xb7: {  	v3 =	vand.u32 $0x7, v3  }
0xb8: {  	v3 =	vor.u32 v3, v4  }
0xb9: {  	v4 =	vperm.xlane v3, v0;
	_ =	sdelay $0x1  }
0xba: {  	v4 =	vadd.s32 v1, v4;
	_ =	sdelay $0x3  }
0xbb: {  	s12 =	rddreg [dreg:$0x1a];
	v3 =	vperm.xlane v3, v2  }
0xbc: {  	[tilespmem:s12], [sflag:$0x2] =	stream.indirect_vreg.gather [hbm4b:s2+s3], $0x80, v4, vm0, $0xb8;
	[tilespmem:$0x18100] =	vst v63  }
0xbd: {  	s13 =	rddreg [dreg:$0x1b];
	v3 =	vadd.s32 v1, v3  }
0xbe: {  	[tilespmem:s13], [sflag:$0x2] =	stream.indirect_vreg.gather [hbm4b:s5+s3], $0x80, v4, vm0, $0xb8;
	[tilespmem:$0x18100] =	vst v63  }
0xbf: {  	s12 =	rddreg [dreg:$0x1c]  }
0xc0: {  	[tilespmem:s12], [sflag:$0x2] =	stream.indirect_vreg.gather [hbm4b:s6+s3], $0x80, v4, vm0, $0xb8;
	[tilespmem:$0x18100] =	vst v63  }
0xc1: {  	s13 =	rddreg [dreg:$0x1d]  }
0xc2: {  	[tilespmem:s13], [sflag:$0x2] =	stream.indirect_vreg.gather [hbm4b:s2+s3], $0x80, v3, vm0, $0xb8;
	[tilespmem:$0x18100] =	vst v63  }
0xc3: {  	s12 =	rddreg [dreg:$0x1e]  }
0xc4: {  	[tilespmem:s12], [sflag:$0x2] =	stream.indirect_vreg.gather [hbm4b:s5+s3], $0x80, v3, vm0, $0xb8;
	[tilespmem:$0x18100] =	vst v63  }
0xc5: {  	s13 =	rddreg [dreg:$0x1f]  }
0xc6: {  	[tilespmem:s13], [sflag:$0x2] =	stream.indirect_vreg.gather [hbm4b:s6+s3], $0x80, v3, vm0, $0xb8;
	[tilespmem:$0x18100] =	vst v63  }
0xc7: {  	_ =	swait.ge [sflag:s10], $0xC000  }
0xc8: {  	[sflag:s10] =	ssyncset.done $0x0  }
0xc9: {  	s13 =	rddreg [dreg:$0x4];
	[sflag:s10] =	ssyncadd.s32 $0xFFFF4000  }
0xca: {  	[hbm4b:s13+s3] =	stream.linear.scatter [tilespmem:s0], [sflag:$0x3], $0xC000, $0x38;
	[tilespmem:$0x18100] =	vst v63  }
0xcb: {  	_ =	swait.ge [sflag:s8], $0xC000  }
0xcc: {  	[sflag:s8] =	ssyncset.done $0x0  }
0xcd: {  	s13 =	rddreg [dreg:$0x5];
	[sflag:s8] =	ssyncadd.s32 $0xFFFF4000  }
0xce: {  	[tilespmem:s3], [sflag:$0x3] =	stream.linear.gather [hbm4b:s13+s3], $0x40, $0x38;
	[tilespmem:$0x18100] =	vst v63  }
0xcf: {  	_ =	swait.ge [sflag:s8], $0x40  }
0xd0: {  	[sflag:s8] =	ssyncset.done $0x0  }
0xd1: {  	[sflag:s8] =	ssyncadd.s32 $0xFFFFFFC0  }
0xd2: {  	v3 =	vld [tilespmem:$0x0];
	_ =	sdelay $0x4  }
0xd3: {  	v60 =	vshrl.u32 v3, $0x3  }
0xd4: {  	v4 =	vmul.u32 $0x30, v60  }
0xd5: {  	v3 =	vand.u32 $0x7, v3  }
0xd6: {  	v3 =	vor.u32 v3, v4  }
0xd7: {  	v4 =	vperm.xlane v3, v0;
	_ =	sdelay $0x1  }
0xd8: {  	v4 =	vadd.s32 v1, v4;
	_ =	sdelay $0x3  }
0xd9: {  	v3 =	vperm.xlane v3, v2  }
0xda: {  	[tilespmem:s0], [sflag:$0x1] =	stream.indirect_vreg.gather [hbm4b:s2+s3], $0x80, v4, vm0, $0xb8;
	[tilespmem:$0x18100] =	vst v63  }
0xdb: {  	v3 =	vadd.s32 v1, v3  }
0xdc: {  	[tilespmem:s14], [sflag:$0x1] =	stream.indirect_vreg.gather [hbm4b:s5+s3], $0x80, v4, vm0, $0xb8;
	[tilespmem:$0x18100] =	vst v63  }
0xdd: {  	_ = 	snop  }
0xde: {  	[tilespmem:s15], [sflag:$0x1] =	stream.indirect_vreg.gather [hbm4b:s6+s3], $0x80, v4, vm0, $0xb8;
	[tilespmem:$0x18100] =	vst v63  }
0xdf: {  	_ = 	snop  }
0xe0: {  	[tilespmem:s16], [sflag:$0x1] =	stream.indirect_vreg.gather [hbm4b:s2+s3], $0x80, v3, vm0, $0xb8;
	[tilespmem:$0x18100] =	vst v63  }
0xe1: {  	_ = 	snop  }
0xe2: {  	[tilespmem:s17], [sflag:$0x1] =	stream.indirect_vreg.gather [hbm4b:s5+s3], $0x80, v3, vm0, $0xb8;
	[tilespmem:$0x18100] =	vst v63  }
0xe3: {  	_ = 	snop  }
0xe4: {  	[tilespmem:s18], [sflag:$0x1] =	stream.indirect_vreg.gather [hbm4b:s6+s3], $0x80, v3, vm0, $0xb8;
	[tilespmem:$0x18100] =	vst v63  }
0xe5: {  	v3 =	vld [tilespmem:$0x10];
	_ =	sdelay $0x4  }
0xe6: {  	v61 =	vshrl.u32 v3, $0x3  }
0xe7: {  	v4 =	vmul.u32 $0x30, v61  }
0xe8: {  	v3 =	vand.u32 $0x7, v3  }
0xe9: {  	v3 =	vor.u32 v3, v4  }
0xea: {  	v4 =	vperm.xlane v3, v0;
	_ =	sdelay $0x1  }
0xeb: {  	v4 =	vadd.s32 v1, v4;
	_ =	sdelay $0x3  }
0xec: {  	v3 =	vperm.xlane v3, v2  }
0xed: {  	[tilespmem:s19], [sflag:$0x1] =	stream.indirect_vreg.gather [hbm4b:s2+s3], $0x80, v4, vm0, $0xb8;
	[tilespmem:$0x18100] =	vst v63  }
0xee: {  	v3 =	vadd.s32 v1, v3  }
0xef: {  	[tilespmem:s20], [sflag:$0x1] =	stream.indirect_vreg.gather [hbm4b:s5+s3], $0x80, v4, vm0, $0xb8;
	[tilespmem:$0x18100] =	vst v63  }
0xf0: {  	_ = 	snop  }
0xf1: {  	[tilespmem:s21], [sflag:$0x1] =	stream.indirect_vreg.gather [hbm4b:s6+s3], $0x80, v4, vm0, $0xb8;
	[tilespmem:$0x18100] =	vst v63  }
0xf2: {  	_ = 	snop  }
0xf3: {  	[tilespmem:s22], [sflag:$0x1] =	stream.indirect_vreg.gather [hbm4b:s2+s3], $0x80, v3, vm0, $0xb8;
	[tilespmem:$0x18100] =	vst v63  }
0xf4: {  	_ = 	snop  }
0xf5: {  	[tilespmem:s23], [sflag:$0x1] =	stream.indirect_vreg.gather [hbm4b:s5+s3], $0x80, v3, vm0, $0xb8;
	[tilespmem:$0x18100] =	vst v63  }
0xf6: {  	_ = 	snop  }
0xf7: {  	[tilespmem:s24], [sflag:$0x1] =	stream.indirect_vreg.gather [hbm4b:s6+s3], $0x80, v3, vm0, $0xb8;
	[tilespmem:$0x18100] =	vst v63  }
0xf8: {  	v3 =	vld [tilespmem:$0x20];
	_ =	sdelay $0x4  }
0xf9: {  	v62 =	vshrl.u32 v3, $0x3  }
0xfa: {  	v4 =	vmul.u32 $0x30, v62  }
0xfb: {  	v3 =	vand.u32 $0x7, v3  }
0xfc: {  	v3 =	vor.u32 v3, v4  }
0xfd: {  	v4 =	vperm.xlane v3, v0;
	_ =	sdelay $0x1  }
0xfe: {  	v4 =	vadd.s32 v1, v4;
	_ =	sdelay $0x3  }
0xff: {  	v3 =	vperm.xlane v3, v2  }
0x100: {  	[tilespmem:s25], [sflag:$0x1] =	stream.indirect_vreg.gather [hbm4b:s2+s3], $0x80, v4, vm0, $0xb8;
	[tilespmem:$0x18100] =	vst v63  }
0x101: {  	v3 =	vadd.s32 v1, v3  }
0x102: {  	[tilespmem:s26], [sflag:$0x1] =	stream.indirect_vreg.gather [hbm4b:s5+s3], $0x80, v4, vm0, $0xb8;
	[tilespmem:$0x18100] =	vst v63  }
0x103: {  	_ = 	snop  }
0x104: {  	[tilespmem:s28], [sflag:$0x1] =	stream.indirect_vreg.gather [hbm4b:s6+s3], $0x80, v4, vm0, $0xb8;
	[tilespmem:$0x18100] =	vst v63  }
0x105: {  	_ = 	snop  }
0x106: {  	[tilespmem:s29], [sflag:$0x1] =	stream.indirect_vreg.gather [hbm4b:s2+s3], $0x80, v3, vm0, $0xb8;
	[tilespmem:$0x18100] =	vst v63  }
0x107: {  	_ = 	snop  }
0x108: {  	[tilespmem:s30], [sflag:$0x1] =	stream.indirect_vreg.gather [hbm4b:s5+s3], $0x80, v3, vm0, $0xb8;
	[tilespmem:$0x18100] =	vst v63  }
0x109: {  	_ = 	snop  }
0x10a: {  	[tilespmem:s31], [sflag:$0x1] =	stream.indirect_vreg.gather [hbm4b:s6+s3], $0x80, v3, vm0, $0xb8;
	[tilespmem:$0x18100] =	vst v63  }
0x10b: {  	v3 =	vld [tilespmem:$0x30];
	_ =	sdelay $0x4  }
0x10c: {  	v63 =	vshrl.u32 v3, $0x3  }
0x10d: {  	v4 =	vmul.u32 $0x30, v63  }
0x10e: {  	v3 =	vand.u32 $0x7, v3  }
0x10f: {  	v3 =	vor.u32 v3, v4  }
0x110: {  	v4 =	vperm.xlane v3, v0;
	_ =	sdelay $0x1  }
0x111: {  	v4 =	vadd.s32 v1, v4;
	_ =	sdelay $0x3  }
0x112: {  	s13 =	simm.s32 $0x9100;
	v3 =	vperm.xlane v3, v2  }
0x113: {  	[tilespmem:s13], [sflag:$0x1] =	stream.indirect_vreg.gather [hbm4b:s2+s3], $0x80, v4, vm0, $0xb8;
	[tilespmem:$0x18100] =	vst v63  }
0x114: {  	v3 =	vadd.s32 v1, v3;
	s13 =	simm.s32 $0x9900  }
0x115: {  	[tilespmem:s13], [sflag:$0x1] =	stream.indirect_vreg.gather [hbm4b:s5+s3], $0x80, v4, vm0, $0xb8;
	[tilespmem:$0x18100] =	vst v63  }
0x116: {  	s13 =	simm.s32 $0xA100  }
0x117: {  	[tilespmem:s13], [sflag:$0x1] =	stream.indirect_vreg.gather [hbm4b:s6+s3], $0x80, v4, vm0, $0xb8;
	[tilespmem:$0x18100] =	vst v63  }
0x118: {  	_ = 	snop  }
0x119: {  	[tilespmem:s11], [sflag:$0x1] =	stream.indirect_vreg.gather [hbm4b:s2+s3], $0x80, v3, vm0, $0xb8;
	[tilespmem:$0x18100] =	vst v63  }
0x11a: {  	_ = 	snop  }
0x11b: {  	[tilespmem:s9], [sflag:$0x1] =	stream.indirect_vreg.gather [hbm4b:s5+s3], $0x80, v3, vm0, $0xb8;
	[tilespmem:$0x18100] =	vst v63  }
0x11c: {  	s12 =	simm.s32 $0x2  }
0x11d: {  	[tilespmem:s4], [sflag:$0x1] =	stream.indirect_vreg.gather [hbm4b:s6+s3], $0x80, v3, vm0, $0xb8;
	[tilespmem:$0x18100] =	vst v63  }
0x11e: {  	_ =	swait.ge [sflag:s12], $0xC000  }
0x11f: {  	[sflag:s12] =	ssyncset.done $0x0  }
0x120: {  	s13 =	rddreg [dreg:$0x6];
	[sflag:s12] =	ssyncadd.s32 $0xFFFF4000  }
0x121: {  	[hbm4b:s13+s3] =	stream.linear.scatter [tilespmem:s1], [sflag:$0x3], $0xC000, $0x38;
	[tilespmem:$0x18100] =	vst v63  }
0x122: {  	_ =	swait.ge [sflag:s8], $0xC000  }
0x123: {  	[sflag:s8] =	ssyncset.done $0x0  }
0x124: {  	[sflag:s8] =	ssyncadd.s32 $0xFFFF4000  }
0x125: {  	_ =	swait.ge [sflag:s10], $0xC000  }
0x126: {  	p0 =	sne.s32 s7, $0x1;
	[sflag:s10] =	ssyncset.done $0x0  }
.Ltmp0:
0x127: {  	s13 =	rddreg [dreg:$0x7];
	[sflag:s10] =	ssyncadd.s32 $0xFFFF4000;
	(pc) =	sbr.rel @p0 .LBB2_1-.Ltmp0, $4  }
0x128: {  	[hbm4b:s13+s3] =	stream.linear.scatter [tilespmem:s0], [sflag:$0x3], $0xC000, $0x38;
	[tilespmem:$0x18100] =	vst v63  }
0x129: {  	_ =	swait.ge [sflag:s8], $0xC000  }
0x12a: {  	[sflag:s8] =	ssyncset.done $0x0  }
0x12b: {  	s7 =	sadd.s32 $0xFFFFFFFF, s7;
	[sflag:s8] =	ssyncadd.s32 $0xFFFF4000  }
0x12c: {  	_ =	sfence.sel $0x180000  }
0x12d: {  	[bflag:$0x0] =	sbarrier.arrive $0xFFFF  }
0x12e: {  	_ =	strace $0x9000004D  }
0x12f: {  	s0 =	stileid.u32;
	[bflag:$0x2] =	sbarrier.arrive $0xFFFF  }
0x130: {  	p0 =	sne.s32 s0, $0x0;
	s0 =	rddreg [dreg:$0x2]  }
0x131: {  	s0 =	sadd.s32 @!p0 $0x100000, s0  }
0x132: {  	[sflag:s0] =	ssyncadd.tile.s32 @!p0 $0x1;
	_ =	shalt  }
.Lfunc_end2:
_tile_overlayer_lowered:
.L_overlay_start_2:
0x133: {  	(tag) =	ssettag $0x2  }
0x134: {  	s0 =	rddreg [dreg:$0x0];
	s2 =	stileid.u32  }
0x135: {  	s1 =	rddreg [dreg:$0x1];
	p0 =	sne.s32 s2, $0x0  }
0x136: {  	s3 =	rddreg [dreg:$0x2];
	[bflag:$0x3] =	sbarrier.arrive $0xFFFF;
	s2 =	simm.s32 @!p0 $0x1C03  }
0x137: {  	[timem:s3], [sflag:s2] =	dma.local @!p0 [hbm:s0], s1  }
0x138: {  	s0 =	simm.s32 @!p0 $0x3  }
0x139: {  	_ =	swait.ge @!p0 [sflag:s0], s1  }
0x13a: {  	s1 =	ssub.s32 @!p0 $0x0, s1;
	[sflag:s0] =	ssyncset.done @!p0 $0x0  }
0x13b: {  	[sflag:s0] =	ssyncadd.s32 @!p0 s1  }
0x13c: {  	[bflag:$0x3] =	sbarrier.arrive $0xFFFF  }
0x13d: {  	_ =	shalt  }

// kernel: kernel.8.cloned.1.call-start
scs
__scs_entry_jumppad:
0x0: {  	(pc) =	sbr.rel $0x88, $3  }
0x1: {  	(tag) =	ssettag $0x0;
	lr =	simm.s32 $0x1  }
0x2: {  	[smem:$0x3F94] =	sst lr;
	_ =	strace $0xD0000000  }
0x3: {  	_ = 	snop  }
0x4: {  	_ = 	snop  }
0x5: {  	_ = 	snop  }
0x6: {  	_ = 	snop  }
0x7: {  	_ = 	snop  }
__scs_overlays_trampoline_lowered:
0x8: {  	[smem:$0x3FA3] =	sst s0  }
0x9: {  	[smem:$0x3FA4] =	sst s1  }
0xa: {  	[smem:$0x3FA5] =	sst s2  }
0xb: {  	[smem:$0x3FA6] =	sst s3  }
0xc: {  	[smem:$0x3FA7] =	sst s4  }
0xd: {  	[smem:$0x3FA8] =	sst s5  }
0xe: {  	[smem:$0x3FA9] =	sst s6  }
0xf: {  	[smem:$0x3FAA] =	sst s7  }
0x10: {  	[smem:$0x3FAB] =	sst s8  }
0x11: {  	[smem:$0x3FAC] =	sst s9;
	s0 =	simm.s32 @!p0 $0x0  }
0x12: {  	s1 =	sld [smem:$0x3F92];
	s0 =	simm.s32 @p0 $0x1  }
0x13: {  	[smem:$0x3FAD] =	sst s0;
	s0 =	simm.s32 @!p1 $0x0  }
0x14: {  	s2 =	sld [smem:$0x3F91];
	s0 =	simm.s32 @p1 $0x1  }
0x15: {  	[smem:$0x3FAE] =	sst s0;
	s0 =	simm.s32 @!p2 $0x0  }
0x16: {  	s3 =	sld [smem:$0x3FDB];
	s0 =	simm.s32 @p2 $0x1  }
0x17: {  	s4 =	simm.s32 $0x1BF5;
	[smem:$0x3FB0] =	sst s0  }
0x18: {  	s0 =	sld [smem:$0x3F93];
	_ =	swait.ge [sflag:s4], $0x0  }
0x19: {  	s7 =	sld [smem:$0x3F94]  }
0x1a: {  	s8 =	sadd.s32 $0xFFFFE003, lr  }
0x1b: {  	s9 =	sadd.s32 $0xFFFFFEF7, lr;
	s5 =	simm.s32 $0xFFFFFFFF;
	p2 =	slt.u32 s8, $0xFFFFF086  }
0x1c: {  	p1 =	slt.u32 s9, $0xF7A;
	s5 =	simm.s32 @!p2 $0x0  }
0x1d: {  	s5 =	simm.s32 @p1 $0x1;
	p0 =	seq.s32 s7, s2  }
0x1e: {  	s7 =	smul.u32 @!p0 $0xF7A, s2;
	p2 =	seq.s32 @!p0 s5, $0x0  }
0x1f: {  	s9 =	smul.u32 $0xF7A, s1;
	s8 =	simm.s32 @!p0 $0x1BF5;
	p2 =	por !p2, p0  }
0x20: {  	[sflag:s8] =	ssyncset.s32 @!p0 $0xFFFFF086;
	s6 =	sadd.s32 @!p0 s3, s7;
	s7 =	simm.s32 @!p0 $0x108  }
0x21: {  	s3 =	sadd.s32 s3, s9;
	s6 =	sadd.s32 @!p0 $0x88, s6;
	s7 =	simm.s32 @p2 $0x1082  }
0x22: {  	[simem:s7], [sflag:s8] =	dma.local @!p0 [hbm:s6], $0xF7A  }
0x23: {  	s9 =	sor.u32 $0xD0000000, s2;
	s6 =	simm.s32 $0x108;
	_ =	swait.ge @!p0 [sflag:s8], $0x0  }
0x24: {  	s3 =	sadd.s32 $0x88, s3;
	s6 =	simm.s32 @!p1 $0x1082;
	[sflag:s4] =	ssyncset.s32 $0xFFFFF086  }
0x25: {  	[simem:s6], [sflag:s4] =	dma.local [hbm:s3], $0xF7A  }
0x26: {  	[smem:$0x3F94] =	sst s1;
	(tag) =	ssettag s2;
	_ =	strace s9  }
0x27: {  	s1 =	sld [smem:$0x3FA4]  }
0x28: {  	s2 =	sld [smem:$0x3FA5]  }
0x29: {  	s4 =	sld [smem:$0x3FA7]  }
0x2a: {  	p0 =	seq.s32 s5, $0x0;
	s5 =	sld [smem:$0x3FA8]  }
0x2b: {  	s6 =	sld [smem:$0x3FA9]  }
0x2c: {  	s7 =	sld [smem:$0x3FAA]  }
0x2d: {  	s3 =	simm.s32 $0x108;
	s8 =	sld [smem:$0x3FAB]  }
0x2e: {  	s3 =	simm.s32 @!p0 $0x1082;
	s9 =	sld [smem:$0x3FAC]  }
0x2f: {  	lr =	sadd.s32 s0, s3;
	s0 =	sld [smem:$0x3FA3]  }
0x30: {  	s3 =	sld [smem:$0x3FA6]  }
0x31: {  	[smem:$0x3FAF] =	sst s10  }
0x32: {  	s10 =	sld [smem:$0x3FAD];
	_ =	sdelay $0x3  }
0x33: {  	p0 =	seq.s32 s10, $0x1;
	s10 =	sld [smem:$0x3FAF];
	_ =	sdelay $0x3  }
0x34: {  	[smem:$0x3FAF] =	sst s10  }
0x35: {  	s10 =	sld [smem:$0x3FAE];
	_ =	sdelay $0x3  }
0x36: {  	p1 =	seq.s32 s10, $0x1;
	s10 =	sld [smem:$0x3FAF];
	_ =	sdelay $0x3  }
0x37: {  	[smem:$0x3FAF] =	sst s10  }
0x38: {  	s10 =	sld [smem:$0x3FB0]  }
0x39: {  	_ = 	snop;
	(pc) =	sbr.ind lr, $3  }
0x3a: {  	_ = 	snop  }
0x3b: {  	_ = 	snop  }
0x3c: {  	p2 =	seq.s32 s10, $0x1;
	s10 =	sld [smem:$0x3FAF]  }
0x3d: {  	_ =	shalt  }
0x3e: {  	_ =	shalt  }
0x3f: {  	_ =	shalt  }
0x40: {  	_ =	shalt  }
0x41: {  	_ =	shalt  }
0x42: {  	_ =	shalt  }
0x43: {  	_ =	shalt  }
0x44: {  	_ =	shalt  }
0x45: {  	_ =	shalt  }
0x46: {  	_ =	shalt  }
0x47: {  	_ =	shalt  }
0x48: {  	_ =	shalt  }
0x49: {  	_ =	shalt  }
0x4a: {  	_ =	shalt  }
0x4b: {  	_ =	shalt  }
0x4c: {  	_ =	shalt  }
0x4d: {  	_ =	shalt  }
0x4e: {  	_ =	shalt  }
0x4f: {  	_ =	shalt  }
0x50: {  	_ =	shalt  }
0x51: {  	_ =	shalt  }
0x52: {  	_ =	shalt  }
0x53: {  	_ =	shalt  }
0x54: {  	_ =	shalt  }
0x55: {  	_ =	shalt  }
0x56: {  	_ =	shalt  }
0x57: {  	_ =	shalt  }
0x58: {  	_ =	shalt  }
0x59: {  	_ =	shalt  }
0x5a: {  	_ =	shalt  }
0x5b: {  	_ =	shalt  }
0x5c: {  	_ =	shalt  }
0x5d: {  	_ =	shalt  }
0x5e: {  	_ =	shalt  }
0x5f: {  	_ =	shalt  }
0x60: {  	_ =	shalt  }
0x61: {  	_ =	shalt  }
0x62: {  	_ =	shalt  }
0x63: {  	_ =	shalt  }
0x64: {  	_ =	shalt  }
0x65: {  	_ =	shalt  }
0x66: {  	_ =	shalt  }
0x67: {  	_ =	shalt  }
0x68: {  	_ =	shalt  }
0x69: {  	_ =	shalt  }
0x6a: {  	_ =	shalt  }
0x6b: {  	_ =	shalt  }
0x6c: {  	_ =	shalt  }
0x6d: {  	_ =	shalt  }
0x6e: {  	_ =	shalt  }
0x6f: {  	_ =	shalt  }
0x70: {  	_ =	shalt  }
0x71: {  	_ =	shalt  }
0x72: {  	_ =	shalt  }
0x73: {  	_ =	shalt  }
0x74: {  	_ =	shalt  }
0x75: {  	_ =	shalt  }
0x76: {  	_ =	shalt  }
0x77: {  	_ =	shalt  }
0x78: {  	_ =	shalt  }
0x79: {  	_ =	shalt  }
0x7a: {  	_ =	shalt  }
0x7b: {  	_ =	shalt  }
0x7c: {  	_ =	shalt  }
0x7d: {  	_ =	shalt  }
0x7e: {  	_ =	shalt  }
0x7f: {  	_ =	shalt  }
0x80: {  	_ =	shalt  }
0x81: {  	_ =	shalt  }
0x82: {  	_ =	shalt  }
0x83: {  	_ =	shalt  }
0x84: {  	_ =	shalt  }
0x85: {  	_ =	shalt  }
0x86: {  	_ =	shalt  }
0x87: {  	_ =	shalt  }
.Lfunc_end0:
.L_simem_size_0:
called_computation.3_lowered:
.L_overlay_start_0:
0x88: {  	s2 =	sld [smem:$0x3FD9]  }
0x89: {  	s3 =	sld [smem:$0x3FFE];
	_ =	sdelay $0x1  }
0x8a: {  	s1 =	srdreg.scid  }
0x8b: {  	s0 =	sand.u32 $0x1, s1  }
0x8c: {  	s17 =	sshll.u32 s0, $0xA;
	s2 =	sadd.s32 s3, s2  }
0x8d: {  	s2 =	sadd.s32 s2, s17  }
0x8e: {  	[smem:$0x3FBB] =	sst s2  }
0x8f: {  	_ = 	snop  }
0x90: {  	s2 =	sld [smem:$0x3FD0];
	(tm) =	ssettm $0x1  }
0x91: {  	s18 =	sld [smem:$0x3FFB];
	_ =	sdelay $0x3  }
0x92: {  	_ =	strace s18  }
0x93: {  	s3 =	sld [smem:$0x3FFC];
	_ =	sdelay $0x3  }
0x94: {  	_ =	strace s3  }
0x95: {  	s3 =	sld [smem:$0x3FFD];
	_ =	sdelay $0x3  }
0x96: {  	_ =	strace s3  }
0x97: {  	_ =	strace $0x8FFFFFFF  }
0x98: {  	s19 =	sld [smem:$0x3FDB];
	_ =	sdelay $0x1  }
0x99: {  	s4 =	simm.s32 $_scs_section_size  }
0x9a: {  	s5 =	simm.s32 $_size__tile_overlayer_lowered;
	s6 =	simm.s32 $_tile_overlayer_lowered  }
0x9b: {  	s22 =	simm.s32 $0x1BFF;
	s21 =	sshll.u32 s6, $0x1;
	s3 =	sadd.s32 s4, s19  }
0x9c: {  	s7 =	simm.s32 $0x0;
	s20 =	sshll.u32 s5, $0x1;
	s5 =	sadd.s32 s21, s3  }
0x9d: {  	[timem:s7], [sflag:s22] =	dma.local [hbm:s5], s20  }
0x9e: {  	_ =	swait.ge [sflag:s22], s20  }
0x9f: {  	s4 =	ssub.s32 $0x0, s20;
	[sflag:s22] =	ssyncset.done $0x0  }
0xa0: {  	[sflag:s22] =	ssyncadd.s32 s4;
	_ =	sdelay $0x1  }
0xa1: {  	s23 =	simm.s32 $0x1B8B  }
0xa2: {  	_ =	swait.ge [sflag:s23], $0x1  }
0xa3: {  	[sflag:s23] =	ssyncset.done $0x0  }
0xa4: {  	s25 =	simm.s32 $0x1B8E;
	s24 =	sld [smem:$0x3FFE];
	[sflag:s23] =	ssyncadd.s32 $0xFFFFFFFF  }
0xa5: {  	s26 =	simm.s32 $execute0_lowered;
	[smem:$0x3FD2] =	sst s25  }
0xa6: {  	s5 =	sshll.u32 s26, $0x1;
	_ =	strace $0x8000004F;
	[dreg:$0x1] =	wrdreg $0xFFFFFFFF  }
0xa7: {  	s28 =	simm.s32 $_size_execute0_lowered;
	s3 =	sadd.s32 s3, s5;
	[dreg:$0x0] =	wrdreg $0x0  }
0xa8: {  	s5 =	sshll.u32 s28, $0x1;
	[dreg:$0x2] =	wrdreg s3  }
0xa9: {  	[dreg:$0x3] =	wrdreg s5  }
0xaa: {  	[dreg:$0x4] =	wrdreg $0xC0  }
0xab: {  	_ =	task [dreg:s7], $0x5FFFF  }
0xac: {  	[dreg:$0x1] =	wrdreg $0xFFFFFFFF  }
0xad: {  	[dreg:$0x0] =	wrdreg $0x60  }
0xae: {  	[dreg:$0x2] =	wrdreg s24  }
0xaf: {  	[dreg:$0x3] =	wrdreg s2  }
0xb0: {  	[dreg:$0x4] =	wrdreg $0x9  }
0xb1: {  	_ =	task.clear_ibuf [dreg:s7], $0x5FFFF;
	_ =	strace $0x9000004F  }
0xb2: {  	s29 =	simm.s32 $0x9;
	_ =	strace $0x80000051  }
0xb3: {  	_ =	swait.ge [sflag:s29], $0x1  }
0xb4: {  	[sflag:s29] =	ssyncadd.s32 $0xFFFFFFFF  }
0xb5: {  	_ =	strace $0x90000051  }
0xb6: {  	_ =	sfence  }
0xb7: {  	s30 =	sld [smem:$0x0];
	_ =	sdelay $0x2  }
0xb8: {  	s31 =	sshll.u32 s1, $0xD;
	s1 =	sshrl.u32 s1, $0x2  }
0xb9: {  	s3 =	sand.u32 $0x4000, s31;
	s1 =	sadd.s32 s1, s30  }
0xba: {  	s0 =	sor.u32 s3, s0;
	s1 =	sshll.u32 s1, $0x11  }
0xbb: {  	s0 =	sor.u32 s1, s0  }
0xbc: {  	s0 =	sadd.s32 $0x8F2B, s0  }
0xbd: {  	[sflag:s0] =	ssyncadd.remote.s32 $0x1  }
0xbe: {  	_ =	sfence.sel $0xFFFF  }
0xbf: {  	[dreg:$0x0] =	wrdreg $0xFFFFFFFF;
	(pc) =	sbr.abs _section_cstart, $3  }
0xc0: {  	[dreg:$0x1] =	wrdreg $0xFFFFFFFF  }
0xc1: {  	_ =	task.clear_ibuf [dreg:s7], $0x2FFFF;
	_ =	strace $0x9FFFFFFF  }
0xc2: {  	(tm) =	ssettm $0x7FFFFFFF  }
0xc3: {  	_ =	shalt  }
tec
execute0_lowered:
.L_overlay_start_1:
0x0: {  	(tag) =	ssettag $0x1  }
0x1: {  	s0 =	rddreg [dreg:$0x0]  }
0x2: {  	s1 =	rddreg [dreg:$0x1];
	s3 =	srdreg.scid  }
0x3: {  	s2 =	simm.s32 $0x0;
	s5 =	stileid.u32;
	s12 =	simm.s32 $0x3  }
0x4: {  	s13 =	simm.s32 $0x100;
	s15 =	simm.s32 $0x13900;
	s16 =	simm.s32 $0x14100  }
0x5: {  	s17 =	simm.s32 $0x14900;
	s18 =	simm.s32 $0x15100;
	s19 =	simm.s32 $0x15900  }
0x6: {  	s20 =	simm.s32 $0x16100;
	s21 =	simm.s32 $0x16900;
	s22 =	simm.s32 $0x17100  }
0x7: {  	s23 =	simm.s32 $0x17900;
	s24 =	simm.s32 $0x1;
	s25 =	simm.s32 $0x2  }
0x8: {  	s26 =	simm.s32 $0x0;
	s4 =	sand.u32 $0x1, s3;
	[smem:$0x7FF] =	sst s2  }
0x9: {  	s5 =	sshll.u32 s5, $0x7;
	s3 =	sadd.s32 $0x92200, s0;
	s6 =	sshll.u32 s4, $0x6  }
0xa: {  	_ =	strace $0x80000050;
	s4 =	ssub.s32 $0x2, s4;
	s5 =	sor.u32 s6, s5  }
0xb: {  	s31 =	sshrl.u32 s4, $0x1;
	s6 =	sshrl.u32 s5, $0x3;
	s5 =	sshll.u32 s5, $0x4  }
0xc: {  	s11 =	ssub.s32 s4, s31;
	s7 =	sadd.s32 s6, s0;
	s9 =	sadd.s32 s5, s0  }
0xd: {  	v2 =	vlaneseq.u32;
	s10 =	smul.u32 $0x300, s6;
	s5 =	sadd.s32 $0x92300, s0;
	s6 =	sadd.s32 $0x92400, s0  }
0xe: {  	vm0 =	vmmov $0xffff;
	v1 =	vshrl.u32 v2, $0x3;
	s11 =	smax.u32 s11, $0x1;
	s4 =	sadd.s32 $0x600, s7;
	s7 =	sadd.s32 $0x400, s7  }
0xf: {  	v0 =	vand.u32 $0x7, v2;
	v2 =	vor.u32 $0x8, v2;
	v1 =	vmul.u32 $0x8, v1;
	s8 =	sadd.s32 $0x800, s9;
	s9 =	sadd.s32 $0x8800, s9;
	s10 =	sadd.s32 s1, s10  }
.LBB2_1:
0x10: {  	[tilespmem:s2], [sflag:$0x3] =	stream.linear.gather [hbm4b:s4+s2], $0x40, $0x38;
	[tilespmem:$0x1C100] =	vst v63  }
0x11: {  	_ =	swait.ge [sflag:s12], $0x40  }
0x12: {  	[sflag:s12] =	ssyncset.done $0x0  }
0x13: {  	[sflag:s12] =	ssyncadd.s32 $0xFFFFFFC0  }
0x14: {  	v3 =	vld [tilespmem:$0x0];
	_ =	sdelay $0x4  }
0x15: {  	v4 =	vshrl.u32 v3, $0x3  }
0x16: {  	v4 =	vmul.u32 $0x30, v4  }
0x17: {  	v3 =	vand.u32 $0x7, v3  }
0x18: {  	v3 =	vor.u32 v3, v4  }
0x19: {  	v4 =	vperm.xlane v3, v0;
	_ =	sdelay $0x1  }
0x1a: {  	v4 =	vadd.s32 v1, v4;
	_ =	sdelay $0x3  }
0x1b: {  	v3 =	vperm.xlane v3, v2  }
0x1c: {  	[tilespmem:s13], [sflag:$0x1] =	stream.indirect_vreg.gather [hbm4b:s3+s2], $0x80, v4, vm0, $0xb8;
	[tilespmem:$0x1C100] =	vst v63  }
0x1d: {  	s0 =	simm.s32 $0x900;
	v3 =	vadd.s32 v1, v3  }
0x1e: {  	[tilespmem:s0], [sflag:$0x1] =	stream.indirect_vreg.gather [hbm4b:s5+s2], $0x80, v4, vm0, $0xb8;
	[tilespmem:$0x1C100] =	vst v63  }
0x1f: {  	s14 =	simm.s32 $0x1100  }
0x20: {  	[tilespmem:s14], [sflag:$0x1] =	stream.indirect_vreg.gather [hbm4b:s6+s2], $0x80, v4, vm0, $0xb8;
	[tilespmem:$0x1C100] =	vst v63  }
0x21: {  	s1 =	simm.s32 $0x1900  }
0x22: {  	[tilespmem:s1], [sflag:$0x1] =	stream.indirect_vreg.gather [hbm4b:s3+s2], $0x80, v3, vm0, $0xb8;
	[tilespmem:$0x1C100] =	vst v63  }
0x23: {  	s14 =	simm.s32 $0x2100  }
0x24: {  	[tilespmem:s14], [sflag:$0x1] =	stream.indirect_vreg.gather [hbm4b:s5+s2], $0x80, v3, vm0, $0xb8;
	[tilespmem:$0x1C100] =	vst v63  }
0x25: {  	s1 =	simm.s32 $0x2900  }
0x26: {  	[tilespmem:s1], [sflag:$0x1] =	stream.indirect_vreg.gather [hbm4b:s6+s2], $0x80, v3, vm0, $0xb8;
	[tilespmem:$0x1C100] =	vst v63  }
0x27: {  	v3 =	vld [tilespmem:$0x10];
	_ =	sdelay $0x4  }
0x28: {  	v4 =	vshrl.u32 v3, $0x3  }
0x29: {  	v4 =	vmul.u32 $0x30, v4  }
0x2a: {  	v3 =	vand.u32 $0x7, v3  }
0x2b: {  	v3 =	vor.u32 v3, v4  }
0x2c: {  	v4 =	vperm.xlane v3, v0;
	_ =	sdelay $0x1  }
0x2d: {  	v4 =	vadd.s32 v1, v4;
	_ =	sdelay $0x3  }
0x2e: {  	s14 =	simm.s32 $0x3100;
	v3 =	vperm.xlane v3, v2  }
0x2f: {  	[tilespmem:s14], [sflag:$0x1] =	stream.indirect_vreg.gather [hbm4b:s3+s2], $0x80, v4, vm0, $0xb8;
	[tilespmem:$0x1C100] =	vst v63  }
0x30: {  	s1 =	simm.s32 $0x3900;
	v3 =	vadd.s32 v1, v3  }
0x31: {  	[tilespmem:s1], [sflag:$0x1] =	stream.indirect_vreg.gather [hbm4b:s5+s2], $0x80, v4, vm0, $0xb8;
	[tilespmem:$0x1C100] =	vst v63  }
0x32: {  	s14 =	simm.s32 $0x4100  }
0x33: {  	[tilespmem:s14], [sflag:$0x1] =	stream.indirect_vreg.gather [hbm4b:s6+s2], $0x80, v4, vm0, $0xb8;
	[tilespmem:$0x1C100] =	vst v63  }
0x34: {  	s1 =	simm.s32 $0x4900  }
0x35: {  	[tilespmem:s1], [sflag:$0x1] =	stream.indirect_vreg.gather [hbm4b:s3+s2], $0x80, v3, vm0, $0xb8;
	[tilespmem:$0x1C100] =	vst v63  }
0x36: {  	s14 =	simm.s32 $0x5100  }
0x37: {  	[tilespmem:s14], [sflag:$0x1] =	stream.indirect_vreg.gather [hbm4b:s5+s2], $0x80, v3, vm0, $0xb8;
	[tilespmem:$0x1C100] =	vst v63  }
0x38: {  	s1 =	simm.s32 $0x5900  }
0x39: {  	[tilespmem:s1], [sflag:$0x1] =	stream.indirect_vreg.gather [hbm4b:s6+s2], $0x80, v3, vm0, $0xb8;
	[tilespmem:$0x1C100] =	vst v63  }
0x3a: {  	v3 =	vld [tilespmem:$0x20];
	_ =	sdelay $0x4  }
0x3b: {  	v4 =	vshrl.u32 v3, $0x3  }
0x3c: {  	v4 =	vmul.u32 $0x30, v4  }
0x3d: {  	v3 =	vand.u32 $0x7, v3  }
0x3e: {  	v3 =	vor.u32 v3, v4  }
0x3f: {  	v4 =	vperm.xlane v3, v0;
	_ =	sdelay $0x1  }
0x40: {  	v4 =	vadd.s32 v1, v4;
	_ =	sdelay $0x3  }
0x41: {  	s14 =	simm.s32 $0x6100;
	v3 =	vperm.xlane v3, v2  }
0x42: {  	[tilespmem:s14], [sflag:$0x1] =	stream.indirect_vreg.gather [hbm4b:s3+s2], $0x80, v4, vm0, $0xb8;
	[tilespmem:$0x1C100] =	vst v63  }
0x43: {  	s1 =	simm.s32 $0x6900;
	v3 =	vadd.s32 v1, v3  }
0x44: {  	[tilespmem:s1], [sflag:$0x1] =	stream.indirect_vreg.gather [hbm4b:s5+s2], $0x80, v4, vm0, $0xb8;
	[tilespmem:$0x1C100] =	vst v63  }
0x45: {  	s14 =	simm.s32 $0x7100  }
0x46: {  	[tilespmem:s14], [sflag:$0x1] =	stream.indirect_vreg.gather [hbm4b:s6+s2], $0x80, v4, vm0, $0xb8;
	[tilespmem:$0x1C100] =	vst v63  }
0x47: {  	s1 =	simm.s32 $0x7900  }
0x48: {  	[tilespmem:s1], [sflag:$0x1] =	stream.indirect_vreg.gather [hbm4b:s3+s2], $0x80, v3, vm0, $0xb8;
	[tilespmem:$0x1C100] =	vst v63  }
0x49: {  	s14 =	simm.s32 $0x8100  }
0x4a: {  	[tilespmem:s14], [sflag:$0x1] =	stream.indirect_vreg.gather [hbm4b:s5+s2], $0x80, v3, vm0, $0xb8;
	[tilespmem:$0x1C100] =	vst v63  }
0x4b: {  	s1 =	simm.s32 $0x8900  }
0x4c: {  	[tilespmem:s1], [sflag:$0x1] =	stream.indirect_vreg.gather [hbm4b:s6+s2], $0x80, v3, vm0, $0xb8;
	[tilespmem:$0x1C100] =	vst v63  }
0x4d: {  	v3 =	vld [tilespmem:$0x30];
	_ =	sdelay $0x4  }
0x4e: {  	v4 =	vshrl.u32 v3, $0x3  }
0x4f: {  	v4 =	vmul.u32 $0x30, v4  }
0x50: {  	v3 =	vand.u32 $0x7, v3  }
0x51: {  	v3 =	vor.u32 v3, v4  }
0x52: {  	v4 =	vperm.xlane v3, v0;
	_ =	sdelay $0x1  }
0x53: {  	v4 =	vadd.s32 v1, v4;
	_ =	sdelay $0x3  }
0x54: {  	s14 =	simm.s32 $0x9100;
	v3 =	vperm.xlane v3, v2  }
0x55: {  	[tilespmem:s14], [sflag:$0x1] =	stream.indirect_vreg.gather [hbm4b:s3+s2], $0x80, v4, vm0, $0xb8;
	[tilespmem:$0x1C100] =	vst v63  }
0x56: {  	s1 =	simm.s32 $0x9900;
	v3 =	vadd.s32 v1, v3  }
0x57: {  	[tilespmem:s1], [sflag:$0x1] =	stream.indirect_vreg.gather [hbm4b:s5+s2], $0x80, v4, vm0, $0xb8;
	[tilespmem:$0x1C100] =	vst v63  }
0x58: {  	s14 =	simm.s32 $0xA100  }
0x59: {  	[tilespmem:s14], [sflag:$0x1] =	stream.indirect_vreg.gather [hbm4b:s6+s2], $0x80, v4, vm0, $0xb8;
	[tilespmem:$0x1C100] =	vst v63  }
0x5a: {  	s1 =	simm.s32 $0xA900  }
0x5b: {  	[tilespmem:s1], [sflag:$0x1] =	stream.indirect_vreg.gather [hbm4b:s3+s2], $0x80, v3, vm0, $0xb8;
	[tilespmem:$0x1C100] =	vst v63  }
0x5c: {  	s14 =	simm.s32 $0xB100  }
0x5d: {  	[tilespmem:s14], [sflag:$0x1] =	stream.indirect_vreg.gather [hbm4b:s5+s2], $0x80, v3, vm0, $0xb8;
	[tilespmem:$0x1C100] =	vst v63  }
0x5e: {  	s1 =	simm.s32 $0xB900  }
0x5f: {  	[tilespmem:s1], [sflag:$0x1] =	stream.indirect_vreg.gather [hbm4b:s6+s2], $0x80, v3, vm0, $0xb8;
	[tilespmem:$0x1C100] =	vst v63  }
0x60: {  	s14 =	simm.s32 $0x80  }
0x61: {  	[tilespmem:s14], [sflag:$0x3] =	stream.linear.gather [hbm4b:s7+s2], $0x40, $0x38;
	[tilespmem:$0x1C100] =	vst v63  }
0x62: {  	_ =	swait.ge [sflag:s12], $0x40  }
0x63: {  	[sflag:s12] =	ssyncset.done $0x0  }
0x64: {  	[sflag:s12] =	ssyncadd.s32 $0xFFFFFFC0  }
0x65: {  	v3 =	vld [tilespmem:$0x80];
	_ =	sdelay $0x4  }
0x66: {  	v4 =	vshrl.u32 v3, $0x3  }
0x67: {  	v4 =	vmul.u32 $0x30, v4  }
0x68: {  	v3 =	vand.u32 $0x7, v3  }
0x69: {  	v3 =	vor.u32 v3, v4  }
0x6a: {  	v4 =	vperm.xlane v3, v0;
	_ =	sdelay $0x1  }
0x6b: {  	v4 =	vadd.s32 v1, v4;
	_ =	sdelay $0x3  }
0x6c: {  	s1 =	simm.s32 $0xC100;
	v3 =	vperm.xlane v3, v2  }
0x6d: {  	[tilespmem:s1], [sflag:$0x2] =	stream.indirect_vreg.gather [hbm4b:s3+s2], $0x80, v4, vm0, $0xb8;
	[tilespmem:$0x1C100] =	vst v63  }
0x6e: {  	s14 =	simm.s32 $0xC900;
	v3 =	vadd.s32 v1, v3  }
0x6f: {  	[tilespmem:s14], [sflag:$0x2] =	stream.indirect_vreg.gather [hbm4b:s5+s2], $0x80, v4, vm0, $0xb8;
	[tilespmem:$0x1C100] =	vst v63  }
0x70: {  	s1 =	simm.s32 $0xD100  }
0x71: {  	[tilespmem:s1], [sflag:$0x2] =	stream.indirect_vreg.gather [hbm4b:s6+s2], $0x80, v4, vm0, $0xb8;
	[tilespmem:$0x1C100] =	vst v63  }
0x72: {  	s14 =	simm.s32 $0xD900  }
0x73: {  	[tilespmem:s14], [sflag:$0x2] =	stream.indirect_vreg.gather [hbm4b:s3+s2], $0x80, v3, vm0, $0xb8;
	[tilespmem:$0x1C100] =	vst v63  }
0x74: {  	s1 =	simm.s32 $0xE100  }
0x75: {  	[tilespmem:s1], [sflag:$0x2] =	stream.indirect_vreg.gather [hbm4b:s5+s2], $0x80, v3, vm0, $0xb8;
	[tilespmem:$0x1C100] =	vst v63  }
0x76: {  	s14 =	simm.s32 $0xE900  }
0x77: {  	[tilespmem:s14], [sflag:$0x2] =	stream.indirect_vreg.gather [hbm4b:s6+s2], $0x80, v3, vm0, $0xb8;
	[tilespmem:$0x1C100] =	vst v63  }
0x78: {  	v3 =	vld [tilespmem:$0x90];
	_ =	sdelay $0x4  }
0x79: {  	v4 =	vshrl.u32 v3, $0x3  }
0x7a: {  	v4 =	vmul.u32 $0x30, v4  }
0x7b: {  	v3 =	vand.u32 $0x7, v3  }
0x7c: {  	v3 =	vor.u32 v3, v4  }
0x7d: {  	v4 =	vperm.xlane v3, v0;
	_ =	sdelay $0x1  }
0x7e: {  	v4 =	vadd.s32 v1, v4;
	_ =	sdelay $0x3  }
0x7f: {  	s1 =	simm.s32 $0xF100;
	v3 =	vperm.xlane v3, v2  }
0x80: {  	[tilespmem:s1], [sflag:$0x2] =	stream.indirect_vreg.gather [hbm4b:s3+s2], $0x80, v4, vm0, $0xb8;
	[tilespmem:$0x1C100] =	vst v63  }
0x81: {  	s14 =	simm.s32 $0xF900;
	v3 =	vadd.s32 v1, v3  }
0x82: {  	[tilespmem:s14], [sflag:$0x2] =	stream.indirect_vreg.gather [hbm4b:s5+s2], $0x80, v4, vm0, $0xb8;
	[tilespmem:$0x1C100] =	vst v63  }
0x83: {  	s1 =	simm.s32 $0x10100  }
0x84: {  	[tilespmem:s1], [sflag:$0x2] =	stream.indirect_vreg.gather [hbm4b:s6+s2], $0x80, v4, vm0, $0xb8;
	[tilespmem:$0x1C100] =	vst v63  }
0x85: {  	s14 =	simm.s32 $0x10900  }
0x86: {  	[tilespmem:s14], [sflag:$0x2] =	stream.indirect_vreg.gather [hbm4b:s3+s2], $0x80, v3, vm0, $0xb8;
	[tilespmem:$0x1C100] =	vst v63  }
0x87: {  	s1 =	simm.s32 $0x11100  }
0x88: {  	[tilespmem:s1], [sflag:$0x2] =	stream.indirect_vreg.gather [hbm4b:s5+s2], $0x80, v3, vm0, $0xb8;
	[tilespmem:$0x1C100] =	vst v63  }
0x89: {  	s14 =	simm.s32 $0x11900  }
0x8a: {  	[tilespmem:s14], [sflag:$0x2] =	stream.indirect_vreg.gather [hbm4b:s6+s2], $0x80, v3, vm0, $0xb8;
	[tilespmem:$0x1C100] =	vst v63  }
0x8b: {  	v3 =	vld [tilespmem:$0xA0];
	_ =	sdelay $0x4  }
0x8c: {  	v4 =	vshrl.u32 v3, $0x3  }
0x8d: {  	v4 =	vmul.u32 $0x30, v4  }
0x8e: {  	v3 =	vand.u32 $0x7, v3  }
0x8f: {  	v3 =	vor.u32 v3, v4  }
0x90: {  	v4 =	vperm.xlane v3, v0;
	_ =	sdelay $0x1  }
0x91: {  	v4 =	vadd.s32 v1, v4;
	_ =	sdelay $0x3  }
0x92: {  	s1 =	simm.s32 $0x12100;
	v3 =	vperm.xlane v3, v2  }
0x93: {  	[tilespmem:s1], [sflag:$0x2] =	stream.indirect_vreg.gather [hbm4b:s3+s2], $0x80, v4, vm0, $0xb8;
	[tilespmem:$0x1C100] =	vst v63  }
0x94: {  	s14 =	simm.s32 $0x12900;
	v3 =	vadd.s32 v1, v3  }
0x95: {  	[tilespmem:s14], [sflag:$0x2] =	stream.indirect_vreg.gather [hbm4b:s5+s2], $0x80, v4, vm0, $0xb8;
	[tilespmem:$0x1C100] =	vst v63  }
0x96: {  	s1 =	simm.s32 $0x13100  }
0x97: {  	[tilespmem:s1], [sflag:$0x2] =	stream.indirect_vreg.gather [hbm4b:s6+s2], $0x80, v4, vm0, $0xb8;
	[tilespmem:$0x1C100] =	vst v63  }
0x98: {  	_ = 	snop  }
0x99: {  	[tilespmem:s15], [sflag:$0x2] =	stream.indirect_vreg.gather [hbm4b:s3+s2], $0x80, v3, vm0, $0xb8;
	[tilespmem:$0x1C100] =	vst v63  }
0x9a: {  	_ = 	snop  }
0x9b: {  	[tilespmem:s16], [sflag:$0x2] =	stream.indirect_vreg.gather [hbm4b:s5+s2], $0x80, v3, vm0, $0xb8;
	[tilespmem:$0x1C100] =	vst v63  }
0x9c: {  	_ = 	snop  }
0x9d: {  	[tilespmem:s17], [sflag:$0x2] =	stream.indirect_vreg.gather [hbm4b:s6+s2], $0x80, v3, vm0, $0xb8;
	[tilespmem:$0x1C100] =	vst v63  }
0x9e: {  	v3 =	vld [tilespmem:$0xB0];
	_ =	sdelay $0x4  }
0x9f: {  	v4 =	vshrl.u32 v3, $0x3  }
0xa0: {  	v4 =	vmul.u32 $0x30, v4  }
0xa1: {  	v3 =	vand.u32 $0x7, v3  }
0xa2: {  	v3 =	vor.u32 v3, v4  }
0xa3: {  	v4 =	vperm.xlane v3, v0;
	_ =	sdelay $0x1  }
0xa4: {  	v4 =	vadd.s32 v1, v4;
	_ =	sdelay $0x3  }
0xa5: {  	v3 =	vperm.xlane v3, v2  }
0xa6: {  	[tilespmem:s18], [sflag:$0x2] =	stream.indirect_vreg.gather [hbm4b:s3+s2], $0x80, v4, vm0, $0xb8;
	[tilespmem:$0x1C100] =	vst v63  }
0xa7: {  	v3 =	vadd.s32 v1, v3  }
0xa8: {  	[tilespmem:s19], [sflag:$0x2] =	stream.indirect_vreg.gather [hbm4b:s5+s2], $0x80, v4, vm0, $0xb8;
	[tilespmem:$0x1C100] =	vst v63  }
0xa9: {  	_ = 	snop  }
0xaa: {  	[tilespmem:s20], [sflag:$0x2] =	stream.indirect_vreg.gather [hbm4b:s6+s2], $0x80, v4, vm0, $0xb8;
	[tilespmem:$0x1C100] =	vst v63  }
0xab: {  	_ = 	snop  }
0xac: {  	[tilespmem:s21], [sflag:$0x2] =	stream.indirect_vreg.gather [hbm4b:s3+s2], $0x80, v3, vm0, $0xb8;
	[tilespmem:$0x1C100] =	vst v63  }
0xad: {  	_ = 	snop  }
0xae: {  	[tilespmem:s22], [sflag:$0x2] =	stream.indirect_vreg.gather [hbm4b:s5+s2], $0x80, v3, vm0, $0xb8;
	[tilespmem:$0x1C100] =	vst v63  }
0xaf: {  	_ = 	snop  }
0xb0: {  	[tilespmem:s23], [sflag:$0x2] =	stream.indirect_vreg.gather [hbm4b:s6+s2], $0x80, v3, vm0, $0xb8;
	[tilespmem:$0x1C100] =	vst v63  }
0xb1: {  	s28 =	simm.s32 $0x18100  }
0xb2: {  	[tilespmem:s28], [sflag:$0x3] =	stream.linear.gather [hbm4b:s8+s2], $0x2000, $0x38;
	[tilespmem:$0x1C100] =	vst v63  }
0xb3: {  	_ =	swait.ge [sflag:s12], $0x2000  }
0xb4: {  	[sflag:s12] =	ssyncset.done $0x0  }
0xb5: {  	s29 =	simm.s32 $0x1A100;
	[sflag:s12] =	ssyncadd.s32 $0xFFFFE000  }
0xb6: {  	[tilespmem:s29], [sflag:$0x3] =	stream.linear.gather [hbm4b:s9+s2], $0x2000, $0x38;
	[tilespmem:$0x1C100] =	vst v63  }
0xb7: {  	_ =	swait.ge [sflag:s12], $0x2000  }
0xb8: {  	[sflag:s12] =	ssyncset.done $0x0  }
0xb9: {  	[sflag:s12] =	ssyncadd.s32 $0xFFFFE000  }
0xba: {  	_ =	swait.ge [sflag:s24], $0xC000  }
0xbb: {  	[sflag:s24] =	ssyncset.done $0x0  }
0xbc: {  	s14 =	simm.s32 $0x0;
	[sflag:s24] =	ssyncadd.s32 $0xFFFF4000  }
0xbd: {  	s0 =	smul.u32 $0x1800, s14;
	_ =	swait.ge [sflag:s25], $0xC000  }
0xbe: {  	s30 =	sand.u32 $0x380, s2;
	[sflag:s25] =	ssyncset.done $0x0  }
0xbf: {  	s0 =	sor.u32 s30, s0;
	[sflag:s25] =	ssyncadd.s32 $0xFFFF4000  }
0xc0: {  	v4 =	vld [tilespmem:s0+$0x110]  }
0xc1: {  	v3 =	vld [tilespmem:s0+$0xC110]  }
0xc2: {  	v6 =	vld [tilespmem:s0+$0x120]  }
0xc3: {  	v5 =	vld [tilespmem:s0+$0xC120]  }
0xc4: {  	v10 =	vld [tilespmem:s0+$0x130]  }
0xc5: {  	v9 =	vld [tilespmem:s0+$0xC130]  }
0xc6: {  	v12 =	vld [tilespmem:s0+$0x140]  }
0xc7: {  	v11 =	vld [tilespmem:s0+$0xC140]  }
0xc8: {  	v13 =	vld [tilespmem:s0+$0x160]  }
0xc9: {  	v14 =	vld [tilespmem:s0+$0x170]  }
0xca: {  	v15 =	vld [tilespmem:s0+$0x500]  }
0xcb: {  	v16 =	vld [tilespmem:s0+$0x510]  }
0xcc: {  	v17 =	vld [tilespmem:s0+$0x520]  }
0xcd: {  	v18 =	vld [tilespmem:s0+$0x530]  }
0xce: {  	v19 =	vld [tilespmem:s0+$0x540]  }
0xcf: {  	v20 =	vld [tilespmem:s0+$0x550]  }
0xd0: {  	v21 =	vld [tilespmem:s0+$0x560]  }
0xd1: {  	v22 =	vld [tilespmem:s0+$0x570]  }
0xd2: {  	v23 =	vld [tilespmem:s0+$0x900]  }
0xd3: {  	v24 =	vld [tilespmem:s0+$0x910]  }
0xd4: {  	v25 =	vld [tilespmem:s0+$0x920]  }
0xd5: {  	v26 =	vld [tilespmem:s0+$0x930]  }
0xd6: {  	v27 =	vld [tilespmem:s0+$0x940]  }
0xd7: {  	v28 =	vld [tilespmem:s0+$0x950]  }
0xd8: {  	v29 =	vld [tilespmem:s0+$0x960]  }
0xd9: {  	v30 =	vld [tilespmem:s0+$0x970]  }
0xda: {  	v31 =	vld [tilespmem:s0+$0xD00]  }
0xdb: {  	v32 =	vld [tilespmem:s0+$0xD10]  }
0xdc: {  	v33 =	vld [tilespmem:s0+$0xD20]  }
0xdd: {  	v34 =	vld [tilespmem:s0+$0xD30]  }
0xde: {  	v35 =	vld [tilespmem:s0+$0xD40]  }
0xdf: {  	v36 =	vld [tilespmem:s0+$0xD50]  }
0xe0: {  	v37 =	vld [tilespmem:s0+$0xD60]  }
0xe1: {  	v38 =	vld [tilespmem:s0+$0xD70]  }
0xe2: {  	v39 =	vld [tilespmem:s0+$0x1100]  }
0xe3: {  	v40 =	vld [tilespmem:s0+$0x1110]  }
0xe4: {  	v41 =	vld [tilespmem:s0+$0x1120]  }
0xe5: {  	v42 =	vld [tilespmem:s0+$0x1130]  }
0xe6: {  	v43 =	vld [tilespmem:s0+$0x1140]  }
0xe7: {  	v44 =	vld [tilespmem:s0+$0x1150]  }
0xe8: {  	v45 =	vld [tilespmem:s0+$0x1160]  }
0xe9: {  	v46 =	vld [tilespmem:s0+$0x1500]  }
0xea: {  	v47 =	vld [tilespmem:s0+$0x1510]  }
0xeb: {  	v48 =	vld [tilespmem:s0+$0xD510]  }
0xec: {  	v49 =	vld [tilespmem:s0+$0xD530]  }
0xed: {  	v50 =	vld [tilespmem:s0+$0x1530]  }
0xee: {  	v51 =	vld [tilespmem:s0+$0x1520]  }
0xef: {  	v7 =	vld [tilespmem:s28+$0x0]  }
0xf0: {  	v8 =	vld [tilespmem:s29+$0x0]  }
0xf1: {  	v52 =	vld [tilespmem:s0+$0xD520]  }
0xf2: {  	v53 =	vld [tilespmem:s0+$0xD500]  }
0xf3: {  	v54 =	vld [tilespmem:s0+$0x1170]  }
0xf4: {  	v55 =	vld [tilespmem:s0+$0xD170];
	v50 =	vmul.f32 v50, v7  }
0xf5: {  	v56 =	vld [tilespmem:s0+$0xD160];
	v49 =	vmul.f32 v49, v8;
	v51 =	vmul.f32 v51, v7  }
0xf6: {  	v57 =	vld [tilespmem:s0+$0xD150];
	v52 =	vmul.f32 v52, v8;
	v47 =	vmul.f32 v47, v7  }
0xf7: {  	v61 =	vld [tilespmem:s0+$0xD100];
	v48 =	vmul.f32 v48, v8;
	v46 =	vmul.f32 v46, v7  }
0xf8: {  	v58 =	vld [tilespmem:s0+$0xD140];
	v62 =	vmul.f32 v53, v8;
	v63 =	vmul.f32 v54, v7;
	v49 =	vadd.f32 v49, v50  }
0xf9: {  	v53 =	vld [tilespmem:s0+$0xD130];
	v59 =	vmul.f32 v55, v8;
	v45 =	vmul.f32 v45, v7;
	v51 =	vadd.f32 v52, v51  }
0xfa: {  	v60 =	vmul.f32 v56, v8;
	v44 =	vmul.f32 v44, v7;
	v56 =	vld [tilespmem:s0+$0xCD60];
	v47 =	vadd.f32 v48, v47;
	[tilespmem:s0+$0x1530] =	vst v49  }
0xfb: {  	v43 =	vmul.f32 v43, v7;
	v39 =	vmul.f32 v39, v7;
	v55 =	vld [tilespmem:s0+$0xC970];
	v46 =	vadd.f32 v62, v46;
	[tilespmem:s0+$0x1520] =	vst v51  }
0xfc: {  	v61 =	vmul.f32 v61, v8;
	v12 =	vmul.f32 v12, v7;
	v48 =	vld [tilespmem:s0+$0xD120];
	v52 =	vadd.f32 v59, v63;
	[tilespmem:s0+$0x1510] =	vst v47  }
0xfd: {  	v11 =	vmul.f32 v11, v8;
	v63 =	vmul.f32 v58, v8;
	v45 =	vadd.f32 v60, v45;
	v58 =	vld [tilespmem:s0+$0xCD50];
	[tilespmem:s0+$0x1500] =	vst v46  }
0xfe: {  	v42 =	vmul.f32 v42, v7;
	v62 =	vmul.f32 v57, v8;
	v59 =	vld [tilespmem:s0+$0xCD40];
	v39 =	vadd.f32 v61, v39;
	[tilespmem:s0+$0x1170] =	vst v52  }
0xff: {  	v41 =	vmul.f32 v41, v7;
	v40 =	vmul.f32 v40, v7;
	v60 =	vld [tilespmem:s0+$0xCD30];
	v11 =	vadd.f32 v11, v12;
	[tilespmem:s0+$0x1160] =	vst v45  }
0x100: {  	v38 =	vmul.f32 v38, v7;
	v61 =	vld [tilespmem:s0+$0xC910];
	v44 =	vadd.f32 v62, v44;
	[tilespmem:s0+$0x1100] =	vst v39;
	v57 =	vmul.f32 v53, v8  }
0x101: {  	v37 =	vmul.f32 v37, v7;
	v49 =	vld [tilespmem:s0+$0xD110];
	v43 =	vadd.f32 v63, v43;
	[tilespmem:s0+$0x140] =	vst v11;
	v46 =	vmul.f32 v56, v8  }
0x102: {  	v36 =	vmul.f32 v36, v7;
	v47 =	vld [tilespmem:s0+$0xCD70];
	[tilespmem:s0+$0x1150] =	vst v44;
	v48 =	vmul.f32 v48, v8;
	v42 =	vadd.f32 v57, v42  }
0x103: {  	v35 =	vmul.f32 v35, v7;
	v62 =	vld [tilespmem:s0+$0xCD20];
	[tilespmem:s0+$0x1140] =	vst v43;
	v54 =	vmul.f32 v58, v8;
	v37 =	vadd.f32 v46, v37  }
0x104: {  	v34 =	vmul.f32 v34, v7;
	v63 =	vld [tilespmem:s0+$0xCD10];
	v45 =	vmul.f32 v59, v8;
	v41 =	vadd.f32 v48, v41;
	[tilespmem:s0+$0x1130] =	vst v42  }
0x105: {  	v33 =	vmul.f32 v33, v7;
	v56 =	vld [tilespmem:s0+$0xC960];
	v44 =	vmul.f32 v60, v8;
	v36 =	vadd.f32 v54, v36;
	[tilespmem:s0+$0xD60] =	vst v37  }
0x106: {  	v32 =	vmul.f32 v32, v7;
	v53 =	vld [tilespmem:s0+$0xCD00];
	v49 =	vmul.f32 v49, v8;
	v35 =	vadd.f32 v45, v35;
	[tilespmem:s0+$0x1120] =	vst v41  }
0x107: {  	v6 =	vmul.f32 v6, v7;
	v12 =	vld [tilespmem:s0+$0x1560];
	v47 =	vmul.f32 v47, v8;
	v34 =	vadd.f32 v44, v34;
	[tilespmem:s0+$0xD50] =	vst v36  }
0x108: {  	v5 =	vmul.f32 v5, v8;
	v58 =	vld [tilespmem:s0+$0xC940];
	v43 =	vmul.f32 v62, v8;
	v40 =	vadd.f32 v49, v40;
	[tilespmem:s0+$0xD40] =	vst v35  }
0x109: {  	v29 =	vmul.f32 v29, v7;
	v59 =	vld [tilespmem:s0+$0xC930];
	v42 =	vmul.f32 v63, v8;
	v38 =	vadd.f32 v47, v38;
	[tilespmem:s0+$0xD30] =	vst v34  }
0x10a: {  	v5 =	vadd.f32 v5, v6;
	v6 =	vld [tilespmem:s0+$0x100];
	v39 =	vmul.f32 v56, v8;
	v33 =	vadd.f32 v43, v33;
	[tilespmem:s0+$0x1110] =	vst v40  }
0x10b: {  	v31 =	vmul.f32 v31, v7;
	v60 =	vld [tilespmem:s0+$0xC920];
	v41 =	vmul.f32 v53, v8;
	v32 =	vadd.f32 v42, v32;
	[tilespmem:s0+$0xD70] =	vst v38  }
0x10c: {  	v24 =	vmul.f32 v24, v7;
	v57 =	vld [tilespmem:s0+$0xC950];
	v34 =	vmul.f32 v61, v8;
	v29 =	vadd.f32 v39, v29;
	[tilespmem:s0+$0xD20] =	vst v33  }
0x10d: {  	v27 =	vmul.f32 v27, v7;
	v62 =	vld [tilespmem:s0+$0xC900];
	v37 =	vmul.f32 v58, v8;
	v31 =	vadd.f32 v41, v31;
	[tilespmem:s0+$0xD10] =	vst v32  }
0x10e: {  	v26 =	vmul.f32 v26, v7;
	v63 =	vld [tilespmem:s0+$0xC570];
	v36 =	vmul.f32 v59, v8;
	v24 =	vadd.f32 v34, v24;
	[tilespmem:s0+$0x960] =	vst v29  }
0x10f: {  	v30 =	vmul.f32 v30, v7;
	v40 =	vmul.f32 v55, v8;
	v27 =	vadd.f32 v37, v27;
	v29 =	vld [tilespmem:s0+$0xC540];
	[tilespmem:s0+$0xD00] =	vst v31  }
0x110: {  	v25 =	vmul.f32 v25, v7;
	v35 =	vmul.f32 v60, v8;
	v26 =	vadd.f32 v36, v26;
	v31 =	vld [tilespmem:s0+$0xC560];
	[tilespmem:s0+$0x910] =	vst v24  }
0x111: {  	v28 =	vmul.f32 v28, v7;
	v38 =	vmul.f32 v57, v8;
	v30 =	vadd.f32 v40, v30;
	v24 =	vld [tilespmem:s0+$0xC170];
	[tilespmem:s0+$0x940] =	vst v27  }
0x112: {  	v23 =	vmul.f32 v23, v7;
	v33 =	vmul.f32 v62, v8;
	v25 =	vadd.f32 v35, v25;
	v27 =	vld [tilespmem:s0+$0xC520];
	[tilespmem:s0+$0x930] =	vst v26  }
0x113: {  	v22 =	vmul.f32 v22, v7;
	v32 =	vmul.f32 v63, v8;
	v28 =	vadd.f32 v38, v28;
	[tilespmem:s0+$0x970] =	vst v30;
	v30 =	vld [tilespmem:s0+$0xC550]  }
0x114: {  	v19 =	vmul.f32 v19, v7;
	v23 =	vadd.f32 v33, v23;
	[tilespmem:s0+$0x920] =	vst v25;
	v25 =	vld [tilespmem:s0+$0xC500];
	v29 =	vmul.f32 v29, v8  }
0x115: {  	v21 =	vmul.f32 v21, v7;
	v22 =	vadd.f32 v32, v22;
	[tilespmem:s0+$0x950] =	vst v28;
	v28 =	vld [tilespmem:s0+$0xC530];
	v31 =	vmul.f32 v31, v8  }
0x116: {  	v14 =	vmul.f32 v14, v7;
	[tilespmem:s0+$0x900] =	vst v23;
	v23 =	vld [tilespmem:s0+$0xC160];
	v24 =	vmul.f32 v24, v8;
	v19 =	vadd.f32 v29, v19  }
0x117: {  	v17 =	vmul.f32 v17, v7;
	v26 =	vld [tilespmem:s0+$0xC510];
	[tilespmem:s0+$0x570] =	vst v22;
	v27 =	vmul.f32 v27, v8;
	v21 =	vadd.f32 v31, v21  }
0x118: {  	v20 =	vmul.f32 v20, v7;
	v22 =	vld [tilespmem:s0+$0x150];
	v30 =	vmul.f32 v30, v8;
	v14 =	vadd.f32 v24, v14;
	[tilespmem:s0+$0x540] =	vst v19  }
0x119: {  	v15 =	vmul.f32 v15, v7;
	v25 =	vmul.f32 v25, v8;
	v17 =	vadd.f32 v27, v17;
	v19 =	vld [tilespmem:s0+$0xD550];
	[tilespmem:s0+$0x560] =	vst v21  }
0x11a: {  	v18 =	vmul.f32 v18, v7;
	v28 =	vmul.f32 v28, v8;
	v20 =	vadd.f32 v30, v20;
	v21 =	vld [tilespmem:s0+$0xC150];
	[tilespmem:s0+$0x170] =	vst v14  }
0x11b: {  	v13 =	vmul.f32 v13, v7;
	v23 =	vmul.f32 v23, v8;
	v15 =	vadd.f32 v25, v15;
	[tilespmem:s0+$0x520] =	vst v17;
	v17 =	vld [tilespmem:s0+$0x1540]  }
0x11c: {  	v16 =	vmul.f32 v16, v7;
	v26 =	vmul.f32 v26, v8;
	v18 =	vadd.f32 v28, v18;
	[tilespmem:s0+$0x550] =	vst v20;
	v20 =	vld [tilespmem:s0+$0xD540]  }
0x11d: {  	v10 =	vmul.f32 v10, v7;
	v9 =	vmul.f32 v9, v8;
	v13 =	vadd.f32 v23, v13;
	[tilespmem:s0+$0x500] =	vst v15;
	v15 =	vld [tilespmem:s0+$0x1550]  }
0x11e: {  	v4 =	vmul.f32 v4, v7;
	v3 =	vmul.f32 v3, v8;
	v16 =	vadd.f32 v26, v16;
	[tilespmem:s0+$0x530] =	vst v18;
	v18 =	vld [tilespmem:s0+$0xD560]  }
0x11f: {  	v9 =	vadd.f32 v9, v10;
	v10 =	vmul.f32 v22, v7;
	v14 =	vld [tilespmem:s0+$0x1570];
	[tilespmem:s0+$0x160] =	vst v13;
	v13 =	vmul.f32 v21, v8  }
0x120: {  	v3 =	vadd.f32 v3, v4;
	[tilespmem:s0+$0x510] =	vst v16;
	v16 =	vld [tilespmem:s0+$0xD570]  }
0x121: {  	s30 =	simm.s32 $0x0;
	[tilespmem:s0+$0x130] =	vst v9;
	v9 =	vld [tilespmem:s0+$0xC100];
	v11 =	vmul.f32 v17, v7;
	v17 =	vmul.f32 v20, v8;
	v4 =	vadd.f32 v13, v10  }
0x122: {  	s31 =	simm.s32 $0x80;
	s30 =	smul.u32 $0x1800, s30;
	[tilespmem:s0+$0x120] =	vst v5;
	v5 =	vmul.f32 v15, v7;
	v10 =	vmul.f32 v19, v8  }
0x123: {  	s1 =	sand.u32 $0x380, s31;
	v11 =	vadd.f32 v17, v11;
	[tilespmem:s0+$0x150] =	vst v4;
	v4 =	vmul.f32 v12, v7;
	v12 =	vmul.f32 v18, v8  }
0x124: {  	s30 =	sor.u32 s1, s30;
	[tilespmem:s0+$0x110] =	vst v3;
	v5 =	vadd.f32 v10, v5  }
0x125: {  	v3 =	vld [tilespmem:s30+$0x110];
	v10 =	vmul.f32 v14, v7;
	[tilespmem:s0+$0x1540] =	vst v11;
	v11 =	vmul.f32 v16, v8;
	v12 =	vadd.f32 v12, v4  }
0x126: {  	v7 =	vmul.f32 v6, v7;
	v8 =	vmul.f32 v9, v8;
	v4 =	vld [tilespmem:s30+$0xC110];
	[tilespmem:s0+$0x1550] =	vst v5  }
0x127: {  	v9 =	vadd.f32 v11, v10;
	v6 =	vld [tilespmem:s30+$0x120];
	[tilespmem:s0+$0x1560] =	vst v12  }
0x128: {  	v7 =	vadd.f32 v8, v7;
	v5 =	vld [tilespmem:s30+$0xC120]  }
0x129: {  	v8 =	vld [tilespmem:s30+$0x130];
	[tilespmem:s0+$0x1570] =	vst v9  }
0x12a: {  	v18 =	vld [tilespmem:s30+$0x530];
	[tilespmem:s0+$0x100] =	vst v7  }
0x12b: {  	v7 =	vld [tilespmem:s30+$0xC130]  }
0x12c: {  	v10 =	vld [tilespmem:s30+$0x140]  }
0x12d: {  	v9 =	vld [tilespmem:s30+$0xC140]  }
0x12e: {  	v12 =	vld [tilespmem:s30+$0x150]  }
0x12f: {  	v11 =	vld [tilespmem:s30+$0xC150]  }
0x130: {  	v13 =	vld [tilespmem:s30+$0x160]  }
0x131: {  	v14 =	vld [tilespmem:s30+$0x170]  }
0x132: {  	v15 =	vld [tilespmem:s30+$0x500]  }
0x133: {  	v16 =	vld [tilespmem:s30+$0x510]  }
0x134: {  	v17 =	vld [tilespmem:s30+$0x520]  }
0x135: {  	v19 =	vld [tilespmem:s30+$0x540]  }
0x136: {  	v20 =	vld [tilespmem:s30+$0x550]  }
0x137: {  	v21 =	vld [tilespmem:s30+$0x560]  }
0x138: {  	v22 =	vld [tilespmem:s30+$0x570]  }
0x139: {  	v23 =	vld [tilespmem:s30+$0x900]  }
0x13a: {  	v24 =	vld [tilespmem:s30+$0x910]  }
0x13b: {  	v25 =	vld [tilespmem:s30+$0x920]  }
0x13c: {  	v26 =	vld [tilespmem:s30+$0x930]  }
0x13d: {  	v27 =	vld [tilespmem:s30+$0x940]  }
0x13e: {  	v28 =	vld [tilespmem:s30+$0x950]  }
0x13f: {  	v29 =	vld [tilespmem:s30+$0x960]  }
0x140: {  	v30 =	vld [tilespmem:s30+$0x970]  }
0x141: {  	v31 =	vld [tilespmem:s30+$0xD00]  }
0x142: {  	v34 =	vld [tilespmem:s30+$0xD10]  }
0x143: {  	v35 =	vld [tilespmem:s30+$0xD20]  }
0x144: {  	v36 =	vld [tilespmem:s30+$0xD30]  }
0x145: {  	v37 =	vld [tilespmem:s30+$0xD40]  }
0x146: {  	v38 =	vld [tilespmem:s30+$0xD50]  }
0x147: {  	v39 =	vld [tilespmem:s30+$0xD60]  }
0x148: {  	v40 =	vld [tilespmem:s30+$0xD70]  }
0x149: {  	v41 =	vld [tilespmem:s30+$0x1100]  }
0x14a: {  	v42 =	vld [tilespmem:s30+$0x1110]  }
0x14b: {  	v43 =	vld [tilespmem:s30+$0x1120]  }
0x14c: {  	v44 =	vld [tilespmem:s30+$0x1130]  }
0x14d: {  	v45 =	vld [tilespmem:s30+$0x1140]  }
0x14e: {  	v46 =	vld [tilespmem:s30+$0x1150]  }
0x14f: {  	v47 =	vld [tilespmem:s30+$0x1160]  }
0x150: {  	v48 =	vld [tilespmem:s30+$0x1500]  }
0x151: {  	v50 =	vld [tilespmem:s30+$0x1510]  }
0x152: {  	v49 =	vld [tilespmem:s30+$0xD510]  }
0x153: {  	s0 =	simm.s32 $0x2;
	v51 =	vld [tilespmem:s30+$0xD530]  }
.LBB2_2:
0x154: {  	p0 =	sne.s32 s0, $0x3F;
	v52 =	vld [tilespmem:s30+$0x1530]  }
0x155: {  	s28 =	sadd.s32 $0x80, s28;
	v53 =	vld [tilespmem:s30+$0x1520]  }
0x156: {  	s29 =	sadd.s32 $0x80, s29;
	v33 =	vld [tilespmem:s28+$0x0]  }
0x157: {  	v32 =	vld [tilespmem:s29+$0x0]  }
0x158: {  	v54 =	vld [tilespmem:s30+$0xD520]  }
0x159: {  	v55 =	vld [tilespmem:s30+$0xD500]  }
0x15a: {  	v56 =	vld [tilespmem:s30+$0x1170]  }
0x15b: {  	v57 =	vld [tilespmem:s30+$0xD170];
	v50 =	vmul.f32 v50, v33;
	v53 =	vmul.f32 v53, v33  }
0x15c: {  	v52 =	vmul.f32 v52, v33;
	v58 =	vld [tilespmem:s30+$0xD160];
	v51 =	vmul.f32 v51, v32  }
0x15d: {  	v49 =	vmul.f32 v49, v32;
	v59 =	vld [tilespmem:s30+$0xD150];
	v54 =	vmul.f32 v54, v32  }
0x15e: {  	v48 =	vmul.f32 v48, v33;
	v60 =	vld [tilespmem:s30+$0xD140];
	v55 =	vmul.f32 v55, v32;
	v51 =	vadd.f32 v51, v52  }
0x15f: {  	v49 =	vadd.f32 v49, v50;
	v52 =	vld [tilespmem:s30+$0xD130];
	v56 =	vmul.f32 v56, v33;
	v50 =	vadd.f32 v54, v53  }
0x160: {  	v47 =	vmul.f32 v47, v33;
	v53 =	vld [tilespmem:s30+$0xD120];
	v54 =	vmul.f32 v57, v32;
	v48 =	vadd.f32 v55, v48;
	[tilespmem:s30+$0x1530] =	vst v51  }
0x161: {  	v46 =	vmul.f32 v46, v33;
	v51 =	vld [tilespmem:s30+$0xD110];
	v55 =	vmul.f32 v58, v32;
	[tilespmem:s30+$0x1520] =	vst v50  }
0x162: {  	v45 =	vmul.f32 v45, v33;
	v50 =	vld [tilespmem:s30+$0xD100];
	v57 =	vmul.f32 v59, v32;
	v54 =	vadd.f32 v54, v56;
	[tilespmem:s30+$0x1510] =	vst v49  }
0x163: {  	v44 =	vmul.f32 v44, v33;
	v49 =	vld [tilespmem:s30+$0xCD70];
	v56 =	vmul.f32 v60, v32;
	v47 =	vadd.f32 v55, v47;
	[tilespmem:s30+$0x1500] =	vst v48  }
0x164: {  	v43 =	vmul.f32 v43, v33;
	v48 =	vld [tilespmem:s30+$0xCD60];
	v52 =	vmul.f32 v52, v32;
	v46 =	vadd.f32 v57, v46;
	[tilespmem:s30+$0x1170] =	vst v54  }
0x165: {  	v42 =	vmul.f32 v42, v33;
	v54 =	vld [tilespmem:s30+$0xCD50];
	v53 =	vmul.f32 v53, v32;
	v45 =	vadd.f32 v56, v45;
	[tilespmem:s30+$0x1160] =	vst v47  }
0x166: {  	v41 =	vmul.f32 v41, v33;
	v47 =	vld [tilespmem:s30+$0xCD40];
	v51 =	vmul.f32 v51, v32;
	v44 =	vadd.f32 v52, v44;
	[tilespmem:s30+$0x1150] =	vst v46  }
0x167: {  	v40 =	vmul.f32 v40, v33;
	v46 =	vld [tilespmem:s30+$0xCD30];
	v50 =	vmul.f32 v50, v32;
	v43 =	vadd.f32 v53, v43;
	[tilespmem:s30+$0x1140] =	vst v45  }
0x168: {  	v39 =	vmul.f32 v39, v33;
	v45 =	vld [tilespmem:s30+$0xCD20];
	v49 =	vmul.f32 v49, v32;
	v42 =	vadd.f32 v51, v42;
	[tilespmem:s30+$0x1130] =	vst v44  }
0x169: {  	v38 =	vmul.f32 v38, v33;
	v44 =	vld [tilespmem:s30+$0xCD10];
	v48 =	vmul.f32 v48, v32;
	v41 =	vadd.f32 v50, v41;
	[tilespmem:s30+$0x1120] =	vst v43  }
0x16a: {  	v37 =	vmul.f32 v37, v33;
	v43 =	vld [tilespmem:s30+$0xCD00];
	v50 =	vmul.f32 v54, v32;
	v40 =	vadd.f32 v49, v40;
	[tilespmem:s30+$0x1110] =	vst v42  }
0x16b: {  	v36 =	vmul.f32 v36, v33;
	v42 =	vld [tilespmem:s30+$0xC970];
	v47 =	vmul.f32 v47, v32;
	v39 =	vadd.f32 v48, v39;
	[tilespmem:s30+$0x1100] =	vst v41  }
0x16c: {  	v35 =	vmul.f32 v35, v33;
	v41 =	vld [tilespmem:s30+$0xC960];
	v46 =	vmul.f32 v46, v32;
	v38 =	vadd.f32 v50, v38;
	[tilespmem:s30+$0xD70] =	vst v40  }
0x16d: {  	v34 =	vmul.f32 v34, v33;
	v40 =	vld [tilespmem:s30+$0xC950];
	v45 =	vmul.f32 v45, v32;
	v37 =	vadd.f32 v47, v37;
	[tilespmem:s30+$0xD60] =	vst v39  }
0x16e: {  	v31 =	vmul.f32 v31, v33;
	v39 =	vld [tilespmem:s30+$0xC940];
	v44 =	vmul.f32 v44, v32;
	v36 =	vadd.f32 v46, v36;
	[tilespmem:s30+$0xD50] =	vst v38  }
0x16f: {  	v30 =	vmul.f32 v30, v33;
	v38 =	vld [tilespmem:s30+$0xC930];
	v43 =	vmul.f32 v43, v32;
	v35 =	vadd.f32 v45, v35;
	[tilespmem:s30+$0xD40] =	vst v37  }
0x170: {  	v29 =	vmul.f32 v29, v33;
	v37 =	vld [tilespmem:s30+$0xC920];
	v42 =	vmul.f32 v42, v32;
	v34 =	vadd.f32 v44, v34;
	[tilespmem:s30+$0xD30] =	vst v36  }
0x171: {  	v28 =	vmul.f32 v28, v33;
	v36 =	vld [tilespmem:s30+$0xC910];
	v41 =	vmul.f32 v41, v32;
	v31 =	vadd.f32 v43, v31;
	[tilespmem:s30+$0xD20] =	vst v35  }
0x172: {  	v27 =	vmul.f32 v27, v33;
	v35 =	vld [tilespmem:s30+$0xC900];
	v40 =	vmul.f32 v40, v32;
	v30 =	vadd.f32 v42, v30;
	[tilespmem:s30+$0xD10] =	vst v34  }
0x173: {  	v26 =	vmul.f32 v26, v33;
	v34 =	vld [tilespmem:s30+$0xC570];
	v39 =	vmul.f32 v39, v32;
	v29 =	vadd.f32 v41, v29;
	[tilespmem:s30+$0xD00] =	vst v31  }
0x174: {  	v25 =	vmul.f32 v25, v33;
	v31 =	vld [tilespmem:s30+$0xC560];
	v38 =	vmul.f32 v38, v32;
	v28 =	vadd.f32 v40, v28;
	[tilespmem:s30+$0x970] =	vst v30  }
0x175: {  	v24 =	vmul.f32 v24, v33;
	v30 =	vld [tilespmem:s30+$0xC550];
	v37 =	vmul.f32 v37, v32;
	v27 =	vadd.f32 v39, v27;
	[tilespmem:s30+$0x960] =	vst v29  }
0x176: {  	v23 =	vmul.f32 v23, v33;
	v29 =	vld [tilespmem:s30+$0xC540];
	v36 =	vmul.f32 v36, v32;
	v26 =	vadd.f32 v38, v26;
	[tilespmem:s30+$0x950] =	vst v28  }
0x177: {  	v22 =	vmul.f32 v22, v33;
	v28 =	vld [tilespmem:s30+$0xC530];
	v35 =	vmul.f32 v35, v32;
	v25 =	vadd.f32 v37, v25;
	[tilespmem:s30+$0x940] =	vst v27  }
0x178: {  	v21 =	vmul.f32 v21, v33;
	v27 =	vld [tilespmem:s30+$0xC520];
	v34 =	vmul.f32 v34, v32;
	v24 =	vadd.f32 v36, v24;
	[tilespmem:s30+$0x930] =	vst v26  }
0x179: {  	v20 =	vmul.f32 v20, v33;
	v26 =	vld [tilespmem:s30+$0xC510];
	v31 =	vmul.f32 v31, v32;
	v23 =	vadd.f32 v35, v23;
	[tilespmem:s30+$0x920] =	vst v25  }
0x17a: {  	v19 =	vmul.f32 v19, v33;
	v25 =	vld [tilespmem:s30+$0xC500];
	v30 =	vmul.f32 v30, v32;
	v22 =	vadd.f32 v34, v22;
	[tilespmem:s30+$0x910] =	vst v24  }
0x17b: {  	v18 =	vmul.f32 v18, v33;
	v24 =	vld [tilespmem:s30+$0xC170];
	v29 =	vmul.f32 v29, v32;
	v21 =	vadd.f32 v31, v21;
	[tilespmem:s30+$0x900] =	vst v23  }
0x17c: {  	v17 =	vmul.f32 v17, v33;
	v23 =	vld [tilespmem:s30+$0xC160];
	v28 =	vmul.f32 v28, v32;
	v20 =	vadd.f32 v30, v20;
	[tilespmem:s30+$0x570] =	vst v22  }
0x17d: {  	v16 =	vmul.f32 v16, v33;
	v22 =	vmul.f32 v27, v32;
	v19 =	vadd.f32 v29, v19;
	[tilespmem:s30+$0x560] =	vst v21;
	v21 =	vld [tilespmem:s30+$0xD540]  }
0x17e: {  	v15 =	vmul.f32 v15, v33;
	v26 =	vmul.f32 v26, v32;
	v18 =	vadd.f32 v28, v18;
	[tilespmem:s30+$0x550] =	vst v20;
	v20 =	vld [tilespmem:s30+$0xD550]  }
0x17f: {  	v14 =	vmul.f32 v14, v33;
	v25 =	vmul.f32 v25, v32;
	v17 =	vadd.f32 v22, v17;
	[tilespmem:s30+$0x540] =	vst v19;
	v19 =	vld [tilespmem:s30+$0xD560]  }
0x180: {  	v13 =	vmul.f32 v13, v33;
	v22 =	vmul.f32 v24, v32;
	v16 =	vadd.f32 v26, v16;
	[tilespmem:s30+$0x530] =	vst v18;
	v18 =	vld [tilespmem:s30+$0xD570]  }
0x181: {  	v12 =	vmul.f32 v12, v33;
	v23 =	vmul.f32 v23, v32;
	v15 =	vadd.f32 v25, v15;
	[tilespmem:s30+$0x520] =	vst v17;
	v17 =	vld [tilespmem:s30+$0x1540]  }
0x182: {  	v10 =	vmul.f32 v10, v33;
	v11 =	vmul.f32 v11, v32;
	v14 =	vadd.f32 v22, v14;
	[tilespmem:s30+$0x510] =	vst v16;
	v16 =	vld [tilespmem:s30+$0x1550]  }
0x183: {  	v8 =	vmul.f32 v8, v33;
	v9 =	vmul.f32 v9, v32;
	v13 =	vadd.f32 v23, v13;
	[tilespmem:s30+$0x500] =	vst v15;
	v15 =	vld [tilespmem:s30+$0x1560]  }
0x184: {  	v6 =	vmul.f32 v6, v33;
	v7 =	vmul.f32 v7, v32;
	v11 =	vadd.f32 v11, v12;
	[tilespmem:s30+$0x170] =	vst v14;
	v12 =	vld [tilespmem:s30+$0x1570]  }
0x185: {  	v3 =	vmul.f32 v3, v33;
	v5 =	vmul.f32 v5, v32;
	v9 =	vadd.f32 v9, v10;
	v14 =	vld [tilespmem:s30+$0x100];
	[tilespmem:s30+$0x160] =	vst v13  }
0x186: {  	v4 =	vmul.f32 v4, v32;
	v7 =	vadd.f32 v7, v8;
	v10 =	vld [tilespmem:s30+$0xC100];
	[tilespmem:s30+$0x150] =	vst v11;
	v8 =	vmul.f32 v17, v33  }
0x187: {  	s1 =	sshrl.u32 s0, $0x3;
	v5 =	vadd.f32 v5, v6;
	v6 =	vmul.f32 v21, v32;
	[tilespmem:s30+$0x140] =	vst v9;
	v9 =	vmul.f32 v16, v33  }
0x188: {  	s31 =	sadd.s32 $0x80, s31;
	s1 =	smul.u32 $0x1800, s1;
	v3 =	vadd.f32 v4, v3;
	v4 =	vmul.f32 v20, v32;
	[tilespmem:s30+$0x130] =	vst v7;
	v7 =	vmul.f32 v15, v33  }
0x189: {  	s14 =	sand.u32 $0x380, s31;
	[tilespmem:s30+$0x120] =	vst v5;
	v5 =	vadd.f32 v6, v8;
	v6 =	vmul.f32 v19, v32;
	v8 =	vmul.f32 v12, v33  }
0x18a: {  	s1 =	sor.u32 s14, s1;
	v9 =	vadd.f32 v4, v9;
	v12 =	vmul.f32 v18, v32;
	v11 =	vmul.f32 v14, v33;
	[tilespmem:s30+$0x110] =	vst v3  }
0x18b: {  	v3 =	vld [tilespmem:s1+$0x110];
	v10 =	vmul.f32 v10, v32;
	[tilespmem:s30+$0x1540] =	vst v5;
	v5 =	vadd.f32 v6, v7  }
0x18c: {  	v7 =	vadd.f32 v12, v8;
	v4 =	vld [tilespmem:s1+$0xC110];
	[tilespmem:s30+$0x1550] =	vst v9  }
0x18d: {  	v6 =	vld [tilespmem:s1+$0x120];
	v9 =	vadd.f32 v10, v11;
	[tilespmem:s30+$0x1560] =	vst v5  }
0x18e: {  	v5 =	vld [tilespmem:s1+$0xC120];
	[tilespmem:s30+$0x1570] =	vst v7  }
0x18f: {  	v8 =	vld [tilespmem:s1+$0x130];
	[tilespmem:s30+$0x100] =	vst v9;
	s30 =	smov.u32 s1  }
0x190: {  	v7 =	vld [tilespmem:s30+$0xC130]  }
0x191: {  	v10 =	vld [tilespmem:s30+$0x140]  }
0x192: {  	v9 =	vld [tilespmem:s30+$0xC140]  }
0x193: {  	v12 =	vld [tilespmem:s30+$0x150]  }
0x194: {  	v11 =	vld [tilespmem:s30+$0xC150]  }
0x195: {  	v13 =	vld [tilespmem:s30+$0x160]  }
0x196: {  	v14 =	vld [tilespmem:s30+$0x170]  }
0x197: {  	v15 =	vld [tilespmem:s30+$0x500]  }
0x198: {  	v16 =	vld [tilespmem:s30+$0x510]  }
0x199: {  	v17 =	vld [tilespmem:s30+$0x520]  }
0x19a: {  	v18 =	vld [tilespmem:s30+$0x530]  }
0x19b: {  	v19 =	vld [tilespmem:s30+$0x540]  }
0x19c: {  	v20 =	vld [tilespmem:s30+$0x550]  }
0x19d: {  	v21 =	vld [tilespmem:s30+$0x560]  }
0x19e: {  	v22 =	vld [tilespmem:s30+$0x570]  }
0x19f: {  	v23 =	vld [tilespmem:s30+$0x900]  }
0x1a0: {  	v24 =	vld [tilespmem:s30+$0x910]  }
0x1a1: {  	v25 =	vld [tilespmem:s30+$0x920]  }
0x1a2: {  	v26 =	vld [tilespmem:s30+$0x930]  }
0x1a3: {  	v27 =	vld [tilespmem:s30+$0x940]  }
0x1a4: {  	v28 =	vld [tilespmem:s30+$0x950]  }
0x1a5: {  	v29 =	vld [tilespmem:s30+$0x960]  }
0x1a6: {  	v30 =	vld [tilespmem:s30+$0x970]  }
0x1a7: {  	v31 =	vld [tilespmem:s30+$0xD00]  }
0x1a8: {  	v34 =	vld [tilespmem:s30+$0xD10]  }
0x1a9: {  	v35 =	vld [tilespmem:s30+$0xD20]  }
0x1aa: {  	v36 =	vld [tilespmem:s30+$0xD30]  }
0x1ab: {  	v37 =	vld [tilespmem:s30+$0xD40]  }
0x1ac: {  	v38 =	vld [tilespmem:s30+$0xD50]  }
0x1ad: {  	v39 =	vld [tilespmem:s30+$0xD60]  }
0x1ae: {  	v40 =	vld [tilespmem:s30+$0xD70]  }
0x1af: {  	v41 =	vld [tilespmem:s30+$0x1100]  }
0x1b0: {  	v42 =	vld [tilespmem:s30+$0x1110]  }
0x1b1: {  	v43 =	vld [tilespmem:s30+$0x1120]  }
0x1b2: {  	v44 =	vld [tilespmem:s30+$0x1130]  }
0x1b3: {  	v45 =	vld [tilespmem:s30+$0x1140]  }
0x1b4: {  	v46 =	vld [tilespmem:s30+$0x1150]  }
.Ltmp0:
0x1b5: {  	v47 =	vld [tilespmem:s30+$0x1160];
	(pc) =	sbr.rel @p0 .LBB2_2-.Ltmp0, $4  }
0x1b6: {  	v48 =	vld [tilespmem:s30+$0x1500]  }
0x1b7: {  	v50 =	vld [tilespmem:s30+$0x1510]  }
0x1b8: {  	v49 =	vld [tilespmem:s30+$0xD510]  }
0x1b9: {  	s0 =	sadd.s32 $0x1, s0;
	v51 =	vld [tilespmem:s30+$0xD530]  }
0x1ba: {  	v52 =	vld [tilespmem:s30+$0x1530]  }
0x1bb: {  	v53 =	vld [tilespmem:s30+$0x1520];
	s0 =	sadd.s32 $0x80, s28  }
0x1bc: {  	s31 =	sadd.s32 $0x80, s29;
	v32 =	vld [tilespmem:s0+$0x0]  }
0x1bd: {  	v33 =	vld [tilespmem:s31+$0x0]  }
0x1be: {  	v54 =	vld [tilespmem:s30+$0xD520];
	_ =	sdelay $0x1  }
0x1bf: {  	v55 =	vld [tilespmem:s30+$0xD500]  }
0x1c0: {  	v56 =	vld [tilespmem:s30+$0x1170]  }
0x1c1: {  	v58 =	vld [tilespmem:s30+$0xD160];
	v52 =	vmul.f32 v52, v32;
	v51 =	vmul.f32 v51, v33  }
0x1c2: {  	v57 =	vld [tilespmem:s30+$0xD170];
	v53 =	vmul.f32 v53, v32;
	v54 =	vmul.f32 v54, v33  }
0x1c3: {  	v59 =	vld [tilespmem:s30+$0xD150];
	v50 =	vmul.f32 v50, v32;
	v49 =	vmul.f32 v49, v33  }
0x1c4: {  	v60 =	vld [tilespmem:s30+$0xD140];
	v48 =	vmul.f32 v48, v32;
	v62 =	vmul.f32 v55, v33;
	v51 =	vadd.f32 v51, v52  }
0x1c5: {  	v61 =	vld [tilespmem:s30+$0xD120];
	v63 =	vmul.f32 v56, v32;
	v47 =	vmul.f32 v47, v32;
	v53 =	vadd.f32 v54, v53  }
0x1c6: {  	v58 =	vmul.f32 v58, v33;
	v55 =	vld [tilespmem:s30+$0xC560];
	v12 =	vmul.f32 v12, v32;
	v49 =	vadd.f32 v49, v50;
	[tilespmem:s30+$0x1530] =	vst v51  }
0x1c7: {  	v56 =	vld [tilespmem:s30+$0xC550];
	v11 =	vmul.f32 v11, v33;
	v10 =	vmul.f32 v10, v32;
	v48 =	vadd.f32 v62, v48;
	[tilespmem:s30+$0x1520] =	vst v53  }
0x1c8: {  	v9 =	vmul.f32 v9, v33;
	v8 =	vmul.f32 v8, v32;
	v52 =	vld [tilespmem:s30+$0xD130];
	v47 =	vadd.f32 v58, v47;
	[tilespmem:s30+$0x1510] =	vst v49  }
0x1c9: {  	v7 =	vmul.f32 v7, v33;
	v6 =	vmul.f32 v6, v32;
	v50 =	vld [tilespmem:s30+$0xD100];
	v11 =	vadd.f32 v11, v12;
	[tilespmem:s30+$0x1500] =	vst v48  }
0x1ca: {  	v5 =	vmul.f32 v5, v33;
	v3 =	vmul.f32 v3, v32;
	v58 =	vld [tilespmem:s30+$0xCD20];
	v9 =	vadd.f32 v9, v10;
	[tilespmem:s30+$0x1160] =	vst v47  }
0x1cb: {  	v4 =	vmul.f32 v4, v33;
	v62 =	vmul.f32 v59, v33;
	v59 =	vld [tilespmem:s30+$0xCD10];
	v7 =	vadd.f32 v7, v8;
	[tilespmem:s30+$0x150] =	vst v11  }
0x1cc: {  	v57 =	vmul.f32 v57, v33;
	v54 =	vld [tilespmem:s30+$0xC570];
	v5 =	vadd.f32 v5, v6;
	[tilespmem:s30+$0x140] =	vst v9  }
0x1cd: {  	v46 =	vmul.f32 v46, v32;
	v3 =	vadd.f32 v4, v3;
	v51 =	vld [tilespmem:s30+$0xD110];
	[tilespmem:s30+$0x130] =	vst v7  }
0x1ce: {  	v45 =	vmul.f32 v45, v32;
	v49 =	vld [tilespmem:s30+$0xCD70];
	v53 =	vadd.f32 v57, v63;
	v63 =	vmul.f32 v60, v33;
	[tilespmem:s30+$0x120] =	vst v5  }
0x1cf: {  	v43 =	vmul.f32 v43, v32;
	v48 =	vld [tilespmem:s30+$0xCD60];
	v46 =	vadd.f32 v62, v46;
	v57 =	vmul.f32 v61, v33;
	[tilespmem:s30+$0x110] =	vst v3  }
0x1d0: {  	v44 =	vmul.f32 v44, v32;
	v47 =	vld [tilespmem:s30+$0xCD40];
	[tilespmem:s30+$0x1170] =	vst v53;
	v45 =	vadd.f32 v63, v45;
	v52 =	vmul.f32 v52, v33  }
0x1d1: {  	v41 =	vmul.f32 v41, v32;
	v60 =	vld [tilespmem:s30+$0xCD00];
	[tilespmem:s30+$0x1150] =	vst v46;
	v43 =	vadd.f32 v57, v43;
	v50 =	vmul.f32 v50, v33  }
0x1d2: {  	v35 =	vmul.f32 v35, v32;
	v61 =	vld [tilespmem:s30+$0xC970];
	[tilespmem:s30+$0x1140] =	vst v45;
	v45 =	vmul.f32 v58, v33;
	v44 =	vadd.f32 v52, v44  }
0x1d3: {  	v42 =	vmul.f32 v42, v32;
	v53 =	vld [tilespmem:s30+$0xCD50];
	[tilespmem:s30+$0x1120] =	vst v43;
	v51 =	vmul.f32 v51, v33;
	v41 =	vadd.f32 v50, v41  }
0x1d4: {  	v40 =	vmul.f32 v40, v32;
	v46 =	vld [tilespmem:s30+$0xCD30];
	v49 =	vmul.f32 v49, v33;
	v35 =	vadd.f32 v45, v35;
	[tilespmem:s30+$0x1130] =	vst v44  }
0x1d5: {  	v39 =	vmul.f32 v39, v32;
	v62 =	vld [tilespmem:s30+$0xC960];
	v48 =	vmul.f32 v48, v33;
	v42 =	vadd.f32 v51, v42;
	[tilespmem:s30+$0x1100] =	vst v41  }
0x1d6: {  	v37 =	vmul.f32 v37, v32;
	v57 =	vld [tilespmem:s30+$0xC540];
	v47 =	vmul.f32 v47, v33;
	v40 =	vadd.f32 v49, v40;
	[tilespmem:s30+$0xD20] =	vst v35  }
0x1d7: {  	v31 =	vmul.f32 v31, v32;
	v58 =	vld [tilespmem:s30+$0xC530];
	v43 =	vmul.f32 v60, v33;
	v39 =	vadd.f32 v48, v39;
	[tilespmem:s30+$0x1110] =	vst v42  }
0x1d8: {  	v38 =	vmul.f32 v38, v32;
	v50 =	vld [tilespmem:s30+$0xC930];
	v63 =	vmul.f32 v53, v33;
	v37 =	vadd.f32 v47, v37;
	[tilespmem:s30+$0xD70] =	vst v40  }
0x1d9: {  	v36 =	vmul.f32 v36, v32;
	v60 =	vld [tilespmem:s30+$0xC510];
	v46 =	vmul.f32 v46, v33;
	v31 =	vadd.f32 v43, v31;
	[tilespmem:s30+$0xD60] =	vst v39  }
0x1da: {  	v34 =	vmul.f32 v34, v32;
	v52 =	vld [tilespmem:s30+$0xC910];
	v44 =	vmul.f32 v59, v33;
	v38 =	vadd.f32 v63, v38;
	[tilespmem:s30+$0xD40] =	vst v37  }
0x1db: {  	v29 =	vmul.f32 v29, v32;
	v45 =	vld [tilespmem:s30+$0x1540];
	v41 =	vmul.f32 v62, v33;
	v36 =	vadd.f32 v46, v36;
	[tilespmem:s30+$0xD00] =	vst v31  }
0x1dc: {  	v21 =	vmul.f32 v21, v32;
	v48 =	vld [tilespmem:s30+$0xC950];
	v62 =	vmul.f32 v55, v33;
	v34 =	vadd.f32 v44, v34;
	[tilespmem:s30+$0xD50] =	vst v38  }
0x1dd: {  	v30 =	vmul.f32 v30, v32;
	v49 =	vld [tilespmem:s30+$0xC940];
	v42 =	vmul.f32 v61, v33;
	v29 =	vadd.f32 v41, v29;
	[tilespmem:s30+$0xD30] =	vst v36  }
0x1de: {  	v16 =	vmul.f32 v16, v32;
	v51 =	vld [tilespmem:s30+$0xC920];
	v21 =	vadd.f32 v62, v21;
	v41 =	vmul.f32 v60, v33;
	[tilespmem:s30+$0xD10] =	vst v34  }
0x1df: {  	v26 =	vmul.f32 v26, v32;
	v53 =	vld [tilespmem:s30+$0xC900];
	v30 =	vadd.f32 v42, v30;
	[tilespmem:s30+$0x960] =	vst v29;
	v38 =	vmul.f32 v50, v33  }
0x1e0: {  	v24 =	vmul.f32 v24, v32;
	v59 =	vld [tilespmem:s30+$0xC520];
	v36 =	vmul.f32 v52, v33;
	[tilespmem:s30+$0x560] =	vst v21;
	v16 =	vadd.f32 v41, v16  }
0x1e1: {  	v22 =	vmul.f32 v22, v32;
	v43 =	vld [tilespmem:s30+$0xD570];
	v34 =	vmul.f32 v54, v33;
	[tilespmem:s30+$0x970] =	vst v30;
	v26 =	vadd.f32 v38, v26  }
0x1e2: {  	v28 =	vmul.f32 v28, v32;
	v61 =	vld [tilespmem:s30+$0xC500];
	v40 =	vmul.f32 v48, v33;
	v24 =	vadd.f32 v36, v24;
	[tilespmem:s30+$0x510] =	vst v16  }
0x1e3: {  	v27 =	vmul.f32 v27, v32;
	v63 =	vld [tilespmem:s30+$0xC170];
	v39 =	vmul.f32 v49, v33;
	v22 =	vadd.f32 v34, v22;
	[tilespmem:s30+$0x930] =	vst v26  }
0x1e4: {  	v25 =	vmul.f32 v25, v32;
	v46 =	vld [tilespmem:s30+$0x1550];
	v37 =	vmul.f32 v51, v33;
	v28 =	vadd.f32 v40, v28;
	[tilespmem:s30+$0x910] =	vst v24  }
0x1e5: {  	v23 =	vmul.f32 v23, v32;
	v50 =	vld [tilespmem:s30+$0xC100];
	v35 =	vmul.f32 v53, v33;
	v27 =	vadd.f32 v39, v27;
	[tilespmem:s30+$0x570] =	vst v22  }
0x1e6: {  	v20 =	vmul.f32 v20, v32;
	v48 =	vld [tilespmem:s30+$0x1560];
	v30 =	vmul.f32 v56, v33;
	v25 =	vadd.f32 v37, v25;
	[tilespmem:s30+$0x950] =	vst v28  }
0x1e7: {  	v19 =	vmul.f32 v19, v32;
	v51 =	vld [tilespmem:s30+$0x100];
	v23 =	vadd.f32 v35, v23;
	v35 =	vmul.f32 v57, v33;
	[tilespmem:s30+$0x940] =	vst v27  }
0x1e8: {  	v18 =	vmul.f32 v18, v32;
	v34 =	vld [tilespmem:s30+$0xC160];
	v37 =	vmul.f32 v58, v33;
	v20 =	vadd.f32 v30, v20;
	[tilespmem:s30+$0x920] =	vst v25  }
0x1e9: {  	v17 =	vmul.f32 v17, v32;
	v36 =	vld [tilespmem:s30+$0xD540];
	v39 =	vmul.f32 v59, v33;
	[tilespmem:s30+$0x900] =	vst v23;
	v19 =	vadd.f32 v35, v19  }
0x1ea: {  	v15 =	vmul.f32 v15, v32;
	v38 =	vld [tilespmem:s30+$0xD550];
	v42 =	vmul.f32 v61, v33;
	v18 =	vadd.f32 v37, v18;
	[tilespmem:s30+$0x550] =	vst v20  }
0x1eb: {  	v14 =	vmul.f32 v14, v32;
	v40 =	vld [tilespmem:s30+$0xD560];
	v44 =	vmul.f32 v63, v33;
	v17 =	vadd.f32 v39, v17;
	[tilespmem:s30+$0x540] =	vst v19  }
0x1ec: {  	v49 =	vld [tilespmem:s30+$0x1570];
	v15 =	vadd.f32 v42, v15;
	v10 =	vmul.f32 v50, v33;
	v61 =	vmul.f32 v51, v32;
	[tilespmem:s30+$0x530] =	vst v18  }
0x1ed: {  	v13 =	vmul.f32 v13, v32;
	v14 =	vadd.f32 v44, v14;
	[tilespmem:s30+$0x520] =	vst v17;
	v47 =	vmul.f32 v34, v33  }
0x1ee: {  	v52 =	vmul.f32 v45, v32;
	[tilespmem:s30+$0x500] =	vst v15;
	v53 =	vmul.f32 v36, v33;
	v63 =	vadd.f32 v10, v61  }
0x1ef: {  	v54 =	vmul.f32 v46, v32;
	[tilespmem:s30+$0x170] =	vst v14;
	v55 =	vmul.f32 v38, v33;
	v13 =	vadd.f32 v47, v13  }
0x1f0: {  	v56 =	vmul.f32 v48, v32;
	v58 =	vmul.f32 v40, v33;
	v57 =	vadd.f32 v53, v52;
	[tilespmem:s30+$0x100] =	vst v63  }
0x1f1: {  	v60 =	vmul.f32 v43, v33;
	v59 =	vmul.f32 v49, v32;
	v3 =	vadd.f32 v55, v54;
	[tilespmem:s30+$0x160] =	vst v13  }
0x1f2: {  	v62 =	vadd.f32 v58, v56;
	[tilespmem:s30+$0x1540] =	vst v57  }
0x1f3: {  	s26 =	sadd.s32 $0x1, s26;
	[tilespmem:s30+$0x1550] =	vst v3;
	v3 =	vadd.f32 v60, v59  }
0x1f4: {  	p0 =	sne.s32 s26, s11;
	[tilespmem:s30+$0x1560] =	vst v62  }
.Ltmp1:
0x1f5: {  	[tilespmem:s30+$0x1570] =	vst v3;
	(pc) =	sbr.rel @p0 .LBB2_1-.Ltmp1, $4  }
0x1f6: {  	[hbm4b:s10+s2] =	stream.linear.scatter [tilespmem:s13], [sflag:$0x3], $0xC000, $0x38;
	[tilespmem:$0x1C100] =	vst v63  }
0x1f7: {  	_ =	swait.ge [sflag:s12], $0xC000  }
0x1f8: {  	[sflag:s12] =	ssyncset.done $0x0  }
0x1f9: {  	[sflag:s12] =	ssyncadd.s32 $0xFFFF4000  }
0x1fa: {  	_ =	sfence.sel $0x180000  }
0x1fb: {  	[bflag:$0x0] =	sbarrier.arrive $0xFFFF  }
0x1fc: {  	_ =	strace $0x90000050  }
0x1fd: {  	s0 =	stileid.u32;
	[bflag:$0x2] =	sbarrier.arrive $0xFFFF  }
0x1fe: {  	p0 =	sne.s32 s0, $0x0;
	s0 =	rddreg [dreg:$0x2]  }
0x1ff: {  	s0 =	sadd.s32 @!p0 $0x100000, s0  }
0x200: {  	[sflag:s0] =	ssyncadd.tile.s32 @!p0 $0x1;
	_ =	shalt  }
.Lfunc_end2:
_tile_overlayer_lowered:
.L_overlay_start_2:
0x201: {  	(tag) =	ssettag $0x2  }
0x202: {  	s0 =	rddreg [dreg:$0x0];
	s2 =	stileid.u32  }
0x203: {  	s1 =	rddreg [dreg:$0x1];
	p0 =	sne.s32 s2, $0x0  }
0x204: {  	s3 =	rddreg [dreg:$0x2];
	[bflag:$0x3] =	sbarrier.arrive $0xFFFF;
	s2 =	simm.s32 @!p0 $0x1C03  }
0x205: {  	[timem:s3], [sflag:s2] =	dma.local @!p0 [hbm:s0], s1  }
0x206: {  	s0 =	simm.s32 @!p0 $0x3  }
0x207: {  	_ =	swait.ge @!p0 [sflag:s0], s1  }
0x208: {  	s1 =	ssub.s32 @!p0 $0x0, s1;
	[sflag:s0] =	ssyncset.done @!p0 $0x0  }
0x209: {  	[sflag:s0] =	ssyncadd.s32 @!p0 s1  }
0x20a: {  	[bflag:$0x3] =	sbarrier.arrive $0xFFFF  }
0x20b: {  	_ =	shalt  }

</sc_bundles>
